<compile_context>
chip_gen: v7x
topology: tpu7x:2x2x1
jax: 0.10.2.dev20260603
libtpu: 0.0.44.dev20260713+nightly
codegen_flags: <defaults>
</compile_context>

<pallas_src>
import functools

import jax
import jax.numpy as jnp
from jax import lax
from jax.experimental import pallas as pl
from jax.experimental.pallas import tpu as pltpu
from jax.experimental.pallas import tpu_sc as plsc

_NC = 2
_NS = 16
_NW = _NC * _NS
_LANE = 16


def _sc_pack(table_i32, V, D):
    dp = D // 2
    rows_w = 3136
    ch = 112
    nck = rows_w // ch
    nk = D // 32

    mesh = plsc.VectorSubcoreMesh(core_axis_name="c", subcore_axis_name="s")

    @functools.partial(
        pl.kernel,
        out_type=jax.ShapeDtypeStruct((V * dp,), jnp.int32),
        mesh=mesh,
        scratch_types=[
            pltpu.VMEM((ch, D), jnp.int32),
            pltpu.VMEM((ch, D), jnp.int32),
            pltpu.VMEM((ch * dp,), jnp.int32),
            pltpu.VMEM((ch * dp,), jnp.int32),
            pltpu.SemaphoreType.DMA,
            pltpu.SemaphoreType.DMA,
            pltpu.SemaphoreType.DMA,
            pltpu.SemaphoreType.DMA,
        ],
    )
    def pack_kernel(tab_hbm, out_hbm, in_a, in_b, out_a, out_b,
                    sem_a, sem_b, osem_a, osem_b):
        wid = lax.axis_index("s") * _NC + lax.axis_index("c")
        base = jnp.minimum(wid * rows_w, V - rows_w)

        def start(buf, sem, c):
            r0 = base + c * ch
            pltpu.async_copy(tab_hbm.at[pl.ds(r0, ch)], buf, sem)

        def drain_in(buf, sem):
            pltpu.make_async_copy(tab_hbm.at[pl.ds(0, ch)], buf, sem).wait()

        def drain_out(out_v, osem):
            pltpu.make_async_copy(
                out_hbm.at[pl.ds(0, ch * dp)], out_v, osem).wait()

        def pack_chunk(buf, out_v, osem, c, first):
            if not first:
                drain_out(out_v, osem)

            def row(r, carry):
                for i in (2 * r, 2 * r + 1):
                    rnd = []
                    for k in range(2 * nk):
                        w = buf[i, pl.ds(_LANE * k, _LANE)]
                        rnd.append(lax.shift_right_logical(
                            w + jnp.int32(0x8000), 16))
                    for k in range(nk):
                        out_v[pl.ds(i * dp + _LANE * k, _LANE)] = (
                            rnd[k] | (rnd[nk + k] << 16))
                return carry

            lax.fori_loop(0, ch // 2, row, 0)
            pltpu.async_copy(
                out_v, out_hbm.at[pl.ds((base + c * ch) * dp, ch * dp)],
                osem)

        start(in_a, sem_a, 0)
        start(in_b, sem_b, 1)
        drain_in(in_a, sem_a)
        pack_chunk(in_a, out_a, osem_a, 0, True)
        start(in_a, sem_a, 2)
        drain_in(in_b, sem_b)
        pack_chunk(in_b, out_b, osem_b, 1, True)

        def body(i, carry):
            c0 = 2 * i + 2
            start(in_b, sem_b, c0 + 1)
            drain_in(in_a, sem_a)
            pack_chunk(in_a, out_a, osem_a, c0, False)

            @pl.when(c0 + 2 < nck)
            def _():
                start(in_a, sem_a, c0 + 2)

            drain_in(in_b, sem_b)
            pack_chunk(in_b, out_b, osem_b, c0 + 1, False)
            return carry

        lax.fori_loop(0, (nck - 2) // 2, body, 0)
        drain_out(out_a, osem_a)
        drain_out(out_b, osem_b)

    return pack_kernel(table_i32)


def _sc_gather_pool(table_packed, idx_flat, B, L, D):
    b_per_w = B // _NW
    n_idx = b_per_w * L
    dp = D // 2
    c0 = min(128, (L // 2 + 7) // 8 * 8)
    c1 = L - c0
    nk = D // 32

    mesh = plsc.VectorSubcoreMesh(core_axis_name="c", subcore_axis_name="s")

    @functools.partial(
        pl.kernel,
        out_type=jax.ShapeDtypeStruct((B, D), jnp.float32),
        mesh=mesh,
        scratch_types=[
            pltpu.VMEM((n_idx,), jnp.int32),
            pltpu.VMEM((c0, dp), jnp.int32),
            pltpu.VMEM((c1, dp), jnp.int32),
            pltpu.VMEM((c0, dp), jnp.int32),
            pltpu.VMEM((c1, dp), jnp.int32),
            pltpu.VMEM((b_per_w, D), jnp.float32),
            pltpu.SemaphoreType.DMA,
            pltpu.SemaphoreType.DMA,
        ],
        compiler_params=pltpu.CompilerParams(use_tc_tiling_on_sc=False),
    )
    def pool_kernel(idx_hbm, table_hbm, out_hbm, idx_v, a0, a1, g0, g1, out_v,
                    sem_a, sem_b):
        wid = lax.axis_index("s") * _NC + lax.axis_index("c")
        base = wid * b_per_w
        pltpu.sync_copy(idx_hbm.at[pl.ds(base * L, n_idx)], idx_v)

        def start(r0, r1, sem, b):
            off = pl.multiple_of(b * L, 8)
            pltpu.async_copy(table_hbm.at[idx_v.at[pl.ds(off, c0)]], r0, sem)
            pltpu.async_copy(
                table_hbm.at[idx_v.at[pl.ds(off + c0, c1)]], r1, sem)

        def drain(r0, r1, sem):
            pltpu.make_async_copy(
                table_hbm.at[idx_v.at[pl.ds(0, c0)]], r0, sem).wait()
            pltpu.make_async_copy(
                table_hbm.at[idx_v.at[pl.ds(0, c1)]], r1, sem).wait()

        def add_row(rbuf, i, acc):
            out = list(acc)
            for k in range(nk):
                w = rbuf[i, pl.ds(_LANE * k, _LANE)]
                lo = lax.bitcast_convert_type(w << 16, jnp.float32)
                hi = lax.bitcast_convert_type(w, jnp.float32)
                out[k] = out[k] + lo
                out[nk + k] = out[nk + k] + hi
            return tuple(out)

        def accum(r0, r1, b):
            def acc0(r, acc):
                i = 4 * r
                for u in range(4):
                    acc = add_row(r0, i + u, acc)
                return acc

            def acc1(r, acc):
                i = 4 * r
                for u in range(4):
                    acc = add_row(r1, i + u, acc)
                return acc

            acc = tuple(jnp.zeros((_LANE,), jnp.float32)
                        for _ in range(2 * nk))
            acc = plsc.parallel_loop(0, c0 // 4, carry=acc)(acc0)
            acc = plsc.parallel_loop(0, c1 // 4, carry=acc)(acc1)
            for k in range(2 * nk):
                out_v[b, pl.ds(_LANE * k, _LANE)] = acc[k]

        start(a0, a1, sem_a, 0)

        def body(i, carry):
            beven = 2 * i
            bodd = beven + 1
            start(g0, g1, sem_b, bodd)
            drain(a0, a1, sem_a)
            accum(a0, a1, beven)

            @pl.when(beven + 2 < b_per_w)
            def _():
                start(a0, a1, sem_a, beven + 2)

            drain(g0, g1, sem_b)
            accum(g0, g1, bodd)
            return carry

        lax.fori_loop(0, b_per_w // 2, body, 0)
        pltpu.sync_copy(out_v, out_hbm.at[pl.ds(base, b_per_w)])

    return pool_kernel(idx_flat, table_packed)


def _tc_head(pooled_sum, W1, b1, W2p, b2p, inv_l):
    B, D = pooled_sum.shape
    bt = 512

    def head_kernel(p_ref, w1_ref, b1_ref, w2_ref, b2_ref, o_ref):
        p = p_ref[...] * inv_l
        h = lax.dot_general(p, w1_ref[...], (((1,), (1,)), ((), ())),
                            preferred_element_type=jnp.float32)
        h = h + b1_ref[...]
        z = lax.dot_general(h, w2_ref[...], (((1,), (1,)), ((), ())),
                            preferred_element_type=jnp.float32)
        z = z + b2_ref[...]
        m = jnp.max(z, axis=1, keepdims=True)
        e = jnp.exp(z - m)
        s = jnp.sum(e, axis=1, keepdims=True)
        o_ref[...] = z - (m + jnp.log(s))

    return pl.pallas_call(
        head_kernel,
        grid=(B // bt,),
        in_specs=[
            pl.BlockSpec((bt, D), lambda i: (i, 0)),
            pl.BlockSpec((D, D), lambda i: (0, 0)),
            pl.BlockSpec((1, D), lambda i: (0, 0)),
            pl.BlockSpec((D, D), lambda i: (0, 0)),
            pl.BlockSpec((1, D), lambda i: (0, 0)),
        ],
        out_specs=pl.BlockSpec((bt, D), lambda i: (i, 0)),
        out_shape=jax.ShapeDtypeStruct((B, D), jnp.float32),
    )(pooled_sum, W1, b1, W2p, b2p)


def kernel(text, text_lengths, table, W1, b1, W2, b2):
    B, L = text.shape
    V, D = table.shape
    C = W2.shape[0]

    idx_flat = text.astype(jnp.int32).reshape(B * L)
    table_i32 = lax.bitcast_convert_type(table, jnp.int32)
    table_packed = _sc_pack(table_i32, V, D).reshape(V, D // 2)
    pooled_sum = _sc_gather_pool(table_packed, idx_flat, B, L, D)
    W1p = W1

    W2p = jnp.zeros((D, D), jnp.float32).at[:C].set(W2)
    b2p = jnp.full((1, D), -1e30, jnp.float32).at[0, :C].set(b2)
    b1r = b1.reshape(1, D)

    out_pad = _tc_head(pooled_sum, W1p, b1r, W2p, b2p, 1.0 / L)
    return out_pad[:, :C]

# --- scband reference (transcript-rebuilt; emitter-appended) ---
"""Pipeline reference for scband-fast-text-2834678415923 (READ-ONLY COPY).

The authoritative reference and input builder live on the scoring server;
editing this copy changes nothing except your own understanding.
"""

import jax, jax.numpy as jnp
import numpy as np


def setup_inputs(seed: int = 0) -> dict:
    key = jax.random.key(seed)
    ks = jax.random.split(key, 8)
    B, L, V, D, C = 4096, 200, 100000, 128, 10
    text = jax.random.randint(ks[0], (B, L), 0, V)
    text_lengths = jax.random.randint(ks[1], (B,), 0, L)
    table = jax.random.normal(ks[2], (V, D), dtype=jnp.float32)
    table = table.at[0].set(0.0)  # padding_idx=0 row zeroed like nn.Embedding
    W1 = jax.random.normal(ks[3], (D, D), dtype=jnp.float32) * (1.0 / np.sqrt(D))
    b1 = jnp.zeros((D,), dtype=jnp.float32)
    W2 = jax.random.normal(ks[4], (C, D), dtype=jnp.float32) * (1.0 / np.sqrt(D))
    b2 = jnp.zeros((C,), dtype=jnp.float32)
    return {"text": text, "text_lengths": text_lengths, "table": table,
            "W1": W1, "b1": b1, "W2": W2, "b2": b2}


def reference(text, text_lengths, table, W1, b1, W2, b2):
    # embedding lookup (gather)
    embedded = jnp.take(table, text, axis=0)          # [B, L, D]
    pooled = embedded.mean(axis=1)                     # [B, D]
    h = pooled @ W1.T + b1                             # fc1
    z = h @ W2.T + b2                                  # fc
    out = z - jax.scipy.special.logsumexp(z, axis=1, keepdims=True)  # log_softmax
    return out

if __name__ == "__main__":
    import jax
    _d = setup_inputs()
    print(jax.jit(kernel)(*tuple(_d.values())))

</pallas_src>

<mosaic_0001>
#map = affine_map<(d0, d1) -> (0)>
#map1 = affine_map<(d0, d1) -> (0, 0)>
module attributes {stable_mosaic.version = 14 : i64} {
  func.func @pool_kernel(%arg0: i32, %arg1: i32, %arg2: memref<819200xi32, #tpu.memory_space<hbm>>, %arg3: memref<100000x64xi32, #tpu.memory_space<hbm>>, %arg4: memref<4096x128xf32, #tpu.memory_space<hbm>>, %arg5: memref<25600xi32, #tpu.memory_space<vmem>>, %arg6: memref<104x64xi32, #tpu.memory_space<vmem>>, %arg7: memref<96x64xi32, #tpu.memory_space<vmem>>, %arg8: memref<104x64xi32, #tpu.memory_space<vmem>>, %arg9: memref<96x64xi32, #tpu.memory_space<vmem>>, %arg10: memref<128x128xf32, #tpu.memory_space<vmem>>, %arg11: memref<!tpu.dma_semaphore, #tpu.memory_space<semaphore_mem>>, %arg12: memref<!tpu.dma_semaphore, #tpu.memory_space<semaphore_mem>>) attributes {dimension_semantics = [#tpu.dimension_semantics<core_parallel>, #tpu.dimension_semantics<subcore_parallel>], iteration_bounds = array<i64: 2, 16>, scalar_prefetch = 0 : i64, scratch_operands = 8 : i64, tpu.core_type = #tpu.core_type<sc_vector_subcore>, window_params = [{transform_indices = #map}, {transform_indices = #map1}, {transform_indices = #map1}]} {
    %mul3A = arith.constant 2 : i32
    %mul3A_0 = arith.muli %arg1, %mul3A : i32
    %add3A = arith.addi %mul3A_0, %arg0 : i32
    %mul3A_1 = arith.constant 128 : i32
    %mul3A_2 = arith.muli %add3A, %mul3A_1 : i32
    %mul3A_3 = arith.constant 200 : i32
    %mul3A_4 = arith.muli %mul3A_2, %mul3A_3 : i32
    "tpu.region"() ({
      %run_scoped3A = tpu.sem_alloc : memref<!tpu.dma_semaphore, #tpu.memory_space<semaphore_mem>>
      %dma_start3A_20 = tpu.memref_slice %arg2[%mul3A_4] : memref<819200xi32, #tpu.memory_space<hbm>> -> memref<25600xi32, #tpu.memory_space<hbm>>
      %dma_start3A_21 = tpu.memref_slice %arg2[%mul3A_4] : memref<819200xi32, #tpu.memory_space<hbm>> -> memref<25600xi32, #tpu.memory_space<hbm>>
      tpu.enqueue_dma source(%dma_start3A_21 : memref<25600xi32, #tpu.memory_space<hbm>>) target(%arg5 : memref<25600xi32, #tpu.memory_space<vmem>>) target_semaphore(%run_scoped3A : memref<!tpu.dma_semaphore, #tpu.memory_space<semaphore_mem>>)
      %dma_wait3A = tpu.memref_slice %arg2[%mul3A_4] : memref<819200xi32, #tpu.memory_space<hbm>> -> memref<25600xi32, #tpu.memory_space<hbm>>
      %dma_wait3A_22 = tpu.memref_slice %arg2[%mul3A_4] : memref<819200xi32, #tpu.memory_space<hbm>> -> memref<25600xi32, #tpu.memory_space<hbm>>
      tpu.wait_dma2 semaphore(%run_scoped3A : memref<!tpu.dma_semaphore, #tpu.memory_space<semaphore_mem>>) src(%dma_wait3A_22 : memref<25600xi32, #tpu.memory_space<hbm>>) dst(%arg5 : memref<25600xi32, #tpu.memory_space<vmem>>)
      tpu.yield
    }) : () -> ()
    %multiple_of3A = arith.constant 0 : i32
    %multiple_of3A_5 = tpu.assume_multiple %multiple_of3A, 8 : i32
    %dma_start3A = tpu.memref_slice %arg5[%multiple_of3A_5] : memref<25600xi32, #tpu.memory_space<vmem>> -> memref<104xi32, #tpu.memory_space<vmem>>
    %dma_start3A_6 = arith.constant 0 : i32
    %dma_start3A_7 = arith.constant 0 : i32
    %dma_start3A_8 = tpu.memref_slice %arg3[%dma_start3A_6, %dma_start3A_7] : memref<100000x64xi32, #tpu.memory_space<hbm>> -> memref<100000x64xi32, #tpu.memory_space<hbm>>
    tpu.enqueue_indirect_dma source(%dma_start3A_8 : memref<100000x64xi32, #tpu.memory_space<hbm>>) target(%arg6 : memref<104x64xi32, #tpu.memory_space<vmem>>) offsets(%dma_start3A : memref<104xi32, #tpu.memory_space<vmem>>) semaphore(%arg11 : memref<!tpu.dma_semaphore, #tpu.memory_space<semaphore_mem>>)
    %add3A_9 = arith.constant 104 : i32
    %add3A_10 = arith.addi %multiple_of3A_5, %add3A_9 : i32
    %dma_start3A_11 = tpu.memref_slice %arg5[%add3A_10] : memref<25600xi32, #tpu.memory_space<vmem>> -> memref<96xi32, #tpu.memory_space<vmem>>
    %dma_start3A_12 = arith.constant 0 : i32
    %dma_start3A_13 = arith.constant 0 : i32
    %dma_start3A_14 = tpu.memref_slice %arg3[%dma_start3A_12, %dma_start3A_13] : memref<100000x64xi32, #tpu.memory_space<hbm>> -> memref<100000x64xi32, #tpu.memory_space<hbm>>
    tpu.enqueue_indirect_dma source(%dma_start3A_14 : memref<100000x64xi32, #tpu.memory_space<hbm>>) target(%arg7 : memref<96x64xi32, #tpu.memory_space<vmem>>) offsets(%dma_start3A_11 : memref<96xi32, #tpu.memory_space<vmem>>) semaphore(%arg11 : memref<!tpu.dma_semaphore, #tpu.memory_space<semaphore_mem>>)
    %scan3A = arith.constant 0 : i32
    %scan3A_15 = arith.constant 0 : i32
    %scan3A_16 = arith.constant 64 : i32
    %scan3A_17 = arith.addi %scan3A_15, %scan3A_16 : i32
    %scan3A_18 = arith.constant 1 : i32
    scf.for %scan3A_20 = %scan3A_15 to %scan3A_17 step %scan3A_18  : i32 {
      %mul3A_21 = arith.constant 2 : i32
      %mul3A_22 = arith.muli %mul3A_21, %scan3A_20 : i32
      %add3A_23 = arith.constant 1 : i32
      %add3A_24 = arith.addi %mul3A_22, %add3A_23 : i32
      %mul3A_25 = arith.constant 200 : i32
      %mul3A_26 = arith.muli %add3A_24, %mul3A_25 : i32
      %multiple_of3A_27 = tpu.assume_multiple %mul3A_26, 8 : i32
      %dma_start3A_28 = tpu.memref_slice %arg5[%multiple_of3A_27] : memref<25600xi32, #tpu.memory_space<vmem>> -> memref<104xi32, #tpu.memory_space<vmem>>
      %dma_start3A_29 = arith.constant 0 : i32
      %dma_start3A_30 = arith.constant 0 : i32
      %dma_start3A_31 = tpu.memref_slice %arg3[%dma_start3A_29, %dma_start3A_30] : memref<100000x64xi32, #tpu.memory_space<hbm>> -> memref<100000x64xi32, #tpu.memory_space<hbm>>
      tpu.enqueue_indirect_dma source(%dma_start3A_31 : memref<100000x64xi32, #tpu.memory_space<hbm>>) target(%arg8 : memref<104x64xi32, #tpu.memory_space<vmem>>) offsets(%dma_start3A_28 : memref<104xi32, #tpu.memory_space<vmem>>) semaphore(%arg12 : memref<!tpu.dma_semaphore, #tpu.memory_space<semaphore_mem>>)
      %add3A_32 = arith.constant 104 : i32
      %add3A_33 = arith.addi %multiple_of3A_27, %add3A_32 : i32
      %dma_start3A_34 = tpu.memref_slice %arg5[%add3A_33] : memref<25600xi32, #tpu.memory_space<vmem>> -> memref<96xi32, #tpu.memory_space<vmem>>
      %dma_start3A_35 = arith.constant 0 : i32
      %dma_start3A_36 = arith.constant 0 : i32
      %dma_start3A_37 = tpu.memref_slice %arg3[%dma_start3A_35, %dma_start3A_36] : memref<100000x64xi32, #tpu.memory_space<hbm>> -> memref<100000x64xi32, #tpu.memory_space<hbm>>
      tpu.enqueue_indirect_dma source(%dma_start3A_37 : memref<100000x64xi32, #tpu.memory_space<hbm>>) target(%arg9 : memref<96x64xi32, #tpu.memory_space<vmem>>) offsets(%dma_start3A_34 : memref<96xi32, #tpu.memory_space<vmem>>) semaphore(%arg12 : memref<!tpu.dma_semaphore, #tpu.memory_space<semaphore_mem>>)
      %dma_wait3A = arith.constant 0 : i32
      %dma_wait3A_38 = tpu.memref_slice %arg5[%dma_wait3A] : memref<25600xi32, #tpu.memory_space<vmem>> -> memref<104xi32, #tpu.memory_space<vmem>>
      %dma_wait3A_39 = arith.constant 0 : i32
      %dma_wait3A_40 = arith.constant 0 : i32
      %dma_wait3A_41 = tpu.memref_slice %arg3[%dma_wait3A_39, %dma_wait3A_40] : memref<100000x64xi32, #tpu.memory_space<hbm>> -> memref<100000x64xi32, #tpu.memory_space<hbm>>
      tpu.wait_indirect_dma semaphore(%arg11 : memref<!tpu.dma_semaphore, #tpu.memory_space<semaphore_mem>>) src(%dma_wait3A_41 : memref<100000x64xi32, #tpu.memory_space<hbm>>) dst(%arg6 : memref<104x64xi32, #tpu.memory_space<vmem>>)
      %dma_wait3A_42 = arith.constant 0 : i32
      %dma_wait3A_43 = tpu.memref_slice %arg5[%dma_wait3A_42] : memref<25600xi32, #tpu.memory_space<vmem>> -> memref<96xi32, #tpu.memory_space<vmem>>
      %dma_wait3A_44 = arith.constant 0 : i32
      %dma_wait3A_45 = arith.constant 0 : i32
      %dma_wait3A_46 = tpu.memref_slice %arg3[%dma_wait3A_44, %dma_wait3A_45] : memref<100000x64xi32, #tpu.memory_space<hbm>> -> memref<100000x64xi32, #tpu.memory_space<hbm>>
      tpu.wait_indirect_dma semaphore(%arg11 : memref<!tpu.dma_semaphore, #tpu.memory_space<semaphore_mem>>) src(%dma_wait3A_46 : memref<100000x64xi32, #tpu.memory_space<hbm>>) dst(%arg7 : memref<96x64xi32, #tpu.memory_space<vmem>>)
      %broadcast_in_dim3A = arith.constant 0.000000e+00 : f32
      %broadcast_in_dim3A_47 = vector.broadcast %broadcast_in_dim3A : f32 to vector<16xf32>
      %broadcast_in_dim3A_48 = arith.constant 0.000000e+00 : f32
      %broadcast_in_dim3A_49 = vector.broadcast %broadcast_in_dim3A_48 : f32 to vector<16xf32>
      %broadcast_in_dim3A_50 = arith.constant 0.000000e+00 : f32
      %broadcast_in_dim3A_51 = vector.broadcast %broadcast_in_dim3A_50 : f32 to vector<16xf32>
      %broadcast_in_dim3A_52 = arith.constant 0.000000e+00 : f32
      %broadcast_in_dim3A_53 = vector.broadcast %broadcast_in_dim3A_52 : f32 to vector<16xf32>
      %broadcast_in_dim3A_54 = arith.constant 0.000000e+00 : f32
      %broadcast_in_dim3A_55 = vector.broadcast %broadcast_in_dim3A_54 : f32 to vector<16xf32>
      %broadcast_in_dim3A_56 = arith.constant 0.000000e+00 : f32
      %broadcast_in_dim3A_57 = vector.broadcast %broadcast_in_dim3A_56 : f32 to vector<16xf32>
      %broadcast_in_dim3A_58 = arith.constant 0.000000e+00 : f32
      %broadcast_in_dim3A_59 = vector.broadcast %broadcast_in_dim3A_58 : f32 to vector<16xf32>
      %broadcast_in_dim3A_60 = arith.constant 0.000000e+00 : f32
      %broadcast_in_dim3A_61 = vector.broadcast %broadcast_in_dim3A_60 : f32 to vector<16xf32>
      %parallel_loop3A = arith.constant 0 : i32
      %parallel_loop3A_62 = arith.constant 26 : i32
      %parallel_loop3A_63 = arith.constant 1 : i32
      %parallel_loop3A_64:8 = scf.for %parallel_loop3A_186 = %parallel_loop3A to %parallel_loop3A_62 step %parallel_loop3A_63 iter_args(%parallel_loop3A_187 = %broadcast_in_dim3A_47, %parallel_loop3A_188 = %broadcast_in_dim3A_49, %parallel_loop3A_189 = %broadcast_in_dim3A_51, %parallel_loop3A_190 = %broadcast_in_dim3A_53, %parallel_loop3A_191 = %broadcast_in_dim3A_55, %parallel_loop3A_192 = %broadcast_in_dim3A_57, %parallel_loop3A_193 = %broadcast_in_dim3A_59, %parallel_loop3A_194 = %broadcast_in_dim3A_61) -> (vector<16xf32>, vector<16xf32>, vector<16xf32>, vector<16xf32>, vector<16xf32>, vector<16xf32>, vector<16xf32>, vector<16xf32>)  : i32 {
        %parallel_loop3A_195 = arith.constant 4 : i32
        %parallel_loop3A_196 = arith.muli %parallel_loop3A_195, %parallel_loop3A_186 : i32
        %parallel_loop3A_197 = arith.constant 0 : i32
        %parallel_loop3A_198 = arith.addi %parallel_loop3A_196, %parallel_loop3A_197 : i32
        %parallel_loop3A_199 = arith.index_cast %parallel_loop3A_198 : i32 to index
        %parallel_loop3A_200 = arith.constant 0 : index
        %parallel_loop3A_201 = tpu.vector_load %arg6[%parallel_loop3A_199, %parallel_loop3A_200] {strides = array<i32>} : memref<104x64xi32, #tpu.memory_space<vmem>>, vector<1x16xi32>,
        %parallel_loop3A_202 = vector.shape_cast %parallel_loop3A_201 : vector<1x16xi32> to vector<16xi32>
        %parallel_loop3A_203 = arith.constant 16 : i32
        %parallel_loop3A_204 = vector.broadcast %parallel_loop3A_203 : i32 to vector<16xi32>
        %parallel_loop3A_205 = arith.shli %parallel_loop3A_202, %parallel_loop3A_204 : vector<16xi32>
        %parallel_loop3A_206 = tpu.bitcast %parallel_loop3A_205 : vector<16xi32> -> vector<16xf32>
        %parallel_loop3A_207 = tpu.bitcast %parallel_loop3A_202 : vector<16xi32> -> vector<16xf32>
        %parallel_loop3A_208 = arith.addf %parallel_loop3A_187, %parallel_loop3A_206 : vector<16xf32>
        %parallel_loop3A_209 = arith.addf %parallel_loop3A_191, %parallel_loop3A_207 : vector<16xf32>
        %parallel_loop3A_210 = arith.index_cast %parallel_loop3A_198 : i32 to index
        %parallel_loop3A_211 = arith.constant 16 : index
        %parallel_loop3A_212 = tpu.vector_load %arg6[%parallel_loop3A_210, %parallel_loop3A_211] {strides = array<i32>} : memref<104x64xi32, #tpu.memory_space<vmem>>, vector<1x16xi32>,
        %parallel_loop3A_213 = vector.shape_cast %parallel_loop3A_212 : vector<1x16xi32> to vector<16xi32>
        %parallel_loop3A_214 = arith.constant 16 : i32
        %parallel_loop3A_215 = vector.broadcast %parallel_loop3A_214 : i32 to vector<16xi32>
        %parallel_loop3A_216 = arith.shli %parallel_loop3A_213, %parallel_loop3A_215 : vector<16xi32>
        %parallel_loop3A_217 = tpu.bitcast %parallel_loop3A_216 : vector<16xi32> -> vector<16xf32>
        %parallel_loop3A_218 = tpu.bitcast %parallel_loop3A_213 : vector<16xi32> -> vector<16xf32>
        %parallel_loop3A_219 = arith.addf %parallel_loop3A_188, %parallel_loop3A_217 : vector<16xf32>
        %parallel_loop3A_220 = arith.addf %parallel_loop3A_192, %parallel_loop3A_218 : vector<16xf32>
        %parallel_loop3A_221 = arith.index_cast %parallel_loop3A_198 : i32 to index
        %parallel_loop3A_222 = arith.constant 32 : index
        %parallel_loop3A_223 = tpu.vector_load %arg6[%parallel_loop3A_221, %parallel_loop3A_222] {strides = array<i32>} : memref<104x64xi32, #tpu.memory_space<vmem>>, vector<1x16xi32>,
        %parallel_loop3A_224 = vector.shape_cast %parallel_loop3A_223 : vector<1x16xi32> to vector<16xi32>
        %parallel_loop3A_225 = arith.constant 16 : i32
        %parallel_loop3A_226 = vector.broadcast %parallel_loop3A_225 : i32 to vector<16xi32>
        %parallel_loop3A_227 = arith.shli %parallel_loop3A_224, %parallel_loop3A_226 : vector<16xi32>
        %parallel_loop3A_228 = tpu.bitcast %parallel_loop3A_227 : vector<16xi32> -> vector<16xf32>
        %parallel_loop3A_229 = tpu.bitcast %parallel_loop3A_224 : vector<16xi32> -> vector<16xf32>
        %parallel_loop3A_230 = arith.addf %parallel_loop3A_189, %parallel_loop3A_228 : vector<16xf32>
        %parallel_loop3A_231 = arith.addf %parallel_loop3A_193, %parallel_loop3A_229 : vector<16xf32>
        %parallel_loop3A_232 = arith.index_cast %parallel_loop3A_198 : i32 to index
        %parallel_loop3A_233 = arith.constant 48 : index
        %parallel_loop3A_234 = tpu.vector_load %arg6[%parallel_loop3A_232, %parallel_loop3A_233] {strides = array<i32>} : memref<104x64xi32, #tpu.memory_space<vmem>>, vector<1x16xi32>,
        %parallel_loop3A_235 = vector.shape_cast %parallel_loop3A_234 : vector<1x16xi32> to vector<16xi32>
        %parallel_loop3A_236 = arith.constant 16 : i32
        %parallel_loop3A_237 = vector.broadcast %parallel_loop3A_236 : i32 to vector<16xi32>
        %parallel_loop3A_238 = arith.shli %parallel_loop3A_235, %parallel_loop3A_237 : vector<16xi32>
        %parallel_loop3A_239 = tpu.bitcast %parallel_loop3A_238 : vector<16xi32> -> vector<16xf32>
        %parallel_loop3A_240 = tpu.bitcast %parallel_loop3A_235 : vector<16xi32> -> vector<16xf32>
        %parallel_loop3A_241 = arith.addf %parallel_loop3A_190, %parallel_loop3A_239 : vector<16xf32>
        %parallel_loop3A_242 = arith.addf %parallel_loop3A_194, %parallel_loop3A_240 : vector<16xf32>
        %parallel_loop3A_243 = arith.constant 1 : i32
        %parallel_loop3A_244 = arith.addi %parallel_loop3A_196, %parallel_loop3A_243 : i32
        %parallel_loop3A_245 = arith.index_cast %parallel_loop3A_244 : i32 to index
        %parallel_loop3A_246 = arith.constant 0 : index
        %parallel_loop3A_247 = tpu.vector_load %arg6[%parallel_loop3A_245, %parallel_loop3A_246] {strides = array<i32>} : memref<104x64xi32, #tpu.memory_space<vmem>>, vector<1x16xi32>,
        %parallel_loop3A_248 = vector.shape_cast %parallel_loop3A_247 : vector<1x16xi32> to vector<16xi32>
        %parallel_loop3A_249 = arith.constant 16 : i32
        %parallel_loop3A_250 = vector.broadcast %parallel_loop3A_249 : i32 to vector<16xi32>
        %parallel_loop3A_251 = arith.shli %parallel_loop3A_248, %parallel_loop3A_250 : vector<16xi32>
        %parallel_loop3A_252 = tpu.bitcast %parallel_loop3A_251 : vector<16xi32> -> vector<16xf32>
        %parallel_loop3A_253 = tpu.bitcast %parallel_loop3A_248 : vector<16xi32> -> vector<16xf32>
        %parallel_loop3A_254 = arith.addf %parallel_loop3A_208, %parallel_loop3A_252 : vector<16xf32>
        %parallel_loop3A_255 = arith.addf %parallel_loop3A_209, %parallel_loop3A_253 : vector<16xf32>
        %parallel_loop3A_256 = arith.index_cast %parallel_loop3A_244 : i32 to index
        %parallel_loop3A_257 = arith.constant 16 : index
        %parallel_loop3A_258 = tpu.vector_load %arg6[%parallel_loop3A_256, %parallel_loop3A_257] {strides = array<i32>} : memref<104x64xi32, #tpu.memory_space<vmem>>, vector<1x16xi32>,
        %parallel_loop3A_259 = vector.shape_cast %parallel_loop3A_258 : vector<1x16xi32> to vector<16xi32>
        %parallel_loop3A_260 = arith.constant 16 : i32
        %parallel_loop3A_261 = vector.broadcast %parallel_loop3A_260 : i32 to vector<16xi32>
        %parallel_loop3A_262 = arith.shli %parallel_loop3A_259, %parallel_loop3A_261 : vector<16xi32>
        %parallel_loop3A_263 = tpu.bitcast %parallel_loop3A_262 : vector<16xi32> -> vector<16xf32>
        %parallel_loop3A_264 = tpu.bitcast %parallel_loop3A_259 : vector<16xi32> -> vector<16xf32>
        %parallel_loop3A_265 = arith.addf %parallel_loop3A_219, %parallel_loop3A_263 : vector<16xf32>
        %parallel_loop3A_266 = arith.addf %parallel_loop3A_220, %parallel_loop3A_264 : vector<16xf32>
        %parallel_loop3A_267 = arith.index_cast %parallel_loop3A_244 : i32 to index
        %parallel_loop3A_268 = arith.constant 32 : index
        %parallel_loop3A_269 = tpu.vector_load %arg6[%parallel_loop3A_267, %parallel_loop3A_268] {strides = array<i32>} : memref<104x64xi32, #tpu.memory_space<vmem>>, vector<1x16xi32>,
        %parallel_loop3A_270 = vector.shape_cast %parallel_loop3A_269 : vector<1x16xi32> to vector<16xi32>
        %parallel_loop3A_271 = arith.constant 16 : i32
        %parallel_loop3A_272 = vector.broadcast %parallel_loop3A_271 : i32 to vector<16xi32>
        %parallel_loop3A_273 = arith.shli %parallel_loop3A_270, %parallel_loop3A_272 : vector<16xi32>
        %parallel_loop3A_274 = tpu.bitcast %parallel_loop3A_273 : vector<16xi32> -> vector<16xf32>
        %parallel_loop3A_275 = tpu.bitcast %parallel_loop3A_270 : vector<16xi32> -> vector<16xf32>
        %parallel_loop3A_276 = arith.addf %parallel_loop3A_230, %parallel_loop3A_274 : vector<16xf32>
        %parallel_loop3A_277 = arith.addf %parallel_loop3A_231, %parallel_loop3A_275 : vector<16xf32>
        %parallel_loop3A_278 = arith.index_cast %parallel_loop3A_244 : i32 to index
        %parallel_loop3A_279 = arith.constant 48 : index
        %parallel_loop3A_280 = tpu.vector_load %arg6[%parallel_loop3A_278, %parallel_loop3A_279] {strides = array<i32>} : memref<104x64xi32, #tpu.memory_space<vmem>>, vector<1x16xi32>,
        %parallel_loop3A_281 = vector.shape_cast %parallel_loop3A_280 : vector<1x16xi32> to vector<16xi32>
        %parallel_loop3A_282 = arith.constant 16 : i32
        %parallel_loop3A_283 = vector.broadcast %parallel_loop3A_282 : i32 to vector<16xi32>
        %parallel_loop3A_284 = arith.shli %parallel_loop3A_281, %parallel_loop3A_283 : vector<16xi32>
        %parallel_loop3A_285 = tpu.bitcast %parallel_loop3A_284 : vector<16xi32> -> vector<16xf32>
        %parallel_loop3A_286 = tpu.bitcast %parallel_loop3A_281 : vector<16xi32> -> vector<16xf32>
        %parallel_loop3A_287 = arith.addf %parallel_loop3A_241, %parallel_loop3A_285 : vector<16xf32>
        %parallel_loop3A_288 = arith.addf %parallel_loop3A_242, %parallel_loop3A_286 : vector<16xf32>
        %parallel_loop3A_289 = arith.constant 2 : i32
        %parallel_loop3A_290 = arith.addi %parallel_loop3A_196, %parallel_loop3A_289 : i32
        %parallel_loop3A_291 = arith.index_cast %parallel_loop3A_290 : i32 to index
        %parallel_loop3A_292 = arith.constant 0 : index
        %parallel_loop3A_293 = tpu.vector_load %arg6[%parallel_loop3A_291, %parallel_loop3A_292] {strides = array<i32>} : memref<104x64xi32, #tpu.memory_space<vmem>>, vector<1x16xi32>,
        %parallel_loop3A_294 = vector.shape_cast %parallel_loop3A_293 : vector<1x16xi32> to vector<16xi32>
        %parallel_loop3A_295 = arith.constant 16 : i32
        %parallel_loop3A_296 = vector.broadcast %parallel_loop3A_295 : i32 to vector<16xi32>
        %parallel_loop3A_297 = arith.shli %parallel_loop3A_294, %parallel_loop3A_296 : vector<16xi32>
        %parallel_loop3A_298 = tpu.bitcast %parallel_loop3A_297 : vector<16xi32> -> vector<16xf32>
        %parallel_loop3A_299 = tpu.bitcast %parallel_loop3A_294 : vector<16xi32> -> vector<16xf32>
        %parallel_loop3A_300 = arith.addf %parallel_loop3A_254, %parallel_loop3A_298 : vector<16xf32>
        %parallel_loop3A_301 = arith.addf %parallel_loop3A_255, %parallel_loop3A_299 : vector<16xf32>
        %parallel_loop3A_302 = arith.index_cast %parallel_loop3A_290 : i32 to index
        %parallel_loop3A_303 = arith.constant 16 : index
        %parallel_loop3A_304 = tpu.vector_load %arg6[%parallel_loop3A_302, %parallel_loop3A_303] {strides = array<i32>} : memref<104x64xi32, #tpu.memory_space<vmem>>, vector<1x16xi32>,
        %parallel_loop3A_305 = vector.shape_cast %parallel_loop3A_304 : vector<1x16xi32> to vector<16xi32>
        %parallel_loop3A_306 = arith.constant 16 : i32
        %parallel_loop3A_307 = vector.broadcast %parallel_loop3A_306 : i32 to vector<16xi32>
        %parallel_loop3A_308 = arith.shli %parallel_loop3A_305, %parallel_loop3A_307 : vector<16xi32>
        %parallel_loop3A_309 = tpu.bitcast %parallel_loop3A_308 : vector<16xi32> -> vector<16xf32>
        %parallel_loop3A_310 = tpu.bitcast %parallel_loop3A_305 : vector<16xi32> -> vector<16xf32>
        %parallel_loop3A_311 = arith.addf %parallel_loop3A_265, %parallel_loop3A_309 : vector<16xf32>
        %parallel_loop3A_312 = arith.addf %parallel_loop3A_266, %parallel_loop3A_310 : vector<16xf32>
        %parallel_loop3A_313 = arith.index_cast %parallel_loop3A_290 : i32 to index
        %parallel_loop3A_314 = arith.constant 32 : index
        %parallel_loop3A_315 = tpu.vector_load %arg6[%parallel_loop3A_313, %parallel_loop3A_314] {strides = array<i32>} : memref<104x64xi32, #tpu.memory_space<vmem>>, vector<1x16xi32>,
        %parallel_loop3A_316 = vector.shape_cast %parallel_loop3A_315 : vector<1x16xi32> to vector<16xi32>
        %parallel_loop3A_317 = arith.constant 16 : i32
        %parallel_loop3A_318 = vector.broadcast %parallel_loop3A_317 : i32 to vector<16xi32>
        %parallel_loop3A_319 = arith.shli %parallel_loop3A_316, %parallel_loop3A_318 : vector<16xi32>
        %parallel_loop3A_320 = tpu.bitcast %parallel_loop3A_319 : vector<16xi32> -> vector<16xf32>
        %parallel_loop3A_321 = tpu.bitcast %parallel_loop3A_316 : vector<16xi32> -> vector<16xf32>
        %parallel_loop3A_322 = arith.addf %parallel_loop3A_276, %parallel_loop3A_320 : vector<16xf32>
        %parallel_loop3A_323 = arith.addf %parallel_loop3A_277, %parallel_loop3A_321 : vector<16xf32>
        %parallel_loop3A_324 = arith.index_cast %parallel_loop3A_290 : i32 to index
        %parallel_loop3A_325 = arith.constant 48 : index
        %parallel_loop3A_326 = tpu.vector_load %arg6[%parallel_loop3A_324, %parallel_loop3A_325] {strides = array<i32>} : memref<104x64xi32, #tpu.memory_space<vmem>>, vector<1x16xi32>,
        %parallel_loop3A_327 = vector.shape_cast %parallel_loop3A_326 : vector<1x16xi32> to vector<16xi32>
        %parallel_loop3A_328 = arith.constant 16 : i32
        %parallel_loop3A_329 = vector.broadcast %parallel_loop3A_328 : i32 to vector<16xi32>
        %parallel_loop3A_330 = arith.shli %parallel_loop3A_327, %parallel_loop3A_329 : vector<16xi32>
        %parallel_loop3A_331 = tpu.bitcast %parallel_loop3A_330 : vector<16xi32> -> vector<16xf32>
        %parallel_loop3A_332 = tpu.bitcast %parallel_loop3A_327 : vector<16xi32> -> vector<16xf32>
        %parallel_loop3A_333 = arith.addf %parallel_loop3A_287, %parallel_loop3A_331 : vector<16xf32>
        %parallel_loop3A_334 = arith.addf %parallel_loop3A_288, %parallel_loop3A_332 : vector<16xf32>
        %parallel_loop3A_335 = arith.constant 3 : i32
        %parallel_loop3A_336 = arith.addi %parallel_loop3A_196, %parallel_loop3A_335 : i32
        %parallel_loop3A_337 = arith.index_cast %parallel_loop3A_336 : i32 to index
        %parallel_loop3A_338 = arith.constant 0 : index
        %parallel_loop3A_339 = tpu.vector_load %arg6[%parallel_loop3A_337, %parallel_loop3A_338] {strides = array<i32>} : memref<104x64xi32, #tpu.memory_space<vmem>>, vector<1x16xi32>,
        %parallel_loop3A_340 = vector.shape_cast %parallel_loop3A_339 : vector<1x16xi32> to vector<16xi32>
        %parallel_loop3A_341 = arith.constant 16 : i32
        %parallel_loop3A_342 = vector.broadcast %parallel_loop3A_341 : i32 to vector<16xi32>
        %parallel_loop3A_343 = arith.shli %parallel_loop3A_340, %parallel_loop3A_342 : vector<16xi32>
        %parallel_loop3A_344 = tpu.bitcast %parallel_loop3A_343 : vector<16xi32> -> vector<16xf32>
        %parallel_loop3A_345 = tpu.bitcast %parallel_loop3A_340 : vector<16xi32> -> vector<16xf32>
        %parallel_loop3A_346 = arith.addf %parallel_loop3A_300, %parallel_loop3A_344 : vector<16xf32>
        %parallel_loop3A_347 = arith.addf %parallel_loop3A_301, %parallel_loop3A_345 : vector<16xf32>
        %parallel_loop3A_348 = arith.index_cast %parallel_loop3A_336 : i32 to index
        %parallel_loop3A_349 = arith.constant 16 : index
        %parallel_loop3A_350 = tpu.vector_load %arg6[%parallel_loop3A_348, %parallel_loop3A_349] {strides = array<i32>} : memref<104x64xi32, #tpu.memory_space<vmem>>, vector<1x16xi32>,
        %parallel_loop3A_351 = vector.shape_cast %parallel_loop3A_350 : vector<1x16xi32> to vector<16xi32>
        %parallel_loop3A_352 = arith.constant 16 : i32
        %parallel_loop3A_353 = vector.broadcast %parallel_loop3A_352 : i32 to vector<16xi32>
        %parallel_loop3A_354 = arith.shli %parallel_loop3A_351, %parallel_loop3A_353 : vector<16xi32>
        %parallel_loop3A_355 = tpu.bitcast %parallel_loop3A_354 : vector<16xi32> -> vector<16xf32>
        %parallel_loop3A_356 = tpu.bitcast %parallel_loop3A_351 : vector<16xi32> -> vector<16xf32>
        %parallel_loop3A_357 = arith.addf %parallel_loop3A_311, %parallel_loop3A_355 : vector<16xf32>
        %parallel_loop3A_358 = arith.addf %parallel_loop3A_312, %parallel_loop3A_356 : vector<16xf32>
        %parallel_loop3A_359 = arith.index_cast %parallel_loop3A_336 : i32 to index
        %parallel_loop3A_360 = arith.constant 32 : index
        %parallel_loop3A_361 = tpu.vector_load %arg6[%parallel_loop3A_359, %parallel_loop3A_360] {strides = array<i32>} : memref<104x64xi32, #tpu.memory_space<vmem>>, vector<1x16xi32>,
        %parallel_loop3A_362 = vector.shape_cast %parallel_loop3A_361 : vector<1x16xi32> to vector<16xi32>
        %parallel_loop3A_363 = arith.constant 16 : i32
        %parallel_loop3A_364 = vector.broadcast %parallel_loop3A_363 : i32 to vector<16xi32>
        %parallel_loop3A_365 = arith.shli %parallel_loop3A_362, %parallel_loop3A_364 : vector<16xi32>
        %parallel_loop3A_366 = tpu.bitcast %parallel_loop3A_365 : vector<16xi32> -> vector<16xf32>
        %parallel_loop3A_367 = tpu.bitcast %parallel_loop3A_362 : vector<16xi32> -> vector<16xf32>
        %parallel_loop3A_368 = arith.addf %parallel_loop3A_322, %parallel_loop3A_366 : vector<16xf32>
        %parallel_loop3A_369 = arith.addf %parallel_loop3A_323, %parallel_loop3A_367 : vector<16xf32>
        %parallel_loop3A_370 = arith.index_cast %parallel_loop3A_336 : i32 to index
        %parallel_loop3A_371 = arith.constant 48 : index
        %parallel_loop3A_372 = tpu.vector_load %arg6[%parallel_loop3A_370, %parallel_loop3A_371] {strides = array<i32>} : memref<104x64xi32, #tpu.memory_space<vmem>>, vector<1x16xi32>,
        %parallel_loop3A_373 = vector.shape_cast %parallel_loop3A_372 : vector<1x16xi32> to vector<16xi32>
        %parallel_loop3A_374 = arith.constant 16 : i32
        %parallel_loop3A_375 = vector.broadcast %parallel_loop3A_374 : i32 to vector<16xi32>
        %parallel_loop3A_376 = arith.shli %parallel_loop3A_373, %parallel_loop3A_375 : vector<16xi32>
        %parallel_loop3A_377 = tpu.bitcast %parallel_loop3A_376 : vector<16xi32> -> vector<16xf32>
        %parallel_loop3A_378 = tpu.bitcast %parallel_loop3A_373 : vector<16xi32> -> vector<16xf32>
        %parallel_loop3A_379 = arith.addf %parallel_loop3A_333, %parallel_loop3A_377 : vector<16xf32>
        %parallel_loop3A_380 = arith.addf %parallel_loop3A_334, %parallel_loop3A_378 : vector<16xf32>
        scf.yield %parallel_loop3A_346, %parallel_loop3A_357, %parallel_loop3A_368, %parallel_loop3A_379, %parallel_loop3A_347, %parallel_loop3A_358, %parallel_loop3A_369, %parallel_loop3A_380 : vector<16xf32>, vector<16xf32>, vector<16xf32>, vector<16xf32>, vector<16xf32>, vector<16xf32>, vector<16xf32>, vector<16xf32>
      } {sc.loop_unroll_factor = 1 : i64, sc.parallel_access}
      %parallel_loop3A_65 = arith.constant 0 : i32
      %parallel_loop3A_66 = arith.constant 24 : i32
      %parallel_loop3A_67 = arith.constant 1 : i32
      %parallel_loop3A_68:8 = scf.for %parallel_loop3A_186 = %parallel_loop3A_65 to %parallel_loop3A_66 step %parallel_loop3A_67 iter_args(%parallel_loop3A_187 = %parallel_loop3A_64#0, %parallel_loop3A_188 = %parallel_loop3A_64#1, %parallel_loop3A_189 = %parallel_loop3A_64#2, %parallel_loop3A_190 = %parallel_loop3A_64#3, %parallel_loop3A_191 = %parallel_loop3A_64#4, %parallel_loop3A_192 = %parallel_loop3A_64#5, %parallel_loop3A_193 = %parallel_loop3A_64#6, %parallel_loop3A_194 = %parallel_loop3A_64#7) -> (vector<16xf32>, vector<16xf32>, vector<16xf32>, vector<16xf32>, vector<16xf32>, vector<16xf32>, vector<16xf32>, vector<16xf32>)  : i32 {
        %parallel_loop3A_195 = arith.constant 4 : i32
        %parallel_loop3A_196 = arith.muli %parallel_loop3A_195, %parallel_loop3A_186 : i32
        %parallel_loop3A_197 = arith.constant 0 : i32
        %parallel_loop3A_198 = arith.addi %parallel_loop3A_196, %parallel_loop3A_197 : i32
        %parallel_loop3A_199 = arith.index_cast %parallel_loop3A_198 : i32 to index
        %parallel_loop3A_200 = arith.constant 0 : index
        %parallel_loop3A_201 = tpu.vector_load %arg7[%parallel_loop3A_199, %parallel_loop3A_200] {strides = array<i32>} : memref<96x64xi32, #tpu.memory_space<vmem>>, vector<1x16xi32>,
        %parallel_loop3A_202 = vector.shape_cast %parallel_loop3A_201 : vector<1x16xi32> to vector<16xi32>
        %parallel_loop3A_203 = arith.constant 16 : i32
        %parallel_loop3A_204 = vector.broadcast %parallel_loop3A_203 : i32 to vector<16xi32>
        %parallel_loop3A_205 = arith.shli %parallel_loop3A_202, %parallel_loop3A_204 : vector<16xi32>
        %parallel_loop3A_206 = tpu.bitcast %parallel_loop3A_205 : vector<16xi32> -> vector<16xf32>
        %parallel_loop3A_207 = tpu.bitcast %parallel_loop3A_202 : vector<16xi32> -> vector<16xf32>
        %parallel_loop3A_208 = arith.addf %parallel_loop3A_187, %parallel_loop3A_206 : vector<16xf32>
        %parallel_loop3A_209 = arith.addf %parallel_loop3A_191, %parallel_loop3A_207 : vector<16xf32>
        %parallel_loop3A_210 = arith.index_cast %parallel_loop3A_198 : i32 to index
        %parallel_loop3A_211 = arith.constant 16 : index
        %parallel_loop3A_212 = tpu.vector_load %arg7[%parallel_loop3A_210, %parallel_loop3A_211] {strides = array<i32>} : memref<96x64xi32, #tpu.memory_space<vmem>>, vector<1x16xi32>,
        %parallel_loop3A_213 = vector.shape_cast %parallel_loop3A_212 : vector<1x16xi32> to vector<16xi32>
        %parallel_loop3A_214 = arith.constant 16 : i32
        %parallel_loop3A_215 = vector.broadcast %parallel_loop3A_214 : i32 to vector<16xi32>
        %parallel_loop3A_216 = arith.shli %parallel_loop3A_213, %parallel_loop3A_215 : vector<16xi32>
        %parallel_loop3A_217 = tpu.bitcast %parallel_loop3A_216 : vector<16xi32> -> vector<16xf32>
        %parallel_loop3A_218 = tpu.bitcast %parallel_loop3A_213 : vector<16xi32> -> vector<16xf32>
        %parallel_loop3A_219 = arith.addf %parallel_loop3A_188, %parallel_loop3A_217 : vector<16xf32>
        %parallel_loop3A_220 = arith.addf %parallel_loop3A_192, %parallel_loop3A_218 : vector<16xf32>
        %parallel_loop3A_221 = arith.index_cast %parallel_loop3A_198 : i32 to index
        %parallel_loop3A_222 = arith.constant 32 : index
        %parallel_loop3A_223 = tpu.vector_load %arg7[%parallel_loop3A_221, %parallel_loop3A_222] {strides = array<i32>} : memref<96x64xi32, #tpu.memory_space<vmem>>, vector<1x16xi32>,
        %parallel_loop3A_224 = vector.shape_cast %parallel_loop3A_223 : vector<1x16xi32> to vector<16xi32>
        %parallel_loop3A_225 = arith.constant 16 : i32
        %parallel_loop3A_226 = vector.broadcast %parallel_loop3A_225 : i32 to vector<16xi32>
        %parallel_loop3A_227 = arith.shli %parallel_loop3A_224, %parallel_loop3A_226 : vector<16xi32>
        %parallel_loop3A_228 = tpu.bitcast %parallel_loop3A_227 : vector<16xi32> -> vector<16xf32>
        %parallel_loop3A_229 = tpu.bitcast %parallel_loop3A_224 : vector<16xi32> -> vector<16xf32>
        %parallel_loop3A_230 = arith.addf %parallel_loop3A_189, %parallel_loop3A_228 : vector<16xf32>
        %parallel_loop3A_231 = arith.addf %parallel_loop3A_193, %parallel_loop3A_229 : vector<16xf32>
        %parallel_loop3A_232 = arith.index_cast %parallel_loop3A_198 : i32 to index
        %parallel_loop3A_233 = arith.constant 48 : index
        %parallel_loop3A_234 = tpu.vector_load %arg7[%parallel_loop3A_232, %parallel_loop3A_233] {strides = array<i32>} : memref<96x64xi32, #tpu.memory_space<vmem>>, vector<1x16xi32>,
        %parallel_loop3A_235 = vector.shape_cast %parallel_loop3A_234 : vector<1x16xi32> to vector<16xi32>
        %parallel_loop3A_236 = arith.constant 16 : i32
        %parallel_loop3A_237 = vector.broadcast %parallel_loop3A_236 : i32 to vector<16xi32>
        %parallel_loop3A_238 = arith.shli %parallel_loop3A_235, %parallel_loop3A_237 : vector<16xi32>
        %parallel_loop3A_239 = tpu.bitcast %parallel_loop3A_238 : vector<16xi32> -> vector<16xf32>
        %parallel_loop3A_240 = tpu.bitcast %parallel_loop3A_235 : vector<16xi32> -> vector<16xf32>
        %parallel_loop3A_241 = arith.addf %parallel_loop3A_190, %parallel_loop3A_239 : vector<16xf32>
        %parallel_loop3A_242 = arith.addf %parallel_loop3A_194, %parallel_loop3A_240 : vector<16xf32>
        %parallel_loop3A_243 = arith.constant 1 : i32
        %parallel_loop3A_244 = arith.addi %parallel_loop3A_196, %parallel_loop3A_243 : i32
        %parallel_loop3A_245 = arith.index_cast %parallel_loop3A_244 : i32 to index
        %parallel_loop3A_246 = arith.constant 0 : index
        %parallel_loop3A_247 = tpu.vector_load %arg7[%parallel_loop3A_245, %parallel_loop3A_246] {strides = array<i32>} : memref<96x64xi32, #tpu.memory_space<vmem>>, vector<1x16xi32>,
        %parallel_loop3A_248 = vector.shape_cast %parallel_loop3A_247 : vector<1x16xi32> to vector<16xi32>
        %parallel_loop3A_249 = arith.constant 16 : i32
        %parallel_loop3A_250 = vector.broadcast %parallel_loop3A_249 : i32 to vector<16xi32>
        %parallel_loop3A_251 = arith.shli %parallel_loop3A_248, %parallel_loop3A_250 : vector<16xi32>
        %parallel_loop3A_252 = tpu.bitcast %parallel_loop3A_251 : vector<16xi32> -> vector<16xf32>
        %parallel_loop3A_253 = tpu.bitcast %parallel_loop3A_248 : vector<16xi32> -> vector<16xf32>
        %parallel_loop3A_254 = arith.addf %parallel_loop3A_208, %parallel_loop3A_252 : vector<16xf32>
        %parallel_loop3A_255 = arith.addf %parallel_loop3A_209, %parallel_loop3A_253 : vector<16xf32>
        %parallel_loop3A_256 = arith.index_cast %parallel_loop3A_244 : i32 to index
        %parallel_loop3A_257 = arith.constant 16 : index
        %parallel_loop3A_258 = tpu.vector_load %arg7[%parallel_loop3A_256, %parallel_loop3A_257] {strides = array<i32>} : memref<96x64xi32, #tpu.memory_space<vmem>>, vector<1x16xi32>,
        %parallel_loop3A_259 = vector.shape_cast %parallel_loop3A_258 : vector<1x16xi32> to vector<16xi32>
        %parallel_loop3A_260 = arith.constant 16 : i32
        %parallel_loop3A_261 = vector.broadcast %parallel_loop3A_260 : i32 to vector<16xi32>
        %parallel_loop3A_262 = arith.shli %parallel_loop3A_259, %parallel_loop3A_261 : vector<16xi32>
        %parallel_loop3A_263 = tpu.bitcast %parallel_loop3A_262 : vector<16xi32> -> vector<16xf32>
        %parallel_loop3A_264 = tpu.bitcast %parallel_loop3A_259 : vector<16xi32> -> vector<16xf32>
        %parallel_loop3A_265 = arith.addf %parallel_loop3A_219, %parallel_loop3A_263 : vector<16xf32>
        %parallel_loop3A_266 = arith.addf %parallel_loop3A_220, %parallel_loop3A_264 : vector<16xf32>
        %parallel_loop3A_267 = arith.index_cast %parallel_loop3A_244 : i32 to index
        %parallel_loop3A_268 = arith.constant 32 : index
        %parallel_loop3A_269 = tpu.vector_load %arg7[%parallel_loop3A_267, %parallel_loop3A_268] {strides = array<i32>} : memref<96x64xi32, #tpu.memory_space<vmem>>, vector<1x16xi32>,
        %parallel_loop3A_270 = vector.shape_cast %parallel_loop3A_269 : vector<1x16xi32> to vector<16xi32>
        %parallel_loop3A_271 = arith.constant 16 : i32
        %parallel_loop3A_272 = vector.broadcast %parallel_loop3A_271 : i32 to vector<16xi32>
        %parallel_loop3A_273 = arith.shli %parallel_loop3A_270, %parallel_loop3A_272 : vector<16xi32>
        %parallel_loop3A_274 = tpu.bitcast %parallel_loop3A_273 : vector<16xi32> -> vector<16xf32>
        %parallel_loop3A_275 = tpu.bitcast %parallel_loop3A_270 : vector<16xi32> -> vector<16xf32>
        %parallel_loop3A_276 = arith.addf %parallel_loop3A_230, %parallel_loop3A_274 : vector<16xf32>
        %parallel_loop3A_277 = arith.addf %parallel_loop3A_231, %parallel_loop3A_275 : vector<16xf32>
        %parallel_loop3A_278 = arith.index_cast %parallel_loop3A_244 : i32 to index
        %parallel_loop3A_279 = arith.constant 48 : index
        %parallel_loop3A_280 = tpu.vector_load %arg7[%parallel_loop3A_278, %parallel_loop3A_279] {strides = array<i32>} : memref<96x64xi32, #tpu.memory_space<vmem>>, vector<1x16xi32>,
        %parallel_loop3A_281 = vector.shape_cast %parallel_loop3A_280 : vector<1x16xi32> to vector<16xi32>
        %parallel_loop3A_282 = arith.constant 16 : i32
        %parallel_loop3A_283 = vector.broadcast %parallel_loop3A_282 : i32 to vector<16xi32>
        %parallel_loop3A_284 = arith.shli %parallel_loop3A_281, %parallel_loop3A_283 : vector<16xi32>
        %parallel_loop3A_285 = tpu.bitcast %parallel_loop3A_284 : vector<16xi32> -> vector<16xf32>
        %parallel_loop3A_286 = tpu.bitcast %parallel_loop3A_281 : vector<16xi32> -> vector<16xf32>
        %parallel_loop3A_287 = arith.addf %parallel_loop3A_241, %parallel_loop3A_285 : vector<16xf32>
        %parallel_loop3A_288 = arith.addf %parallel_loop3A_242, %parallel_loop3A_286 : vector<16xf32>
        %parallel_loop3A_289 = arith.constant 2 : i32
        %parallel_loop3A_290 = arith.addi %parallel_loop3A_196, %parallel_loop3A_289 : i32
        %parallel_loop3A_291 = arith.index_cast %parallel_loop3A_290 : i32 to index
        %parallel_loop3A_292 = arith.constant 0 : index
        %parallel_loop3A_293 = tpu.vector_load %arg7[%parallel_loop3A_291, %parallel_loop3A_292] {strides = array<i32>} : memref<96x64xi32, #tpu.memory_space<vmem>>, vector<1x16xi32>,
        %parallel_loop3A_294 = vector.shape_cast %parallel_loop3A_293 : vector<1x16xi32> to vector<16xi32>
        %parallel_loop3A_295 = arith.constant 16 : i32
        %parallel_loop3A_296 = vector.broadcast %parallel_loop3A_295 : i32 to vector<16xi32>
        %parallel_loop3A_297 = arith.shli %parallel_loop3A_294, %parallel_loop3A_296 : vector<16xi32>
        %parallel_loop3A_298 = tpu.bitcast %parallel_loop3A_297 : vector<16xi32> -> vector<16xf32>
        %parallel_loop3A_299 = tpu.bitcast %parallel_loop3A_294 : vector<16xi32> -> vector<16xf32>
        %parallel_loop3A_300 = arith.addf %parallel_loop3A_254, %parallel_loop3A_298 : vector<16xf32>
        %parallel_loop3A_301 = arith.addf %parallel_loop3A_255, %parallel_loop3A_299 : vector<16xf32>
        %parallel_loop3A_302 = arith.index_cast %parallel_loop3A_290 : i32 to index
        %parallel_loop3A_303 = arith.constant 16 : index
        %parallel_loop3A_304 = tpu.vector_load %arg7[%parallel_loop3A_302, %parallel_loop3A_303] {strides = array<i32>} : memref<96x64xi32, #tpu.memory_space<vmem>>, vector<1x16xi32>,
        %parallel_loop3A_305 = vector.shape_cast %parallel_loop3A_304 : vector<1x16xi32> to vector<16xi32>
        %parallel_loop3A_306 = arith.constant 16 : i32
        %parallel_loop3A_307 = vector.broadcast %parallel_loop3A_306 : i32 to vector<16xi32>
        %parallel_loop3A_308 = arith.shli %parallel_loop3A_305, %parallel_loop3A_307 : vector<16xi32>
        %parallel_loop3A_309 = tpu.bitcast %parallel_loop3A_308 : vector<16xi32> -> vector<16xf32>
        %parallel_loop3A_310 = tpu.bitcast %parallel_loop3A_305 : vector<16xi32> -> vector<16xf32>
        %parallel_loop3A_311 = arith.addf %parallel_loop3A_265, %parallel_loop3A_309 : vector<16xf32>
        %parallel_loop3A_312 = arith.addf %parallel_loop3A_266, %parallel_loop3A_310 : vector<16xf32>
        %parallel_loop3A_313 = arith.index_cast %parallel_loop3A_290 : i32 to index
        %parallel_loop3A_314 = arith.constant 32 : index
        %parallel_loop3A_315 = tpu.vector_load %arg7[%parallel_loop3A_313, %parallel_loop3A_314] {strides = array<i32>} : memref<96x64xi32, #tpu.memory_space<vmem>>, vector<1x16xi32>,
        %parallel_loop3A_316 = vector.shape_cast %parallel_loop3A_315 : vector<1x16xi32> to vector<16xi32>
        %parallel_loop3A_317 = arith.constant 16 : i32
        %parallel_loop3A_318 = vector.broadcast %parallel_loop3A_317 : i32 to vector<16xi32>
        %parallel_loop3A_319 = arith.shli %parallel_loop3A_316, %parallel_loop3A_318 : vector<16xi32>
        %parallel_loop3A_320 = tpu.bitcast %parallel_loop3A_319 : vector<16xi32> -> vector<16xf32>
        %parallel_loop3A_321 = tpu.bitcast %parallel_loop3A_316 : vector<16xi32> -> vector<16xf32>
        %parallel_loop3A_322 = arith.addf %parallel_loop3A_276, %parallel_loop3A_320 : vector<16xf32>
        %parallel_loop3A_323 = arith.addf %parallel_loop3A_277, %parallel_loop3A_321 : vector<16xf32>
        %parallel_loop3A_324 = arith.index_cast %parallel_loop3A_290 : i32 to index
        %parallel_loop3A_325 = arith.constant 48 : index
        %parallel_loop3A_326 = tpu.vector_load %arg7[%parallel_loop3A_324, %parallel_loop3A_325] {strides = array<i32>} : memref<96x64xi32, #tpu.memory_space<vmem>>, vector<1x16xi32>,
        %parallel_loop3A_327 = vector.shape_cast %parallel_loop3A_326 : vector<1x16xi32> to vector<16xi32>
        %parallel_loop3A_328 = arith.constant 16 : i32
        %parallel_loop3A_329 = vector.broadcast %parallel_loop3A_328 : i32 to vector<16xi32>
        %parallel_loop3A_330 = arith.shli %parallel_loop3A_327, %parallel_loop3A_329 : vector<16xi32>
        %parallel_loop3A_331 = tpu.bitcast %parallel_loop3A_330 : vector<16xi32> -> vector<16xf32>
        %parallel_loop3A_332 = tpu.bitcast %parallel_loop3A_327 : vector<16xi32> -> vector<16xf32>
        %parallel_loop3A_333 = arith.addf %parallel_loop3A_287, %parallel_loop3A_331 : vector<16xf32>
        %parallel_loop3A_334 = arith.addf %parallel_loop3A_288, %parallel_loop3A_332 : vector<16xf32>
        %parallel_loop3A_335 = arith.constant 3 : i32
        %parallel_loop3A_336 = arith.addi %parallel_loop3A_196, %parallel_loop3A_335 : i32
        %parallel_loop3A_337 = arith.index_cast %parallel_loop3A_336 : i32 to index
        %parallel_loop3A_338 = arith.constant 0 : index
        %parallel_loop3A_339 = tpu.vector_load %arg7[%parallel_loop3A_337, %parallel_loop3A_338] {strides = array<i32>} : memref<96x64xi32, #tpu.memory_space<vmem>>, vector<1x16xi32>,
        %parallel_loop3A_340 = vector.shape_cast %parallel_loop3A_339 : vector<1x16xi32> to vector<16xi32>
        %parallel_loop3A_341 = arith.constant 16 : i32
        %parallel_loop3A_342 = vector.broadcast %parallel_loop3A_341 : i32 to vector<16xi32>
        %parallel_loop3A_343 = arith.shli %parallel_loop3A_340, %parallel_loop3A_342 : vector<16xi32>
        %parallel_loop3A_344 = tpu.bitcast %parallel_loop3A_343 : vector<16xi32> -> vector<16xf32>
        %parallel_loop3A_345 = tpu.bitcast %parallel_loop3A_340 : vector<16xi32> -> vector<16xf32>
        %parallel_loop3A_346 = arith.addf %parallel_loop3A_300, %parallel_loop3A_344 : vector<16xf32>
        %parallel_loop3A_347 = arith.addf %parallel_loop3A_301, %parallel_loop3A_345 : vector<16xf32>
        %parallel_loop3A_348 = arith.index_cast %parallel_loop3A_336 : i32 to index
        %parallel_loop3A_349 = arith.constant 16 : index
        %parallel_loop3A_350 = tpu.vector_load %arg7[%parallel_loop3A_348, %parallel_loop3A_349] {strides = array<i32>} : memref<96x64xi32, #tpu.memory_space<vmem>>, vector<1x16xi32>,
        %parallel_loop3A_351 = vector.shape_cast %parallel_loop3A_350 : vector<1x16xi32> to vector<16xi32>
        %parallel_loop3A_352 = arith.constant 16 : i32
        %parallel_loop3A_353 = vector.broadcast %parallel_loop3A_352 : i32 to vector<16xi32>
        %parallel_loop3A_354 = arith.shli %parallel_loop3A_351, %parallel_loop3A_353 : vector<16xi32>
        %parallel_loop3A_355 = tpu.bitcast %parallel_loop3A_354 : vector<16xi32> -> vector<16xf32>
        %parallel_loop3A_356 = tpu.bitcast %parallel_loop3A_351 : vector<16xi32> -> vector<16xf32>
        %parallel_loop3A_357 = arith.addf %parallel_loop3A_311, %parallel_loop3A_355 : vector<16xf32>
        %parallel_loop3A_358 = arith.addf %parallel_loop3A_312, %parallel_loop3A_356 : vector<16xf32>
        %parallel_loop3A_359 = arith.index_cast %parallel_loop3A_336 : i32 to index
        %parallel_loop3A_360 = arith.constant 32 : index
        %parallel_loop3A_361 = tpu.vector_load %arg7[%parallel_loop3A_359, %parallel_loop3A_360] {strides = array<i32>} : memref<96x64xi32, #tpu.memory_space<vmem>>, vector<1x16xi32>,
        %parallel_loop3A_362 = vector.shape_cast %parallel_loop3A_361 : vector<1x16xi32> to vector<16xi32>
        %parallel_loop3A_363 = arith.constant 16 : i32
        %parallel_loop3A_364 = vector.broadcast %parallel_loop3A_363 : i32 to vector<16xi32>
        %parallel_loop3A_365 = arith.shli %parallel_loop3A_362, %parallel_loop3A_364 : vector<16xi32>
        %parallel_loop3A_366 = tpu.bitcast %parallel_loop3A_365 : vector<16xi32> -> vector<16xf32>
        %parallel_loop3A_367 = tpu.bitcast %parallel_loop3A_362 : vector<16xi32> -> vector<16xf32>
        %parallel_loop3A_368 = arith.addf %parallel_loop3A_322, %parallel_loop3A_366 : vector<16xf32>
        %parallel_loop3A_369 = arith.addf %parallel_loop3A_323, %parallel_loop3A_367 : vector<16xf32>
        %parallel_loop3A_370 = arith.index_cast %parallel_loop3A_336 : i32 to index
        %parallel_loop3A_371 = arith.constant 48 : index
        %parallel_loop3A_372 = tpu.vector_load %arg7[%parallel_loop3A_370, %parallel_loop3A_371] {strides = array<i32>} : memref<96x64xi32, #tpu.memory_space<vmem>>, vector<1x16xi32>,
        %parallel_loop3A_373 = vector.shape_cast %parallel_loop3A_372 : vector<1x16xi32> to vector<16xi32>
        %parallel_loop3A_374 = arith.constant 16 : i32
        %parallel_loop3A_375 = vector.broadcast %parallel_loop3A_374 : i32 to vector<16xi32>
        %parallel_loop3A_376 = arith.shli %parallel_loop3A_373, %parallel_loop3A_375 : vector<16xi32>
        %parallel_loop3A_377 = tpu.bitcast %parallel_loop3A_376 : vector<16xi32> -> vector<16xf32>
        %parallel_loop3A_378 = tpu.bitcast %parallel_loop3A_373 : vector<16xi32> -> vector<16xf32>
        %parallel_loop3A_379 = arith.addf %parallel_loop3A_333, %parallel_loop3A_377 : vector<16xf32>
        %parallel_loop3A_380 = arith.addf %parallel_loop3A_334, %parallel_loop3A_378 : vector<16xf32>
        scf.yield %parallel_loop3A_346, %parallel_loop3A_357, %parallel_loop3A_368, %parallel_loop3A_379, %parallel_loop3A_347, %parallel_loop3A_358, %parallel_loop3A_369, %parallel_loop3A_380 : vector<16xf32>, vector<16xf32>, vector<16xf32>, vector<16xf32>, vector<16xf32>, vector<16xf32>, vector<16xf32>, vector<16xf32>
      } {sc.loop_unroll_factor = 1 : i64, sc.parallel_access}
      %swap3A = arith.index_cast %mul3A_22 : i32 to index
      %swap3A_69 = arith.constant 0 : index
      %swap3A_70 = tpu.vector_load %arg10[%swap3A, %swap3A_69] {strides = array<i32>} : memref<128x128xf32, #tpu.memory_space<vmem>>, vector<1x16xf32>,
      %swap3A_71 = vector.shape_cast %swap3A_70 : vector<1x16xf32> to vector<16xf32>
      %swap3A_72 = vector.shape_cast %parallel_loop3A_68#0 : vector<16xf32> to vector<1x16xf32>
      tpu.vector_store %arg10[%swap3A, %swap3A_69], %swap3A_72 {strides = array<i32>} : memref<128x128xf32, #tpu.memory_space<vmem>>, vector<1x16xf32>,
      %swap3A_73 = arith.index_cast %mul3A_22 : i32 to index
      %swap3A_74 = arith.constant 16 : index
      %swap3A_75 = tpu.vector_load %arg10[%swap3A_73, %swap3A_74] {strides = array<i32>} : memref<128x128xf32, #tpu.memory_space<vmem>>, vector<1x16xf32>,
      %swap3A_76 = vector.shape_cast %swap3A_75 : vector<1x16xf32> to vector<16xf32>
      %swap3A_77 = vector.shape_cast %parallel_loop3A_68#1 : vector<16xf32> to vector<1x16xf32>
      tpu.vector_store %arg10[%swap3A_73, %swap3A_74], %swap3A_77 {strides = array<i32>} : memref<128x128xf32, #tpu.memory_space<vmem>>, vector<1x16xf32>,
      %swap3A_78 = arith.index_cast %mul3A_22 : i32 to index
      %swap3A_79 = arith.constant 32 : index
      %swap3A_80 = tpu.vector_load %arg10[%swap3A_78, %swap3A_79] {strides = array<i32>} : memref<128x128xf32, #tpu.memory_space<vmem>>, vector<1x16xf32>,
      %swap3A_81 = vector.shape_cast %swap3A_80 : vector<1x16xf32> to vector<16xf32>
      %swap3A_82 = vector.shape_cast %parallel_loop3A_68#2 : vector<16xf32> to vector<1x16xf32>
      tpu.vector_store %arg10[%swap3A_78, %swap3A_79], %swap3A_82 {strides = array<i32>} : memref<128x128xf32, #tpu.memory_space<vmem>>, vector<1x16xf32>,
      %swap3A_83 = arith.index_cast %mul3A_22 : i32 to index
      %swap3A_84 = arith.constant 48 : index
      %swap3A_85 = tpu.vector_load %arg10[%swap3A_83, %swap3A_84] {strides = array<i32>} : memref<128x128xf32, #tpu.memory_space<vmem>>, vector<1x16xf32>,
      %swap3A_86 = vector.shape_cast %swap3A_85 : vector<1x16xf32> to vector<16xf32>
      %swap3A_87 = vector.shape_cast %parallel_loop3A_68#3 : vector<16xf32> to vector<1x16xf32>
      tpu.vector_store %arg10[%swap3A_83, %swap3A_84], %swap3A_87 {strides = array<i32>} : memref<128x128xf32, #tpu.memory_space<vmem>>, vector<1x16xf32>,
      %swap3A_88 = arith.index_cast %mul3A_22 : i32 to index
      %swap3A_89 = arith.constant 64 : index
      %swap3A_90 = tpu.vector_load %arg10[%swap3A_88, %swap3A_89] {strides = array<i32>} : memref<128x128xf32, #tpu.memory_space<vmem>>, vector<1x16xf32>,
      %swap3A_91 = vector.shape_cast %swap3A_90 : vector<1x16xf32> to vector<16xf32>
      %swap3A_92 = vector.shape_cast %parallel_loop3A_68#4 : vector<16xf32> to vector<1x16xf32>
      tpu.vector_store %arg10[%swap3A_88, %swap3A_89], %swap3A_92 {strides = array<i32>} : memref<128x128xf32, #tpu.memory_space<vmem>>, vector<1x16xf32>,
      %swap3A_93 = arith.index_cast %mul3A_22 : i32 to index
      %swap3A_94 = arith.constant 80 : index
      %swap3A_95 = tpu.vector_load %arg10[%swap3A_93, %swap3A_94] {strides = array<i32>} : memref<128x128xf32, #tpu.memory_space<vmem>>, vector<1x16xf32>,
      %swap3A_96 = vector.shape_cast %swap3A_95 : vector<1x16xf32> to vector<16xf32>
      %swap3A_97 = vector.shape_cast %parallel_loop3A_68#5 : vector<16xf32> to vector<1x16xf32>
      tpu.vector_store %arg10[%swap3A_93, %swap3A_94], %swap3A_97 {strides = array<i32>} : memref<128x128xf32, #tpu.memory_space<vmem>>, vector<1x16xf32>,
      %swap3A_98 = arith.index_cast %mul3A_22 : i32 to index
      %swap3A_99 = arith.constant 96 : index
      %swap3A_100 = tpu.vector_load %arg10[%swap3A_98, %swap3A_99] {strides = array<i32>} : memref<128x128xf32, #tpu.memory_space<vmem>>, vector<1x16xf32>,
      %swap3A_101 = vector.shape_cast %swap3A_100 : vector<1x16xf32> to vector<16xf32>
      %swap3A_102 = vector.shape_cast %parallel_loop3A_68#6 : vector<16xf32> to vector<1x16xf32>
      tpu.vector_store %arg10[%swap3A_98, %swap3A_99], %swap3A_102 {strides = array<i32>} : memref<128x128xf32, #tpu.memory_space<vmem>>, vector<1x16xf32>,
      %swap3A_103 = arith.index_cast %mul3A_22 : i32 to index
      %swap3A_104 = arith.constant 112 : index
      %swap3A_105 = tpu.vector_load %arg10[%swap3A_103, %swap3A_104] {strides = array<i32>} : memref<128x128xf32, #tpu.memory_space<vmem>>, vector<1x16xf32>,
      %swap3A_106 = vector.shape_cast %swap3A_105 : vector<1x16xf32> to vector<16xf32>
      %swap3A_107 = vector.shape_cast %parallel_loop3A_68#7 : vector<16xf32> to vector<1x16xf32>
      tpu.vector_store %arg10[%swap3A_103, %swap3A_104], %swap3A_107 {strides = array<i32>} : memref<128x128xf32, #tpu.memory_space<vmem>>, vector<1x16xf32>,
      %add3A_108 = arith.constant 2 : i32
      %add3A_109 = arith.addi %mul3A_22, %add3A_108 : i32
      %lt3A = arith.constant 128 : i32
      %lt3A_110 = arith.cmpi slt, %add3A_109, %lt3A : i32
      %convert_element_type3A = arith.extui %lt3A_110 : i1 to i32
      %cond3A = arith.constant 0 : i32
      %cond3A_111 = arith.cmpi ne, %convert_element_type3A, %cond3A : i32
      scf.if %cond3A_111 {
        %add3A_186 = arith.constant 2 : i32
        %add3A_187 = arith.addi %mul3A_22, %add3A_186 : i32
        %mul3A_188 = arith.constant 200 : i32
        %mul3A_189 = arith.muli %add3A_187, %mul3A_188 : i32
        %multiple_of3A_190 = tpu.assume_multiple %mul3A_189, 8 : i32
        %dma_start3A_191 = tpu.memref_slice %arg5[%multiple_of3A_190] : memref<25600xi32, #tpu.memory_space<vmem>> -> memref<104xi32, #tpu.memory_space<vmem>>
        %dma_start3A_192 = arith.constant 0 : i32
        %dma_start3A_193 = arith.constant 0 : i32
        %dma_start3A_194 = tpu.memref_slice %arg3[%dma_start3A_192, %dma_start3A_193] : memref<100000x64xi32, #tpu.memory_space<hbm>> -> memref<100000x64xi32, #tpu.memory_space<hbm>>
        tpu.enqueue_indirect_dma source(%dma_start3A_194 : memref<100000x64xi32, #tpu.memory_space<hbm>>) target(%arg6 : memref<104x64xi32, #tpu.memory_space<vmem>>) offsets(%dma_start3A_191 : memref<104xi32, #tpu.memory_space<vmem>>) semaphore(%arg11 : memref<!tpu.dma_semaphore, #tpu.memory_space<semaphore_mem>>)
        %add3A_195 = arith.constant 104 : i32
        %add3A_196 = arith.addi %multiple_of3A_190, %add3A_195 : i32
        %dma_start3A_197 = tpu.memref_slice %arg5[%add3A_196] : memref<25600xi32, #tpu.memory_space<vmem>> -> memref<96xi32, #tpu.memory_space<vmem>>
        %dma_start3A_198 = arith.constant 0 : i32
        %dma_start3A_199 = arith.constant 0 : i32
        %dma_start3A_200 = tpu.memref_slice %arg3[%dma_start3A_198, %dma_start3A_199] : memref<100000x64xi32, #tpu.memory_space<hbm>> -> memref<100000x64xi32, #tpu.memory_space<hbm>>
        tpu.enqueue_indirect_dma source(%dma_start3A_200 : memref<100000x64xi32, #tpu.memory_space<hbm>>) target(%arg7 : memref<96x64xi32, #tpu.memory_space<vmem>>) offsets(%dma_start3A_197 : memref<96xi32, #tpu.memory_space<vmem>>) semaphore(%arg11 : memref<!tpu.dma_semaphore, #tpu.memory_space<semaphore_mem>>)
      } else {
      }
      %dma_wait3A_112 = arith.constant 0 : i32
      %dma_wait3A_113 = tpu.memref_slice %arg5[%dma_wait3A_112] : memref<25600xi32, #tpu.memory_space<vmem>> -> memref<104xi32, #tpu.memory_space<vmem>>
      %dma_wait3A_114 = arith.constant 0 : i32
      %dma_wait3A_115 = arith.constant 0 : i32
      %dma_wait3A_116 = tpu.memref_slice %arg3[%dma_wait3A_114, %dma_wait3A_115] : memref<100000x64xi32, #tpu.memory_space<hbm>> -> memref<100000x64xi32, #tpu.memory_space<hbm>>
      tpu.wait_indirect_dma semaphore(%arg12 : memref<!tpu.dma_semaphore, #tpu.memory_space<semaphore_mem>>) src(%dma_wait3A_116 : memref<100000x64xi32, #tpu.memory_space<hbm>>) dst(%arg8 : memref<104x64xi32, #tpu.memory_space<vmem>>)
      %dma_wait3A_117 = arith.constant 0 : i32
      %dma_wait3A_118 = tpu.memref_slice %arg5[%dma_wait3A_117] : memref<25600xi32, #tpu.memory_space<vmem>> -> memref<96xi32, #tpu.memory_space<vmem>>
      %dma_wait3A_119 = arith.constant 0 : i32
      %dma_wait3A_120 = arith.constant 0 : i32
      %dma_wait3A_121 = tpu.memref_slice %arg3[%dma_wait3A_119, %dma_wait3A_120] : memref<100000x64xi32, #tpu.memory_space<hbm>> -> memref<100000x64xi32, #tpu.memory_space<hbm>>
      tpu.wait_indirect_dma semaphore(%arg12 : memref<!tpu.dma_semaphore, #tpu.memory_space<semaphore_mem>>) src(%dma_wait3A_121 : memref<100000x64xi32, #tpu.memory_space<hbm>>) dst(%arg9 : memref<96x64xi32, #tpu.memory_space<vmem>>)
      %broadcast_in_dim3A_122 = arith.constant 0.000000e+00 : f32
      %broadcast_in_dim3A_123 = vector.broadcast %broadcast_in_dim3A_122 : f32 to vector<16xf32>
      %broadcast_in_dim3A_124 = arith.constant 0.000000e+00 : f32
      %broadcast_in_dim3A_125 = vector.broadcast %broadcast_in_dim3A_124 : f32 to vector<16xf32>
      %broadcast_in_dim3A_126 = arith.constant 0.000000e+00 : f32
      %broadcast_in_dim3A_127 = vector.broadcast %broadcast_in_dim3A_126 : f32 to vector<16xf32>
      %broadcast_in_dim3A_128 = arith.constant 0.000000e+00 : f32
      %broadcast_in_dim3A_129 = vector.broadcast %broadcast_in_dim3A_128 : f32 to vector<16xf32>
      %broadcast_in_dim3A_130 = arith.constant 0.000000e+00 : f32
      %broadcast_in_dim3A_131 = vector.broadcast %broadcast_in_dim3A_130 : f32 to vector<16xf32>
      %broadcast_in_dim3A_132 = arith.constant 0.000000e+00 : f32
      %broadcast_in_dim3A_133 = vector.broadcast %broadcast_in_dim3A_132 : f32 to vector<16xf32>
      %broadcast_in_dim3A_134 = arith.constant 0.000000e+00 : f32
      %broadcast_in_dim3A_135 = vector.broadcast %broadcast_in_dim3A_134 : f32 to vector<16xf32>
      %broadcast_in_dim3A_136 = arith.constant 0.000000e+00 : f32
      %broadcast_in_dim3A_137 = vector.broadcast %broadcast_in_dim3A_136 : f32 to vector<16xf32>
      %parallel_loop3A_138 = arith.constant 0 : i32
      %parallel_loop3A_139 = arith.constant 26 : i32
      %parallel_loop3A_140 = arith.constant 1 : i32
      %parallel_loop3A_141:8 = scf.for %parallel_loop3A_186 = %parallel_loop3A_138 to %parallel_loop3A_139 step %parallel_loop3A_140 iter_args(%parallel_loop3A_187 = %broadcast_in_dim3A_123, %parallel_loop3A_188 = %broadcast_in_dim3A_125, %parallel_loop3A_189 = %broadcast_in_dim3A_127, %parallel_loop3A_190 = %broadcast_in_dim3A_129, %parallel_loop3A_191 = %broadcast_in_dim3A_131, %parallel_loop3A_192 = %broadcast_in_dim3A_133, %parallel_loop3A_193 = %broadcast_in_dim3A_135, %parallel_loop3A_194 = %broadcast_in_dim3A_137) -> (vector<16xf32>, vector<16xf32>, vector<16xf32>, vector<16xf32>, vector<16xf32>, vector<16xf32>, vector<16xf32>, vector<16xf32>)  : i32 {
        %parallel_loop3A_195 = arith.constant 4 : i32
        %parallel_loop3A_196 = arith.muli %parallel_loop3A_195, %parallel_loop3A_186 : i32
        %parallel_loop3A_197 = arith.constant 0 : i32
        %parallel_loop3A_198 = arith.addi %parallel_loop3A_196, %parallel_loop3A_197 : i32
        %parallel_loop3A_199 = arith.index_cast %parallel_loop3A_198 : i32 to index
        %parallel_loop3A_200 = arith.constant 0 : index
        %parallel_loop3A_201 = tpu.vector_load %arg8[%parallel_loop3A_199, %parallel_loop3A_200] {strides = array<i32>} : memref<104x64xi32, #tpu.memory_space<vmem>>, vector<1x16xi32>,
        %parallel_loop3A_202 = vector.shape_cast %parallel_loop3A_201 : vector<1x16xi32> to vector<16xi32>
        %parallel_loop3A_203 = arith.constant 16 : i32
        %parallel_loop3A_204 = vector.broadcast %parallel_loop3A_203 : i32 to vector<16xi32>
        %parallel_loop3A_205 = arith.shli %parallel_loop3A_202, %parallel_loop3A_204 : vector<16xi32>
        %parallel_loop3A_206 = tpu.bitcast %parallel_loop3A_205 : vector<16xi32> -> vector<16xf32>
        %parallel_loop3A_207 = tpu.bitcast %parallel_loop3A_202 : vector<16xi32> -> vector<16xf32>
        %parallel_loop3A_208 = arith.addf %parallel_loop3A_187, %parallel_loop3A_206 : vector<16xf32>
        %parallel_loop3A_209 = arith.addf %parallel_loop3A_191, %parallel_loop3A_207 : vector<16xf32>
        %parallel_loop3A_210 = arith.index_cast %parallel_loop3A_198 : i32 to index
        %parallel_loop3A_211 = arith.constant 16 : index
        %parallel_loop3A_212 = tpu.vector_load %arg8[%parallel_loop3A_210, %parallel_loop3A_211] {strides = array<i32>} : memref<104x64xi32, #tpu.memory_space<vmem>>, vector<1x16xi32>,
        %parallel_loop3A_213 = vector.shape_cast %parallel_loop3A_212 : vector<1x16xi32> to vector<16xi32>
        %parallel_loop3A_214 = arith.constant 16 : i32
        %parallel_loop3A_215 = vector.broadcast %parallel_loop3A_214 : i32 to vector<16xi32>
        %parallel_loop3A_216 = arith.shli %parallel_loop3A_213, %parallel_loop3A_215 : vector<16xi32>
        %parallel_loop3A_217 = tpu.bitcast %parallel_loop3A_216 : vector<16xi32> -> vector<16xf32>
        %parallel_loop3A_218 = tpu.bitcast %parallel_loop3A_213 : vector<16xi32> -> vector<16xf32>
        %parallel_loop3A_219 = arith.addf %parallel_loop3A_188, %parallel_loop3A_217 : vector<16xf32>
        %parallel_loop3A_220 = arith.addf %parallel_loop3A_192, %parallel_loop3A_218 : vector<16xf32>
        %parallel_loop3A_221 = arith.index_cast %parallel_loop3A_198 : i32 to index
        %parallel_loop3A_222 = arith.constant 32 : index
        %parallel_loop3A_223 = tpu.vector_load %arg8[%parallel_loop3A_221, %parallel_loop3A_222] {strides = array<i32>} : memref<104x64xi32, #tpu.memory_space<vmem>>, vector<1x16xi32>,
        %parallel_loop3A_224 = vector.shape_cast %parallel_loop3A_223 : vector<1x16xi32> to vector<16xi32>
        %parallel_loop3A_225 = arith.constant 16 : i32
        %parallel_loop3A_226 = vector.broadcast %parallel_loop3A_225 : i32 to vector<16xi32>
        %parallel_loop3A_227 = arith.shli %parallel_loop3A_224, %parallel_loop3A_226 : vector<16xi32>
        %parallel_loop3A_228 = tpu.bitcast %parallel_loop3A_227 : vector<16xi32> -> vector<16xf32>
        %parallel_loop3A_229 = tpu.bitcast %parallel_loop3A_224 : vector<16xi32> -> vector<16xf32>
        %parallel_loop3A_230 = arith.addf %parallel_loop3A_189, %parallel_loop3A_228 : vector<16xf32>
        %parallel_loop3A_231 = arith.addf %parallel_loop3A_193, %parallel_loop3A_229 : vector<16xf32>
        %parallel_loop3A_232 = arith.index_cast %parallel_loop3A_198 : i32 to index
        %parallel_loop3A_233 = arith.constant 48 : index
        %parallel_loop3A_234 = tpu.vector_load %arg8[%parallel_loop3A_232, %parallel_loop3A_233] {strides = array<i32>} : memref<104x64xi32, #tpu.memory_space<vmem>>, vector<1x16xi32>,
        %parallel_loop3A_235 = vector.shape_cast %parallel_loop3A_234 : vector<1x16xi32> to vector<16xi32>
        %parallel_loop3A_236 = arith.constant 16 : i32
        %parallel_loop3A_237 = vector.broadcast %parallel_loop3A_236 : i32 to vector<16xi32>
        %parallel_loop3A_238 = arith.shli %parallel_loop3A_235, %parallel_loop3A_237 : vector<16xi32>
        %parallel_loop3A_239 = tpu.bitcast %parallel_loop3A_238 : vector<16xi32> -> vector<16xf32>
        %parallel_loop3A_240 = tpu.bitcast %parallel_loop3A_235 : vector<16xi32> -> vector<16xf32>
        %parallel_loop3A_241 = arith.addf %parallel_loop3A_190, %parallel_loop3A_239 : vector<16xf32>
        %parallel_loop3A_242 = arith.addf %parallel_loop3A_194, %parallel_loop3A_240 : vector<16xf32>
        %parallel_loop3A_243 = arith.constant 1 : i32
        %parallel_loop3A_244 = arith.addi %parallel_loop3A_196, %parallel_loop3A_243 : i32
        %parallel_loop3A_245 = arith.index_cast %parallel_loop3A_244 : i32 to index
        %parallel_loop3A_246 = arith.constant 0 : index
        %parallel_loop3A_247 = tpu.vector_load %arg8[%parallel_loop3A_245, %parallel_loop3A_246] {strides = array<i32>} : memref<104x64xi32, #tpu.memory_space<vmem>>, vector<1x16xi32>,
        %parallel_loop3A_248 = vector.shape_cast %parallel_loop3A_247 : vector<1x16xi32> to vector<16xi32>
        %parallel_loop3A_249 = arith.constant 16 : i32
        %parallel_loop3A_250 = vector.broadcast %parallel_loop3A_249 : i32 to vector<16xi32>
        %parallel_loop3A_251 = arith.shli %parallel_loop3A_248, %parallel_loop3A_250 : vector<16xi32>
        %parallel_loop3A_252 = tpu.bitcast %parallel_loop3A_251 : vector<16xi32> -> vector<16xf32>
        %parallel_loop3A_253 = tpu.bitcast %parallel_loop3A_248 : vector<16xi32> -> vector<16xf32>
        %parallel_loop3A_254 = arith.addf %parallel_loop3A_208, %parallel_loop3A_252 : vector<16xf32>
        %parallel_loop3A_255 = arith.addf %parallel_loop3A_209, %parallel_loop3A_253 : vector<16xf32>
        %parallel_loop3A_256 = arith.index_cast %parallel_loop3A_244 : i32 to index
        %parallel_loop3A_257 = arith.constant 16 : index
        %parallel_loop3A_258 = tpu.vector_load %arg8[%parallel_loop3A_256, %parallel_loop3A_257] {strides = array<i32>} : memref<104x64xi32, #tpu.memory_space<vmem>>, vector<1x16xi32>,
        %parallel_loop3A_259 = vector.shape_cast %parallel_loop3A_258 : vector<1x16xi32> to vector<16xi32>
        %parallel_loop3A_260 = arith.constant 16 : i32
        %parallel_loop3A_261 = vector.broadcast %parallel_loop3A_260 : i32 to vector<16xi32>
        %parallel_loop3A_262 = arith.shli %parallel_loop3A_259, %parallel_loop3A_261 : vector<16xi32>
        %parallel_loop3A_263 = tpu.bitcast %parallel_loop3A_262 : vector<16xi32> -> vector<16xf32>
        %parallel_loop3A_264 = tpu.bitcast %parallel_loop3A_259 : vector<16xi32> -> vector<16xf32>
        %parallel_loop3A_265 = arith.addf %parallel_loop3A_219, %parallel_loop3A_263 : vector<16xf32>
        %parallel_loop3A_266 = arith.addf %parallel_loop3A_220, %parallel_loop3A_264 : vector<16xf32>
        %parallel_loop3A_267 = arith.index_cast %parallel_loop3A_244 : i32 to index
        %parallel_loop3A_268 = arith.constant 32 : index
        %parallel_loop3A_269 = tpu.vector_load %arg8[%parallel_loop3A_267, %parallel_loop3A_268] {strides = array<i32>} : memref<104x64xi32, #tpu.memory_space<vmem>>, vector<1x16xi32>,
        %parallel_loop3A_270 = vector.shape_cast %parallel_loop3A_269 : vector<1x16xi32> to vector<16xi32>
        %parallel_loop3A_271 = arith.constant 16 : i32
        %parallel_loop3A_272 = vector.broadcast %parallel_loop3A_271 : i32 to vector<16xi32>
        %parallel_loop3A_273 = arith.shli %parallel_loop3A_270, %parallel_loop3A_272 : vector<16xi32>
        %parallel_loop3A_274 = tpu.bitcast %parallel_loop3A_273 : vector<16xi32> -> vector<16xf32>
        %parallel_loop3A_275 = tpu.bitcast %parallel_loop3A_270 : vector<16xi32> -> vector<16xf32>
        %parallel_loop3A_276 = arith.addf %parallel_loop3A_230, %parallel_loop3A_274 : vector<16xf32>
        %parallel_loop3A_277 = arith.addf %parallel_loop3A_231, %parallel_loop3A_275 : vector<16xf32>
        %parallel_loop3A_278 = arith.index_cast %parallel_loop3A_244 : i32 to index
        %parallel_loop3A_279 = arith.constant 48 : index
        %parallel_loop3A_280 = tpu.vector_load %arg8[%parallel_loop3A_278, %parallel_loop3A_279] {strides = array<i32>} : memref<104x64xi32, #tpu.memory_space<vmem>>, vector<1x16xi32>,
        %parallel_loop3A_281 = vector.shape_cast %parallel_loop3A_280 : vector<1x16xi32> to vector<16xi32>
        %parallel_loop3A_282 = arith.constant 16 : i32
        %parallel_loop3A_283 = vector.broadcast %parallel_loop3A_282 : i32 to vector<16xi32>
        %parallel_loop3A_284 = arith.shli %parallel_loop3A_281, %parallel_loop3A_283 : vector<16xi32>
        %parallel_loop3A_285 = tpu.bitcast %parallel_loop3A_284 : vector<16xi32> -> vector<16xf32>
        %parallel_loop3A_286 = tpu.bitcast %parallel_loop3A_281 : vector<16xi32> -> vector<16xf32>
        %parallel_loop3A_287 = arith.addf %parallel_loop3A_241, %parallel_loop3A_285 : vector<16xf32>
        %parallel_loop3A_288 = arith.addf %parallel_loop3A_242, %parallel_loop3A_286 : vector<16xf32>
        %parallel_loop3A_289 = arith.constant 2 : i32
        %parallel_loop3A_290 = arith.addi %parallel_loop3A_196, %parallel_loop3A_289 : i32
        %parallel_loop3A_291 = arith.index_cast %parallel_loop3A_290 : i32 to index
        %parallel_loop3A_292 = arith.constant 0 : index
        %parallel_loop3A_293 = tpu.vector_load %arg8[%parallel_loop3A_291, %parallel_loop3A_292] {strides = array<i32>} : memref<104x64xi32, #tpu.memory_space<vmem>>, vector<1x16xi32>,
        %parallel_loop3A_294 = vector.shape_cast %parallel_loop3A_293 : vector<1x16xi32> to vector<16xi32>
        %parallel_loop3A_295 = arith.constant 16 : i32
        %parallel_loop3A_296 = vector.broadcast %parallel_loop3A_295 : i32 to vector<16xi32>
        %parallel_loop3A_297 = arith.shli %parallel_loop3A_294, %parallel_loop3A_296 : vector<16xi32>
        %parallel_loop3A_298 = tpu.bitcast %parallel_loop3A_297 : vector<16xi32> -> vector<16xf32>
        %parallel_loop3A_299 = tpu.bitcast %parallel_loop3A_294 : vector<16xi32> -> vector<16xf32>
        %parallel_loop3A_300 = arith.addf %parallel_loop3A_254, %parallel_loop3A_298 : vector<16xf32>
        %parallel_loop3A_301 = arith.addf %parallel_loop3A_255, %parallel_loop3A_299 : vector<16xf32>
        %parallel_loop3A_302 = arith.index_cast %parallel_loop3A_290 : i32 to index
        %parallel_loop3A_303 = arith.constant 16 : index
        %parallel_loop3A_304 = tpu.vector_load %arg8[%parallel_loop3A_302, %parallel_loop3A_303] {strides = array<i32>} : memref<104x64xi32, #tpu.memory_space<vmem>>, vector<1x16xi32>,
        %parallel_loop3A_305 = vector.shape_cast %parallel_loop3A_304 : vector<1x16xi32> to vector<16xi32>
        %parallel_loop3A_306 = arith.constant 16 : i32
        %parallel_loop3A_307 = vector.broadcast %parallel_loop3A_306 : i32 to vector<16xi32>
        %parallel_loop3A_308 = arith.shli %parallel_loop3A_305, %parallel_loop3A_307 : vector<16xi32>
        %parallel_loop3A_309 = tpu.bitcast %parallel_loop3A_308 : vector<16xi32> -> vector<16xf32>
        %parallel_loop3A_310 = tpu.bitcast %parallel_loop3A_305 : vector<16xi32> -> vector<16xf32>
        %parallel_loop3A_311 = arith.addf %parallel_loop3A_265, %parallel_loop3A_309 : vector<16xf32>
        %parallel_loop3A_312 = arith.addf %parallel_loop3A_266, %parallel_loop3A_310 : vector<16xf32>
        %parallel_loop3A_313 = arith.index_cast %parallel_loop3A_290 : i32 to index
        %parallel_loop3A_314 = arith.constant 32 : index
        %parallel_loop3A_315 = tpu.vector_load %arg8[%parallel_loop3A_313, %parallel_loop3A_314] {strides = array<i32>} : memref<104x64xi32, #tpu.memory_space<vmem>>, vector<1x16xi32>,
        %parallel_loop3A_316 = vector.shape_cast %parallel_loop3A_315 : vector<1x16xi32> to vector<16xi32>
        %parallel_loop3A_317 = arith.constant 16 : i32
        %parallel_loop3A_318 = vector.broadcast %parallel_loop3A_317 : i32 to vector<16xi32>
        %parallel_loop3A_319 = arith.shli %parallel_loop3A_316, %parallel_loop3A_318 : vector<16xi32>
        %parallel_loop3A_320 = tpu.bitcast %parallel_loop3A_319 : vector<16xi32> -> vector<16xf32>
        %parallel_loop3A_321 = tpu.bitcast %parallel_loop3A_316 : vector<16xi32> -> vector<16xf32>
        %parallel_loop3A_322 = arith.addf %parallel_loop3A_276, %parallel_loop3A_320 : vector<16xf32>
        %parallel_loop3A_323 = arith.addf %parallel_loop3A_277, %parallel_loop3A_321 : vector<16xf32>
        %parallel_loop3A_324 = arith.index_cast %parallel_loop3A_290 : i32 to index
        %parallel_loop3A_325 = arith.constant 48 : index
        %parallel_loop3A_326 = tpu.vector_load %arg8[%parallel_loop3A_324, %parallel_loop3A_325] {strides = array<i32>} : memref<104x64xi32, #tpu.memory_space<vmem>>, vector<1x16xi32>,
        %parallel_loop3A_327 = vector.shape_cast %parallel_loop3A_326 : vector<1x16xi32> to vector<16xi32>
        %parallel_loop3A_328 = arith.constant 16 : i32
        %parallel_loop3A_329 = vector.broadcast %parallel_loop3A_328 : i32 to vector<16xi32>
        %parallel_loop3A_330 = arith.shli %parallel_loop3A_327, %parallel_loop3A_329 : vector<16xi32>
        %parallel_loop3A_331 = tpu.bitcast %parallel_loop3A_330 : vector<16xi32> -> vector<16xf32>
        %parallel_loop3A_332 = tpu.bitcast %parallel_loop3A_327 : vector<16xi32> -> vector<16xf32>
        %parallel_loop3A_333 = arith.addf %parallel_loop3A_287, %parallel_loop3A_331 : vector<16xf32>
        %parallel_loop3A_334 = arith.addf %parallel_loop3A_288, %parallel_loop3A_332 : vector<16xf32>
        %parallel_loop3A_335 = arith.constant 3 : i32
        %parallel_loop3A_336 = arith.addi %parallel_loop3A_196, %parallel_loop3A_335 : i32
        %parallel_loop3A_337 = arith.index_cast %parallel_loop3A_336 : i32 to index
        %parallel_loop3A_338 = arith.constant 0 : index
        %parallel_loop3A_339 = tpu.vector_load %arg8[%parallel_loop3A_337, %parallel_loop3A_338] {strides = array<i32>} : memref<104x64xi32, #tpu.memory_space<vmem>>, vector<1x16xi32>,
        %parallel_loop3A_340 = vector.shape_cast %parallel_loop3A_339 : vector<1x16xi32> to vector<16xi32>
        %parallel_loop3A_341 = arith.constant 16 : i32
        %parallel_loop3A_342 = vector.broadcast %parallel_loop3A_341 : i32 to vector<16xi32>
        %parallel_loop3A_343 = arith.shli %parallel_loop3A_340, %parallel_loop3A_342 : vector<16xi32>
        %parallel_loop3A_344 = tpu.bitcast %parallel_loop3A_343 : vector<16xi32> -> vector<16xf32>
        %parallel_loop3A_345 = tpu.bitcast %parallel_loop3A_340 : vector<16xi32> -> vector<16xf32>
        %parallel_loop3A_346 = arith.addf %parallel_loop3A_300, %parallel_loop3A_344 : vector<16xf32>
        %parallel_loop3A_347 = arith.addf %parallel_loop3A_301, %parallel_loop3A_345 : vector<16xf32>
        %parallel_loop3A_348 = arith.index_cast %parallel_loop3A_336 : i32 to index
        %parallel_loop3A_349 = arith.constant 16 : index
        %parallel_loop3A_350 = tpu.vector_load %arg8[%parallel_loop3A_348, %parallel_loop3A_349] {strides = array<i32>} : memref<104x64xi32, #tpu.memory_space<vmem>>, vector<1x16xi32>,
        %parallel_loop3A_351 = vector.shape_cast %parallel_loop3A_350 : vector<1x16xi32> to vector<16xi32>
        %parallel_loop3A_352 = arith.constant 16 : i32
        %parallel_loop3A_353 = vector.broadcast %parallel_loop3A_352 : i32 to vector<16xi32>
        %parallel_loop3A_354 = arith.shli %parallel_loop3A_351, %parallel_loop3A_353 : vector<16xi32>
        %parallel_loop3A_355 = tpu.bitcast %parallel_loop3A_354 : vector<16xi32> -> vector<16xf32>
        %parallel_loop3A_356 = tpu.bitcast %parallel_loop3A_351 : vector<16xi32> -> vector<16xf32>
        %parallel_loop3A_357 = arith.addf %parallel_loop3A_311, %parallel_loop3A_355 : vector<16xf32>
        %parallel_loop3A_358 = arith.addf %parallel_loop3A_312, %parallel_loop3A_356 : vector<16xf32>
        %parallel_loop3A_359 = arith.index_cast %parallel_loop3A_336 : i32 to index
        %parallel_loop3A_360 = arith.constant 32 : index
        %parallel_loop3A_361 = tpu.vector_load %arg8[%parallel_loop3A_359, %parallel_loop3A_360] {strides = array<i32>} : memref<104x64xi32, #tpu.memory_space<vmem>>, vector<1x16xi32>,
        %parallel_loop3A_362 = vector.shape_cast %parallel_loop3A_361 : vector<1x16xi32> to vector<16xi32>
        %parallel_loop3A_363 = arith.constant 16 : i32
        %parallel_loop3A_364 = vector.broadcast %parallel_loop3A_363 : i32 to vector<16xi32>
        %parallel_loop3A_365 = arith.shli %parallel_loop3A_362, %parallel_loop3A_364 : vector<16xi32>
        %parallel_loop3A_366 = tpu.bitcast %parallel_loop3A_365 : vector<16xi32> -> vector<16xf32>
        %parallel_loop3A_367 = tpu.bitcast %parallel_loop3A_362 : vector<16xi32> -> vector<16xf32>
        %parallel_loop3A_368 = arith.addf %parallel_loop3A_322, %parallel_loop3A_366 : vector<16xf32>
        %parallel_loop3A_369 = arith.addf %parallel_loop3A_323, %parallel_loop3A_367 : vector<16xf32>
        %parallel_loop3A_370 = arith.index_cast %parallel_loop3A_336 : i32 to index
        %parallel_loop3A_371 = arith.constant 48 : index
        %parallel_loop3A_372 = tpu.vector_load %arg8[%parallel_loop3A_370, %parallel_loop3A_371] {strides = array<i32>} : memref<104x64xi32, #tpu.memory_space<vmem>>, vector<1x16xi32>,
        %parallel_loop3A_373 = vector.shape_cast %parallel_loop3A_372 : vector<1x16xi32> to vector<16xi32>
        %parallel_loop3A_374 = arith.constant 16 : i32
        %parallel_loop3A_375 = vector.broadcast %parallel_loop3A_374 : i32 to vector<16xi32>
        %parallel_loop3A_376 = arith.shli %parallel_loop3A_373, %parallel_loop3A_375 : vector<16xi32>
        %parallel_loop3A_377 = tpu.bitcast %parallel_loop3A_376 : vector<16xi32> -> vector<16xf32>
        %parallel_loop3A_378 = tpu.bitcast %parallel_loop3A_373 : vector<16xi32> -> vector<16xf32>
        %parallel_loop3A_379 = arith.addf %parallel_loop3A_333, %parallel_loop3A_377 : vector<16xf32>
        %parallel_loop3A_380 = arith.addf %parallel_loop3A_334, %parallel_loop3A_378 : vector<16xf32>
        scf.yield %parallel_loop3A_346, %parallel_loop3A_357, %parallel_loop3A_368, %parallel_loop3A_379, %parallel_loop3A_347, %parallel_loop3A_358, %parallel_loop3A_369, %parallel_loop3A_380 : vector<16xf32>, vector<16xf32>, vector<16xf32>, vector<16xf32>, vector<16xf32>, vector<16xf32>, vector<16xf32>, vector<16xf32>
      } {sc.loop_unroll_factor = 1 : i64, sc.parallel_access}
      %parallel_loop3A_142 = arith.constant 0 : i32
      %parallel_loop3A_143 = arith.constant 24 : i32
      %parallel_loop3A_144 = arith.constant 1 : i32
      %parallel_loop3A_145:8 = scf.for %parallel_loop3A_186 = %parallel_loop3A_142 to %parallel_loop3A_143 step %parallel_loop3A_144 iter_args(%parallel_loop3A_187 = %parallel_loop3A_141#0, %parallel_loop3A_188 = %parallel_loop3A_141#1, %parallel_loop3A_189 = %parallel_loop3A_141#2, %parallel_loop3A_190 = %parallel_loop3A_141#3, %parallel_loop3A_191 = %parallel_loop3A_141#4, %parallel_loop3A_192 = %parallel_loop3A_141#5, %parallel_loop3A_193 = %parallel_loop3A_141#6, %parallel_loop3A_194 = %parallel_loop3A_141#7) -> (vector<16xf32>, vector<16xf32>, vector<16xf32>, vector<16xf32>, vector<16xf32>, vector<16xf32>, vector<16xf32>, vector<16xf32>)  : i32 {
        %parallel_loop3A_195 = arith.constant 4 : i32
        %parallel_loop3A_196 = arith.muli %parallel_loop3A_195, %parallel_loop3A_186 : i32
        %parallel_loop3A_197 = arith.constant 0 : i32
        %parallel_loop3A_198 = arith.addi %parallel_loop3A_196, %parallel_loop3A_197 : i32
        %parallel_loop3A_199 = arith.index_cast %parallel_loop3A_198 : i32 to index
        %parallel_loop3A_200 = arith.constant 0 : index
        %parallel_loop3A_201 = tpu.vector_load %arg9[%parallel_loop3A_199, %parallel_loop3A_200] {strides = array<i32>} : memref<96x64xi32, #tpu.memory_space<vmem>>, vector<1x16xi32>,
        %parallel_loop3A_202 = vector.shape_cast %parallel_loop3A_201 : vector<1x16xi32> to vector<16xi32>
        %parallel_loop3A_203 = arith.constant 16 : i32
        %parallel_loop3A_204 = vector.broadcast %parallel_loop3A_203 : i32 to vector<16xi32>
        %parallel_loop3A_205 = arith.shli %parallel_loop3A_202, %parallel_loop3A_204 : vector<16xi32>
        %parallel_loop3A_206 = tpu.bitcast %parallel_loop3A_205 : vector<16xi32> -> vector<16xf32>
        %parallel_loop3A_207 = tpu.bitcast %parallel_loop3A_202 : vector<16xi32> -> vector<16xf32>
        %parallel_loop3A_208 = arith.addf %parallel_loop3A_187, %parallel_loop3A_206 : vector<16xf32>
        %parallel_loop3A_209 = arith.addf %parallel_loop3A_191, %parallel_loop3A_207 : vector<16xf32>
        %parallel_loop3A_210 = arith.index_cast %parallel_loop3A_198 : i32 to index
        %parallel_loop3A_211 = arith.constant 16 : index
        %parallel_loop3A_212 = tpu.vector_load %arg9[%parallel_loop3A_210, %parallel_loop3A_211] {strides = array<i32>} : memref<96x64xi32, #tpu.memory_space<vmem>>, vector<1x16xi32>,
        %parallel_loop3A_213 = vector.shape_cast %parallel_loop3A_212 : vector<1x16xi32> to vector<16xi32>
        %parallel_loop3A_214 = arith.constant 16 : i32
        %parallel_loop3A_215 = vector.broadcast %parallel_loop3A_214 : i32 to vector<16xi32>
        %parallel_loop3A_216 = arith.shli %parallel_loop3A_213, %parallel_loop3A_215 : vector<16xi32>
        %parallel_loop3A_217 = tpu.bitcast %parallel_loop3A_216 : vector<16xi32> -> vector<16xf32>
        %parallel_loop3A_218 = tpu.bitcast %parallel_loop3A_213 : vector<16xi32> -> vector<16xf32>
        %parallel_loop3A_219 = arith.addf %parallel_loop3A_188, %parallel_loop3A_217 : vector<16xf32>
        %parallel_loop3A_220 = arith.addf %parallel_loop3A_192, %parallel_loop3A_218 : vector<16xf32>
        %parallel_loop3A_221 = arith.index_cast %parallel_loop3A_198 : i32 to index
        %parallel_loop3A_222 = arith.constant 32 : index
        %parallel_loop3A_223 = tpu.vector_load %arg9[%parallel_loop3A_221, %parallel_loop3A_222] {strides = array<i32>} : memref<96x64xi32, #tpu.memory_space<vmem>>, vector<1x16xi32>,
        %parallel_loop3A_224 = vector.shape_cast %parallel_loop3A_223 : vector<1x16xi32> to vector<16xi32>
        %parallel_loop3A_225 = arith.constant 16 : i32
        %parallel_loop3A_226 = vector.broadcast %parallel_loop3A_225 : i32 to vector<16xi32>
        %parallel_loop3A_227 = arith.shli %parallel_loop3A_224, %parallel_loop3A_226 : vector<16xi32>
        %parallel_loop3A_228 = tpu.bitcast %parallel_loop3A_227 : vector<16xi32> -> vector<16xf32>
        %parallel_loop3A_229 = tpu.bitcast %parallel_loop3A_224 : vector<16xi32> -> vector<16xf32>
        %parallel_loop3A_230 = arith.addf %parallel_loop3A_189, %parallel_loop3A_228 : vector<16xf32>
        %parallel_loop3A_231 = arith.addf %parallel_loop3A_193, %parallel_loop3A_229 : vector<16xf32>
        %parallel_loop3A_232 = arith.index_cast %parallel_loop3A_198 : i32 to index
        %parallel_loop3A_233 = arith.constant 48 : index
        %parallel_loop3A_234 = tpu.vector_load %arg9[%parallel_loop3A_232, %parallel_loop3A_233] {strides = array<i32>} : memref<96x64xi32, #tpu.memory_space<vmem>>, vector<1x16xi32>,
        %parallel_loop3A_235 = vector.shape_cast %parallel_loop3A_234 : vector<1x16xi32> to vector<16xi32>
        %parallel_loop3A_236 = arith.constant 16 : i32
        %parallel_loop3A_237 = vector.broadcast %parallel_loop3A_236 : i32 to vector<16xi32>
        %parallel_loop3A_238 = arith.shli %parallel_loop3A_235, %parallel_loop3A_237 : vector<16xi32>
        %parallel_loop3A_239 = tpu.bitcast %parallel_loop3A_238 : vector<16xi32> -> vector<16xf32>
        %parallel_loop3A_240 = tpu.bitcast %parallel_loop3A_235 : vector<16xi32> -> vector<16xf32>
        %parallel_loop3A_241 = arith.addf %parallel_loop3A_190, %parallel_loop3A_239 : vector<16xf32>
        %parallel_loop3A_242 = arith.addf %parallel_loop3A_194, %parallel_loop3A_240 : vector<16xf32>
        %parallel_loop3A_243 = arith.constant 1 : i32
        %parallel_loop3A_244 = arith.addi %parallel_loop3A_196, %parallel_loop3A_243 : i32
        %parallel_loop3A_245 = arith.index_cast %parallel_loop3A_244 : i32 to index
        %parallel_loop3A_246 = arith.constant 0 : index
        %parallel_loop3A_247 = tpu.vector_load %arg9[%parallel_loop3A_245, %parallel_loop3A_246] {strides = array<i32>} : memref<96x64xi32, #tpu.memory_space<vmem>>, vector<1x16xi32>,
        %parallel_loop3A_248 = vector.shape_cast %parallel_loop3A_247 : vector<1x16xi32> to vector<16xi32>
        %parallel_loop3A_249 = arith.constant 16 : i32
        %parallel_loop3A_250 = vector.broadcast %parallel_loop3A_249 : i32 to vector<16xi32>
        %parallel_loop3A_251 = arith.shli %parallel_loop3A_248, %parallel_loop3A_250 : vector<16xi32>
        %parallel_loop3A_252 = tpu.bitcast %parallel_loop3A_251 : vector<16xi32> -> vector<16xf32>
        %parallel_loop3A_253 = tpu.bitcast %parallel_loop3A_248 : vector<16xi32> -> vector<16xf32>
        %parallel_loop3A_254 = arith.addf %parallel_loop3A_208, %parallel_loop3A_252 : vector<16xf32>
        %parallel_loop3A_255 = arith.addf %parallel_loop3A_209, %parallel_loop3A_253 : vector<16xf32>
        %parallel_loop3A_256 = arith.index_cast %parallel_loop3A_244 : i32 to index
        %parallel_loop3A_257 = arith.constant 16 : index
        %parallel_loop3A_258 = tpu.vector_load %arg9[%parallel_loop3A_256, %parallel_loop3A_257] {strides = array<i32>} : memref<96x64xi32, #tpu.memory_space<vmem>>, vector<1x16xi32>,
        %parallel_loop3A_259 = vector.shape_cast %parallel_loop3A_258 : vector<1x16xi32> to vector<16xi32>
        %parallel_loop3A_260 = arith.constant 16 : i32
        %parallel_loop3A_261 = vector.broadcast %parallel_loop3A_260 : i32 to vector<16xi32>
        %parallel_loop3A_262 = arith.shli %parallel_loop3A_259, %parallel_loop3A_261 : vector<16xi32>
        %parallel_loop3A_263 = tpu.bitcast %parallel_loop3A_262 : vector<16xi32> -> vector<16xf32>
        %parallel_loop3A_264 = tpu.bitcast %parallel_loop3A_259 : vector<16xi32> -> vector<16xf32>
        %parallel_loop3A_265 = arith.addf %parallel_loop3A_219, %parallel_loop3A_263 : vector<16xf32>
        %parallel_loop3A_266 = arith.addf %parallel_loop3A_220, %parallel_loop3A_264 : vector<16xf32>
        %parallel_loop3A_267 = arith.index_cast %parallel_loop3A_244 : i32 to index
        %parallel_loop3A_268 = arith.constant 32 : index
        %parallel_loop3A_269 = tpu.vector_load %arg9[%parallel_loop3A_267, %parallel_loop3A_268] {strides = array<i32>} : memref<96x64xi32, #tpu.memory_space<vmem>>, vector<1x16xi32>,
        %parallel_loop3A_270 = vector.shape_cast %parallel_loop3A_269 : vector<1x16xi32> to vector<16xi32>
        %parallel_loop3A_271 = arith.constant 16 : i32
        %parallel_loop3A_272 = vector.broadcast %parallel_loop3A_271 : i32 to vector<16xi32>
        %parallel_loop3A_273 = arith.shli %parallel_loop3A_270, %parallel_loop3A_272 : vector<16xi32>
        %parallel_loop3A_274 = tpu.bitcast %parallel_loop3A_273 : vector<16xi32> -> vector<16xf32>
        %parallel_loop3A_275 = tpu.bitcast %parallel_loop3A_270 : vector<16xi32> -> vector<16xf32>
        %parallel_loop3A_276 = arith.addf %parallel_loop3A_230, %parallel_loop3A_274 : vector<16xf32>
        %parallel_loop3A_277 = arith.addf %parallel_loop3A_231, %parallel_loop3A_275 : vector<16xf32>
        %parallel_loop3A_278 = arith.index_cast %parallel_loop3A_244 : i32 to index
        %parallel_loop3A_279 = arith.constant 48 : index
        %parallel_loop3A_280 = tpu.vector_load %arg9[%parallel_loop3A_278, %parallel_loop3A_279] {strides = array<i32>} : memref<96x64xi32, #tpu.memory_space<vmem>>, vector<1x16xi32>,
        %parallel_loop3A_281 = vector.shape_cast %parallel_loop3A_280 : vector<1x16xi32> to vector<16xi32>
        %parallel_loop3A_282 = arith.constant 16 : i32
        %parallel_loop3A_283 = vector.broadcast %parallel_loop3A_282 : i32 to vector<16xi32>
        %parallel_loop3A_284 = arith.shli %parallel_loop3A_281, %parallel_loop3A_283 : vector<16xi32>
        %parallel_loop3A_285 = tpu.bitcast %parallel_loop3A_284 : vector<16xi32> -> vector<16xf32>
        %parallel_loop3A_286 = tpu.bitcast %parallel_loop3A_281 : vector<16xi32> -> vector<16xf32>
        %parallel_loop3A_287 = arith.addf %parallel_loop3A_241, %parallel_loop3A_285 : vector<16xf32>
        %parallel_loop3A_288 = arith.addf %parallel_loop3A_242, %parallel_loop3A_286 : vector<16xf32>
        %parallel_loop3A_289 = arith.constant 2 : i32
        %parallel_loop3A_290 = arith.addi %parallel_loop3A_196, %parallel_loop3A_289 : i32
        %parallel_loop3A_291 = arith.index_cast %parallel_loop3A_290 : i32 to index
        %parallel_loop3A_292 = arith.constant 0 : index
        %parallel_loop3A_293 = tpu.vector_load %arg9[%parallel_loop3A_291, %parallel_loop3A_292] {strides = array<i32>} : memref<96x64xi32, #tpu.memory_space<vmem>>, vector<1x16xi32>,
        %parallel_loop3A_294 = vector.shape_cast %parallel_loop3A_293 : vector<1x16xi32> to vector<16xi32>
        %parallel_loop3A_295 = arith.constant 16 : i32
        %parallel_loop3A_296 = vector.broadcast %parallel_loop3A_295 : i32 to vector<16xi32>
        %parallel_loop3A_297 = arith.shli %parallel_loop3A_294, %parallel_loop3A_296 : vector<16xi32>
        %parallel_loop3A_298 = tpu.bitcast %parallel_loop3A_297 : vector<16xi32> -> vector<16xf32>
        %parallel_loop3A_299 = tpu.bitcast %parallel_loop3A_294 : vector<16xi32> -> vector<16xf32>
        %parallel_loop3A_300 = arith.addf %parallel_loop3A_254, %parallel_loop3A_298 : vector<16xf32>
        %parallel_loop3A_301 = arith.addf %parallel_loop3A_255, %parallel_loop3A_299 : vector<16xf32>
        %parallel_loop3A_302 = arith.index_cast %parallel_loop3A_290 : i32 to index
        %parallel_loop3A_303 = arith.constant 16 : index
        %parallel_loop3A_304 = tpu.vector_load %arg9[%parallel_loop3A_302, %parallel_loop3A_303] {strides = array<i32>} : memref<96x64xi32, #tpu.memory_space<vmem>>, vector<1x16xi32>,
        %parallel_loop3A_305 = vector.shape_cast %parallel_loop3A_304 : vector<1x16xi32> to vector<16xi32>
        %parallel_loop3A_306 = arith.constant 16 : i32
        %parallel_loop3A_307 = vector.broadcast %parallel_loop3A_306 : i32 to vector<16xi32>
        %parallel_loop3A_308 = arith.shli %parallel_loop3A_305, %parallel_loop3A_307 : vector<16xi32>
        %parallel_loop3A_309 = tpu.bitcast %parallel_loop3A_308 : vector<16xi32> -> vector<16xf32>
        %parallel_loop3A_310 = tpu.bitcast %parallel_loop3A_305 : vector<16xi32> -> vector<16xf32>
        %parallel_loop3A_311 = arith.addf %parallel_loop3A_265, %parallel_loop3A_309 : vector<16xf32>
        %parallel_loop3A_312 = arith.addf %parallel_loop3A_266, %parallel_loop3A_310 : vector<16xf32>
        %parallel_loop3A_313 = arith.index_cast %parallel_loop3A_290 : i32 to index
        %parallel_loop3A_314 = arith.constant 32 : index
        %parallel_loop3A_315 = tpu.vector_load %arg9[%parallel_loop3A_313, %parallel_loop3A_314] {strides = array<i32>} : memref<96x64xi32, #tpu.memory_space<vmem>>, vector<1x16xi32>,
        %parallel_loop3A_316 = vector.shape_cast %parallel_loop3A_315 : vector<1x16xi32> to vector<16xi32>
        %parallel_loop3A_317 = arith.constant 16 : i32
        %parallel_loop3A_318 = vector.broadcast %parallel_loop3A_317 : i32 to vector<16xi32>
        %parallel_loop3A_319 = arith.shli %parallel_loop3A_316, %parallel_loop3A_318 : vector<16xi32>
        %parallel_loop3A_320 = tpu.bitcast %parallel_loop3A_319 : vector<16xi32> -> vector<16xf32>
        %parallel_loop3A_321 = tpu.bitcast %parallel_loop3A_316 : vector<16xi32> -> vector<16xf32>
        %parallel_loop3A_322 = arith.addf %parallel_loop3A_276, %parallel_loop3A_320 : vector<16xf32>
        %parallel_loop3A_323 = arith.addf %parallel_loop3A_277, %parallel_loop3A_321 : vector<16xf32>
        %parallel_loop3A_324 = arith.index_cast %parallel_loop3A_290 : i32 to index
        %parallel_loop3A_325 = arith.constant 48 : index
        %parallel_loop3A_326 = tpu.vector_load %arg9[%parallel_loop3A_324, %parallel_loop3A_325] {strides = array<i32>} : memref<96x64xi32, #tpu.memory_space<vmem>>, vector<1x16xi32>,
        %parallel_loop3A_327 = vector.shape_cast %parallel_loop3A_326 : vector<1x16xi32> to vector<16xi32>
        %parallel_loop3A_328 = arith.constant 16 : i32
        %parallel_loop3A_329 = vector.broadcast %parallel_loop3A_328 : i32 to vector<16xi32>
        %parallel_loop3A_330 = arith.shli %parallel_loop3A_327, %parallel_loop3A_329 : vector<16xi32>
        %parallel_loop3A_331 = tpu.bitcast %parallel_loop3A_330 : vector<16xi32> -> vector<16xf32>
        %parallel_loop3A_332 = tpu.bitcast %parallel_loop3A_327 : vector<16xi32> -> vector<16xf32>
        %parallel_loop3A_333 = arith.addf %parallel_loop3A_287, %parallel_loop3A_331 : vector<16xf32>
        %parallel_loop3A_334 = arith.addf %parallel_loop3A_288, %parallel_loop3A_332 : vector<16xf32>
        %parallel_loop3A_335 = arith.constant 3 : i32
        %parallel_loop3A_336 = arith.addi %parallel_loop3A_196, %parallel_loop3A_335 : i32
        %parallel_loop3A_337 = arith.index_cast %parallel_loop3A_336 : i32 to index
        %parallel_loop3A_338 = arith.constant 0 : index
        %parallel_loop3A_339 = tpu.vector_load %arg9[%parallel_loop3A_337, %parallel_loop3A_338] {strides = array<i32>} : memref<96x64xi32, #tpu.memory_space<vmem>>, vector<1x16xi32>,
        %parallel_loop3A_340 = vector.shape_cast %parallel_loop3A_339 : vector<1x16xi32> to vector<16xi32>
        %parallel_loop3A_341 = arith.constant 16 : i32
        %parallel_loop3A_342 = vector.broadcast %parallel_loop3A_341 : i32 to vector<16xi32>
        %parallel_loop3A_343 = arith.shli %parallel_loop3A_340, %parallel_loop3A_342 : vector<16xi32>
        %parallel_loop3A_344 = tpu.bitcast %parallel_loop3A_343 : vector<16xi32> -> vector<16xf32>
        %parallel_loop3A_345 = tpu.bitcast %parallel_loop3A_340 : vector<16xi32> -> vector<16xf32>
        %parallel_loop3A_346 = arith.addf %parallel_loop3A_300, %parallel_loop3A_344 : vector<16xf32>
        %parallel_loop3A_347 = arith.addf %parallel_loop3A_301, %parallel_loop3A_345 : vector<16xf32>
        %parallel_loop3A_348 = arith.index_cast %parallel_loop3A_336 : i32 to index
        %parallel_loop3A_349 = arith.constant 16 : index
        %parallel_loop3A_350 = tpu.vector_load %arg9[%parallel_loop3A_348, %parallel_loop3A_349] {strides = array<i32>} : memref<96x64xi32, #tpu.memory_space<vmem>>, vector<1x16xi32>,
        %parallel_loop3A_351 = vector.shape_cast %parallel_loop3A_350 : vector<1x16xi32> to vector<16xi32>
        %parallel_loop3A_352 = arith.constant 16 : i32
        %parallel_loop3A_353 = vector.broadcast %parallel_loop3A_352 : i32 to vector<16xi32>
        %parallel_loop3A_354 = arith.shli %parallel_loop3A_351, %parallel_loop3A_353 : vector<16xi32>
        %parallel_loop3A_355 = tpu.bitcast %parallel_loop3A_354 : vector<16xi32> -> vector<16xf32>
        %parallel_loop3A_356 = tpu.bitcast %parallel_loop3A_351 : vector<16xi32> -> vector<16xf32>
        %parallel_loop3A_357 = arith.addf %parallel_loop3A_311, %parallel_loop3A_355 : vector<16xf32>
        %parallel_loop3A_358 = arith.addf %parallel_loop3A_312, %parallel_loop3A_356 : vector<16xf32>
        %parallel_loop3A_359 = arith.index_cast %parallel_loop3A_336 : i32 to index
        %parallel_loop3A_360 = arith.constant 32 : index
        %parallel_loop3A_361 = tpu.vector_load %arg9[%parallel_loop3A_359, %parallel_loop3A_360] {strides = array<i32>} : memref<96x64xi32, #tpu.memory_space<vmem>>, vector<1x16xi32>,
        %parallel_loop3A_362 = vector.shape_cast %parallel_loop3A_361 : vector<1x16xi32> to vector<16xi32>
        %parallel_loop3A_363 = arith.constant 16 : i32
        %parallel_loop3A_364 = vector.broadcast %parallel_loop3A_363 : i32 to vector<16xi32>
        %parallel_loop3A_365 = arith.shli %parallel_loop3A_362, %parallel_loop3A_364 : vector<16xi32>
        %parallel_loop3A_366 = tpu.bitcast %parallel_loop3A_365 : vector<16xi32> -> vector<16xf32>
        %parallel_loop3A_367 = tpu.bitcast %parallel_loop3A_362 : vector<16xi32> -> vector<16xf32>
        %parallel_loop3A_368 = arith.addf %parallel_loop3A_322, %parallel_loop3A_366 : vector<16xf32>
        %parallel_loop3A_369 = arith.addf %parallel_loop3A_323, %parallel_loop3A_367 : vector<16xf32>
        %parallel_loop3A_370 = arith.index_cast %parallel_loop3A_336 : i32 to index
        %parallel_loop3A_371 = arith.constant 48 : index
        %parallel_loop3A_372 = tpu.vector_load %arg9[%parallel_loop3A_370, %parallel_loop3A_371] {strides = array<i32>} : memref<96x64xi32, #tpu.memory_space<vmem>>, vector<1x16xi32>,
        %parallel_loop3A_373 = vector.shape_cast %parallel_loop3A_372 : vector<1x16xi32> to vector<16xi32>
        %parallel_loop3A_374 = arith.constant 16 : i32
        %parallel_loop3A_375 = vector.broadcast %parallel_loop3A_374 : i32 to vector<16xi32>
        %parallel_loop3A_376 = arith.shli %parallel_loop3A_373, %parallel_loop3A_375 : vector<16xi32>
        %parallel_loop3A_377 = tpu.bitcast %parallel_loop3A_376 : vector<16xi32> -> vector<16xf32>
        %parallel_loop3A_378 = tpu.bitcast %parallel_loop3A_373 : vector<16xi32> -> vector<16xf32>
        %parallel_loop3A_379 = arith.addf %parallel_loop3A_333, %parallel_loop3A_377 : vector<16xf32>
        %parallel_loop3A_380 = arith.addf %parallel_loop3A_334, %parallel_loop3A_378 : vector<16xf32>
        scf.yield %parallel_loop3A_346, %parallel_loop3A_357, %parallel_loop3A_368, %parallel_loop3A_379, %parallel_loop3A_347, %parallel_loop3A_358, %parallel_loop3A_369, %parallel_loop3A_380 : vector<16xf32>, vector<16xf32>, vector<16xf32>, vector<16xf32>, vector<16xf32>, vector<16xf32>, vector<16xf32>, vector<16xf32>
      } {sc.loop_unroll_factor = 1 : i64, sc.parallel_access}
      %swap3A_146 = arith.index_cast %add3A_24 : i32 to index
      %swap3A_147 = arith.constant 0 : index
      %swap3A_148 = tpu.vector_load %arg10[%swap3A_146, %swap3A_147] {strides = array<i32>} : memref<128x128xf32, #tpu.memory_space<vmem>>, vector<1x16xf32>,
      %swap3A_149 = vector.shape_cast %swap3A_148 : vector<1x16xf32> to vector<16xf32>
      %swap3A_150 = vector.shape_cast %parallel_loop3A_145#0 : vector<16xf32> to vector<1x16xf32>
      tpu.vector_store %arg10[%swap3A_146, %swap3A_147], %swap3A_150 {strides = array<i32>} : memref<128x128xf32, #tpu.memory_space<vmem>>, vector<1x16xf32>,
      %swap3A_151 = arith.index_cast %add3A_24 : i32 to index
      %swap3A_152 = arith.constant 16 : index
      %swap3A_153 = tpu.vector_load %arg10[%swap3A_151, %swap3A_152] {strides = array<i32>} : memref<128x128xf32, #tpu.memory_space<vmem>>, vector<1x16xf32>,
      %swap3A_154 = vector.shape_cast %swap3A_153 : vector<1x16xf32> to vector<16xf32>
      %swap3A_155 = vector.shape_cast %parallel_loop3A_145#1 : vector<16xf32> to vector<1x16xf32>
      tpu.vector_store %arg10[%swap3A_151, %swap3A_152], %swap3A_155 {strides = array<i32>} : memref<128x128xf32, #tpu.memory_space<vmem>>, vector<1x16xf32>,
      %swap3A_156 = arith.index_cast %add3A_24 : i32 to index
      %swap3A_157 = arith.constant 32 : index
      %swap3A_158 = tpu.vector_load %arg10[%swap3A_156, %swap3A_157] {strides = array<i32>} : memref<128x128xf32, #tpu.memory_space<vmem>>, vector<1x16xf32>,
      %swap3A_159 = vector.shape_cast %swap3A_158 : vector<1x16xf32> to vector<16xf32>
      %swap3A_160 = vector.shape_cast %parallel_loop3A_145#2 : vector<16xf32> to vector<1x16xf32>
      tpu.vector_store %arg10[%swap3A_156, %swap3A_157], %swap3A_160 {strides = array<i32>} : memref<128x128xf32, #tpu.memory_space<vmem>>, vector<1x16xf32>,
      %swap3A_161 = arith.index_cast %add3A_24 : i32 to index
      %swap3A_162 = arith.constant 48 : index
      %swap3A_163 = tpu.vector_load %arg10[%swap3A_161, %swap3A_162] {strides = array<i32>} : memref<128x128xf32, #tpu.memory_space<vmem>>, vector<1x16xf32>,
      %swap3A_164 = vector.shape_cast %swap3A_163 : vector<1x16xf32> to vector<16xf32>
      %swap3A_165 = vector.shape_cast %parallel_loop3A_145#3 : vector<16xf32> to vector<1x16xf32>
      tpu.vector_store %arg10[%swap3A_161, %swap3A_162], %swap3A_165 {strides = array<i32>} : memref<128x128xf32, #tpu.memory_space<vmem>>, vector<1x16xf32>,
      %swap3A_166 = arith.index_cast %add3A_24 : i32 to index
      %swap3A_167 = arith.constant 64 : index
      %swap3A_168 = tpu.vector_load %arg10[%swap3A_166, %swap3A_167] {strides = array<i32>} : memref<128x128xf32, #tpu.memory_space<vmem>>, vector<1x16xf32>,
      %swap3A_169 = vector.shape_cast %swap3A_168 : vector<1x16xf32> to vector<16xf32>
      %swap3A_170 = vector.shape_cast %parallel_loop3A_145#4 : vector<16xf32> to vector<1x16xf32>
      tpu.vector_store %arg10[%swap3A_166, %swap3A_167], %swap3A_170 {strides = array<i32>} : memref<128x128xf32, #tpu.memory_space<vmem>>, vector<1x16xf32>,
      %swap3A_171 = arith.index_cast %add3A_24 : i32 to index
      %swap3A_172 = arith.constant 80 : index
      %swap3A_173 = tpu.vector_load %arg10[%swap3A_171, %swap3A_172] {strides = array<i32>} : memref<128x128xf32, #tpu.memory_space<vmem>>, vector<1x16xf32>,
      %swap3A_174 = vector.shape_cast %swap3A_173 : vector<1x16xf32> to vector<16xf32>
      %swap3A_175 = vector.shape_cast %parallel_loop3A_145#5 : vector<16xf32> to vector<1x16xf32>
      tpu.vector_store %arg10[%swap3A_171, %swap3A_172], %swap3A_175 {strides = array<i32>} : memref<128x128xf32, #tpu.memory_space<vmem>>, vector<1x16xf32>,
      %swap3A_176 = arith.index_cast %add3A_24 : i32 to index
      %swap3A_177 = arith.constant 96 : index
      %swap3A_178 = tpu.vector_load %arg10[%swap3A_176, %swap3A_177] {strides = array<i32>} : memref<128x128xf32, #tpu.memory_space<vmem>>, vector<1x16xf32>,
      %swap3A_179 = vector.shape_cast %swap3A_178 : vector<1x16xf32> to vector<16xf32>
      %swap3A_180 = vector.shape_cast %parallel_loop3A_145#6 : vector<16xf32> to vector<1x16xf32>
      tpu.vector_store %arg10[%swap3A_176, %swap3A_177], %swap3A_180 {strides = array<i32>} : memref<128x128xf32, #tpu.memory_space<vmem>>, vector<1x16xf32>,
      %swap3A_181 = arith.index_cast %add3A_24 : i32 to index
      %swap3A_182 = arith.constant 112 : index
      %swap3A_183 = tpu.vector_load %arg10[%swap3A_181, %swap3A_182] {strides = array<i32>} : memref<128x128xf32, #tpu.memory_space<vmem>>, vector<1x16xf32>,
      %swap3A_184 = vector.shape_cast %swap3A_183 : vector<1x16xf32> to vector<16xf32>
      %swap3A_185 = vector.shape_cast %parallel_loop3A_145#7 : vector<16xf32> to vector<1x16xf32>
      tpu.vector_store %arg10[%swap3A_181, %swap3A_182], %swap3A_185 {strides = array<i32>} : memref<128x128xf32, #tpu.memory_space<vmem>>, vector<1x16xf32>,
    }
    %scan3A_19 = arith.constant 64 : i32
    "tpu.region"() ({
      %run_scoped3A = tpu.sem_alloc : memref<!tpu.dma_semaphore, #tpu.memory_space<semaphore_mem>>
      %dma_start3A_20 = arith.constant 0 : i32
      %dma_start3A_21 = tpu.memref_slice %arg4[%mul3A_2, %dma_start3A_20] : memref<4096x128xf32, #tpu.memory_space<hbm>> -> memref<128x128xf32, #tpu.memory_space<hbm>>
      %dma_start3A_22 = arith.constant 0 : i32
      %dma_start3A_23 = tpu.memref_slice %arg4[%mul3A_2, %dma_start3A_22] : memref<4096x128xf32, #tpu.memory_space<hbm>> -> memref<128x128xf32, #tpu.memory_space<hbm>>
      tpu.enqueue_dma source(%arg10 : memref<128x128xf32, #tpu.memory_space<vmem>>) target(%dma_start3A_23 : memref<128x128xf32, #tpu.memory_space<hbm>>) target_semaphore(%run_scoped3A : memref<!tpu.dma_semaphore, #tpu.memory_space<semaphore_mem>>)
      %dma_wait3A = arith.constant 0 : i32
      %dma_wait3A_24 = tpu.memref_slice %arg4[%mul3A_2, %dma_wait3A] : memref<4096x128xf32, #tpu.memory_space<hbm>> -> memref<128x128xf32, #tpu.memory_space<hbm>>
      %dma_wait3A_25 = arith.constant 0 : i32
      %dma_wait3A_26 = tpu.memref_slice %arg4[%mul3A_2, %dma_wait3A_25] : memref<4096x128xf32, #tpu.memory_space<hbm>> -> memref<128x128xf32, #tpu.memory_space<hbm>>
      tpu.wait_dma2 semaphore(%run_scoped3A : memref<!tpu.dma_semaphore, #tpu.memory_space<semaphore_mem>>) src(%arg10 : memref<128x128xf32, #tpu.memory_space<vmem>>) dst(%dma_wait3A_26 : memref<128x128xf32, #tpu.memory_space<hbm>>)
      tpu.yield
    }) : () -> ()
    return
  }
}

#map = affine_map<(d0, d1) -> (0, 0)>
#map1 = affine_map<(d0, d1) -> (0)>
module attributes {stable_mosaic.version = 14 : i64} {
  func.func @pack_kernel(%arg0: i32, %arg1: i32, %arg2: memref<100000x128xi32, #tpu.memory_space<hbm>>, %arg3: memref<6400000xi32, #tpu.memory_space<hbm>>, %arg4: memref<112x128xi32, #tpu.memory_space<vmem>>, %arg5: memref<112x128xi32, #tpu.memory_space<vmem>>, %arg6: memref<7168xi32, #tpu.memory_space<vmem>>, %arg7: memref<7168xi32, #tpu.memory_space<vmem>>, %arg8: memref<!tpu.dma_semaphore, #tpu.memory_space<semaphore_mem>>, %arg9: memref<!tpu.dma_semaphore, #tpu.memory_space<semaphore_mem>>, %arg10: memref<!tpu.dma_semaphore, #tpu.memory_space<semaphore_mem>>, %arg11: memref<!tpu.dma_semaphore, #tpu.memory_space<semaphore_mem>>) attributes {dimension_semantics = [#tpu.dimension_semantics<core_parallel>, #tpu.dimension_semantics<subcore_parallel>], iteration_bounds = array<i64: 2, 16>, scalar_prefetch = 0 : i64, scratch_operands = 8 : i64, tpu.core_type = #tpu.core_type<sc_vector_subcore>, window_params = [{transform_indices = #map}, {transform_indices = #map1}]} {
    %mul3A = arith.constant 2 : i32
    %mul3A_0 = arith.muli %arg1, %mul3A : i32
    %add3A = arith.addi %mul3A_0, %arg0 : i32
    %mul3A_1 = arith.constant 3136 : i32
    %mul3A_2 = arith.muli %add3A, %mul3A_1 : i32
    %min3A = arith.constant 96864 : i32
    %min3A_3 = arith.minsi %mul3A_2, %min3A : i32
    %add3A_4 = arith.constant 0 : i32
    %add3A_5 = arith.addi %min3A_3, %add3A_4 : i32
    %dma_start3A = arith.constant 0 : i32
    %dma_start3A_6 = tpu.memref_slice %arg2[%add3A_5, %dma_start3A] : memref<100000x128xi32, #tpu.memory_space<hbm>> -> memref<112x128xi32, #tpu.memory_space<hbm>>
    %dma_start3A_7 = arith.constant 0 : i32
    %dma_start3A_8 = tpu.memref_slice %arg2[%add3A_5, %dma_start3A_7] : memref<100000x128xi32, #tpu.memory_space<hbm>> -> memref<112x128xi32, #tpu.memory_space<hbm>>
    tpu.enqueue_dma source(%dma_start3A_8 : memref<112x128xi32, #tpu.memory_space<hbm>>) target(%arg4 : memref<112x128xi32, #tpu.memory_space<vmem>>) target_semaphore(%arg8 : memref<!tpu.dma_semaphore, #tpu.memory_space<semaphore_mem>>)
    %add3A_9 = arith.constant 112 : i32
    %add3A_10 = arith.addi %min3A_3, %add3A_9 : i32
    %dma_start3A_11 = arith.constant 0 : i32
    %dma_start3A_12 = tpu.memref_slice %arg2[%add3A_10, %dma_start3A_11] : memref<100000x128xi32, #tpu.memory_space<hbm>> -> memref<112x128xi32, #tpu.memory_space<hbm>>
    %dma_start3A_13 = arith.constant 0 : i32
    %dma_start3A_14 = tpu.memref_slice %arg2[%add3A_10, %dma_start3A_13] : memref<100000x128xi32, #tpu.memory_space<hbm>> -> memref<112x128xi32, #tpu.memory_space<hbm>>
    tpu.enqueue_dma source(%dma_start3A_14 : memref<112x128xi32, #tpu.memory_space<hbm>>) target(%arg5 : memref<112x128xi32, #tpu.memory_space<vmem>>) target_semaphore(%arg9 : memref<!tpu.dma_semaphore, #tpu.memory_space<semaphore_mem>>)
    %dma_wait3A = arith.constant 0 : i32
    %dma_wait3A_15 = arith.constant 0 : i32
    %dma_wait3A_16 = tpu.memref_slice %arg2[%dma_wait3A, %dma_wait3A_15] : memref<100000x128xi32, #tpu.memory_space<hbm>> -> memref<112x128xi32, #tpu.memory_space<hbm>>
    %dma_wait3A_17 = arith.constant 0 : i32
    %dma_wait3A_18 = arith.constant 0 : i32
    %dma_wait3A_19 = tpu.memref_slice %arg2[%dma_wait3A_17, %dma_wait3A_18] : memref<100000x128xi32, #tpu.memory_space<hbm>> -> memref<112x128xi32, #tpu.memory_space<hbm>>
    tpu.wait_dma2 semaphore(%arg8 : memref<!tpu.dma_semaphore, #tpu.memory_space<semaphore_mem>>) src(%dma_wait3A_19 : memref<112x128xi32, #tpu.memory_space<hbm>>) dst(%arg4 : memref<112x128xi32, #tpu.memory_space<vmem>>)
    %scan3A = arith.constant 0 : i32
    %scan3A_20 = arith.constant 0 : i32
    %scan3A_21 = arith.constant 56 : i32
    %scan3A_22 = arith.addi %scan3A_20, %scan3A_21 : i32
    %scan3A_23 = arith.constant 1 : i32
    scf.for %scan3A_69 = %scan3A_20 to %scan3A_22 step %scan3A_23  : i32 {
      %mul3A_70 = arith.constant 2 : i32
      %mul3A_71 = arith.muli %mul3A_70, %scan3A_69 : i32
      %mul3A_72 = arith.constant 2 : i32
      %mul3A_73 = arith.muli %mul3A_72, %scan3A_69 : i32
      %add3A_74 = arith.constant 1 : i32
      %add3A_75 = arith.addi %mul3A_73, %add3A_74 : i32
      %get3A = arith.index_cast %mul3A_71 : i32 to index
      %get3A_76 = arith.constant 0 : index
      %get3A_77 = tpu.vector_load %arg4[%get3A, %get3A_76] {strides = array<i32>} : memref<112x128xi32, #tpu.memory_space<vmem>>, vector<1x16xi32>,
      %get3A_78 = vector.shape_cast %get3A_77 : vector<1x16xi32> to vector<16xi32>
      %add3A_79 = arith.constant 32768 : i32
      %add3A_80 = vector.broadcast %add3A_79 : i32 to vector<16xi32>
      %add3A_81 = arith.addi %get3A_78, %add3A_80 : vector<16xi32>
      %shift_right_logical3A = arith.constant 16 : i32
      %shift_right_logical3A_82 = vector.broadcast %shift_right_logical3A : i32 to vector<16xi32>
      %shift_right_logical3A_83 = arith.shrui %add3A_81, %shift_right_logical3A_82 : vector<16xi32>
      %get3A_84 = arith.index_cast %mul3A_71 : i32 to index
      %get3A_85 = arith.constant 16 : index
      %get3A_86 = tpu.vector_load %arg4[%get3A_84, %get3A_85] {strides = array<i32>} : memref<112x128xi32, #tpu.memory_space<vmem>>, vector<1x16xi32>,
      %get3A_87 = vector.shape_cast %get3A_86 : vector<1x16xi32> to vector<16xi32>
      %add3A_88 = arith.constant 32768 : i32
      %add3A_89 = vector.broadcast %add3A_88 : i32 to vector<16xi32>
      %add3A_90 = arith.addi %get3A_87, %add3A_89 : vector<16xi32>
      %shift_right_logical3A_91 = arith.constant 16 : i32
      %shift_right_logical3A_92 = vector.broadcast %shift_right_logical3A_91 : i32 to vector<16xi32>
      %shift_right_logical3A_93 = arith.shrui %add3A_90, %shift_right_logical3A_92 : vector<16xi32>
      %get3A_94 = arith.index_cast %mul3A_71 : i32 to index
      %get3A_95 = arith.constant 32 : index
      %get3A_96 = tpu.vector_load %arg4[%get3A_94, %get3A_95] {strides = array<i32>} : memref<112x128xi32, #tpu.memory_space<vmem>>, vector<1x16xi32>,
      %get3A_97 = vector.shape_cast %get3A_96 : vector<1x16xi32> to vector<16xi32>
      %add3A_98 = arith.constant 32768 : i32
      %add3A_99 = vector.broadcast %add3A_98 : i32 to vector<16xi32>
      %add3A_100 = arith.addi %get3A_97, %add3A_99 : vector<16xi32>
      %shift_right_logical3A_101 = arith.constant 16 : i32
      %shift_right_logical3A_102 = vector.broadcast %shift_right_logical3A_101 : i32 to vector<16xi32>
      %shift_right_logical3A_103 = arith.shrui %add3A_100, %shift_right_logical3A_102 : vector<16xi32>
      %get3A_104 = arith.index_cast %mul3A_71 : i32 to index
      %get3A_105 = arith.constant 48 : index
      %get3A_106 = tpu.vector_load %arg4[%get3A_104, %get3A_105] {strides = array<i32>} : memref<112x128xi32, #tpu.memory_space<vmem>>, vector<1x16xi32>,
      %get3A_107 = vector.shape_cast %get3A_106 : vector<1x16xi32> to vector<16xi32>
      %add3A_108 = arith.constant 32768 : i32
      %add3A_109 = vector.broadcast %add3A_108 : i32 to vector<16xi32>
      %add3A_110 = arith.addi %get3A_107, %add3A_109 : vector<16xi32>
      %shift_right_logical3A_111 = arith.constant 16 : i32
      %shift_right_logical3A_112 = vector.broadcast %shift_right_logical3A_111 : i32 to vector<16xi32>
      %shift_right_logical3A_113 = arith.shrui %add3A_110, %shift_right_logical3A_112 : vector<16xi32>
      %get3A_114 = arith.index_cast %mul3A_71 : i32 to index
      %get3A_115 = arith.constant 64 : index
      %get3A_116 = tpu.vector_load %arg4[%get3A_114, %get3A_115] {strides = array<i32>} : memref<112x128xi32, #tpu.memory_space<vmem>>, vector<1x16xi32>,
      %get3A_117 = vector.shape_cast %get3A_116 : vector<1x16xi32> to vector<16xi32>
      %add3A_118 = arith.constant 32768 : i32
      %add3A_119 = vector.broadcast %add3A_118 : i32 to vector<16xi32>
      %add3A_120 = arith.addi %get3A_117, %add3A_119 : vector<16xi32>
      %shift_right_logical3A_121 = arith.constant 16 : i32
      %shift_right_logical3A_122 = vector.broadcast %shift_right_logical3A_121 : i32 to vector<16xi32>
      %shift_right_logical3A_123 = arith.shrui %add3A_120, %shift_right_logical3A_122 : vector<16xi32>
      %get3A_124 = arith.index_cast %mul3A_71 : i32 to index
      %get3A_125 = arith.constant 80 : index
      %get3A_126 = tpu.vector_load %arg4[%get3A_124, %get3A_125] {strides = array<i32>} : memref<112x128xi32, #tpu.memory_space<vmem>>, vector<1x16xi32>,
      %get3A_127 = vector.shape_cast %get3A_126 : vector<1x16xi32> to vector<16xi32>
      %add3A_128 = arith.constant 32768 : i32
      %add3A_129 = vector.broadcast %add3A_128 : i32 to vector<16xi32>
      %add3A_130 = arith.addi %get3A_127, %add3A_129 : vector<16xi32>
      %shift_right_logical3A_131 = arith.constant 16 : i32
      %shift_right_logical3A_132 = vector.broadcast %shift_right_logical3A_131 : i32 to vector<16xi32>
      %shift_right_logical3A_133 = arith.shrui %add3A_130, %shift_right_logical3A_132 : vector<16xi32>
      %get3A_134 = arith.index_cast %mul3A_71 : i32 to index
      %get3A_135 = arith.constant 96 : index
      %get3A_136 = tpu.vector_load %arg4[%get3A_134, %get3A_135] {strides = array<i32>} : memref<112x128xi32, #tpu.memory_space<vmem>>, vector<1x16xi32>,
      %get3A_137 = vector.shape_cast %get3A_136 : vector<1x16xi32> to vector<16xi32>
      %add3A_138 = arith.constant 32768 : i32
      %add3A_139 = vector.broadcast %add3A_138 : i32 to vector<16xi32>
      %add3A_140 = arith.addi %get3A_137, %add3A_139 : vector<16xi32>
      %shift_right_logical3A_141 = arith.constant 16 : i32
      %shift_right_logical3A_142 = vector.broadcast %shift_right_logical3A_141 : i32 to vector<16xi32>
      %shift_right_logical3A_143 = arith.shrui %add3A_140, %shift_right_logical3A_142 : vector<16xi32>
      %get3A_144 = arith.index_cast %mul3A_71 : i32 to index
      %get3A_145 = arith.constant 112 : index
      %get3A_146 = tpu.vector_load %arg4[%get3A_144, %get3A_145] {strides = array<i32>} : memref<112x128xi32, #tpu.memory_space<vmem>>, vector<1x16xi32>,
      %get3A_147 = vector.shape_cast %get3A_146 : vector<1x16xi32> to vector<16xi32>
      %add3A_148 = arith.constant 32768 : i32
      %add3A_149 = vector.broadcast %add3A_148 : i32 to vector<16xi32>
      %add3A_150 = arith.addi %get3A_147, %add3A_149 : vector<16xi32>
      %shift_right_logical3A_151 = arith.constant 16 : i32
      %shift_right_logical3A_152 = vector.broadcast %shift_right_logical3A_151 : i32 to vector<16xi32>
      %shift_right_logical3A_153 = arith.shrui %add3A_150, %shift_right_logical3A_152 : vector<16xi32>
      %shift_left3A = arith.constant 16 : i32
      %shift_left3A_154 = vector.broadcast %shift_left3A : i32 to vector<16xi32>
      %shift_left3A_155 = arith.shli %shift_right_logical3A_123, %shift_left3A_154 : vector<16xi32>
      %or3A = arith.ori %shift_right_logical3A_83, %shift_left3A_155 : vector<16xi32>
      %mul3A_156 = arith.constant 64 : i32
      %mul3A_157 = arith.muli %mul3A_71, %mul3A_156 : i32
      %add3A_158 = arith.constant 0 : i32
      %add3A_159 = arith.addi %mul3A_157, %add3A_158 : i32
      %swap3A = arith.index_cast %add3A_159 : i32 to index
      %swap3A_160 = tpu.vector_load %arg6[%swap3A] {strides = array<i32>} : memref<7168xi32, #tpu.memory_space<vmem>>, vector<16xi32>,
      %swap3A_161 = vector.shape_cast %swap3A_160 : vector<16xi32> to vector<16xi32>
      %swap3A_162 = vector.shape_cast %or3A : vector<16xi32> to vector<16xi32>
      tpu.vector_store %arg6[%swap3A], %swap3A_162 {strides = array<i32>} : memref<7168xi32, #tpu.memory_space<vmem>>, vector<16xi32>,
      %shift_left3A_163 = arith.constant 16 : i32
      %shift_left3A_164 = vector.broadcast %shift_left3A_163 : i32 to vector<16xi32>
      %shift_left3A_165 = arith.shli %shift_right_logical3A_133, %shift_left3A_164 : vector<16xi32>
      %or3A_166 = arith.ori %shift_right_logical3A_93, %shift_left3A_165 : vector<16xi32>
      %mul3A_167 = arith.constant 64 : i32
      %mul3A_168 = arith.muli %mul3A_71, %mul3A_167 : i32
      %add3A_169 = arith.constant 16 : i32
      %add3A_170 = arith.addi %mul3A_168, %add3A_169 : i32
      %swap3A_171 = arith.index_cast %add3A_170 : i32 to index
      %swap3A_172 = tpu.vector_load %arg6[%swap3A_171] {strides = array<i32>} : memref<7168xi32, #tpu.memory_space<vmem>>, vector<16xi32>,
      %swap3A_173 = vector.shape_cast %swap3A_172 : vector<16xi32> to vector<16xi32>
      %swap3A_174 = vector.shape_cast %or3A_166 : vector<16xi32> to vector<16xi32>
      tpu.vector_store %arg6[%swap3A_171], %swap3A_174 {strides = array<i32>} : memref<7168xi32, #tpu.memory_space<vmem>>, vector<16xi32>,
      %shift_left3A_175 = arith.constant 16 : i32
      %shift_left3A_176 = vector.broadcast %shift_left3A_175 : i32 to vector<16xi32>
      %shift_left3A_177 = arith.shli %shift_right_logical3A_143, %shift_left3A_176 : vector<16xi32>
      %or3A_178 = arith.ori %shift_right_logical3A_103, %shift_left3A_177 : vector<16xi32>
      %mul3A_179 = arith.constant 64 : i32
      %mul3A_180 = arith.muli %mul3A_71, %mul3A_179 : i32
      %add3A_181 = arith.constant 32 : i32
      %add3A_182 = arith.addi %mul3A_180, %add3A_181 : i32
      %swap3A_183 = arith.index_cast %add3A_182 : i32 to index
      %swap3A_184 = tpu.vector_load %arg6[%swap3A_183] {strides = array<i32>} : memref<7168xi32, #tpu.memory_space<vmem>>, vector<16xi32>,
      %swap3A_185 = vector.shape_cast %swap3A_184 : vector<16xi32> to vector<16xi32>
      %swap3A_186 = vector.shape_cast %or3A_178 : vector<16xi32> to vector<16xi32>
      tpu.vector_store %arg6[%swap3A_183], %swap3A_186 {strides = array<i32>} : memref<7168xi32, #tpu.memory_space<vmem>>, vector<16xi32>,
      %shift_left3A_187 = arith.constant 16 : i32
      %shift_left3A_188 = vector.broadcast %shift_left3A_187 : i32 to vector<16xi32>
      %shift_left3A_189 = arith.shli %shift_right_logical3A_153, %shift_left3A_188 : vector<16xi32>
      %or3A_190 = arith.ori %shift_right_logical3A_113, %shift_left3A_189 : vector<16xi32>
      %mul3A_191 = arith.constant 64 : i32
      %mul3A_192 = arith.muli %mul3A_71, %mul3A_191 : i32
      %add3A_193 = arith.constant 48 : i32
      %add3A_194 = arith.addi %mul3A_192, %add3A_193 : i32
      %swap3A_195 = arith.index_cast %add3A_194 : i32 to index
      %swap3A_196 = tpu.vector_load %arg6[%swap3A_195] {strides = array<i32>} : memref<7168xi32, #tpu.memory_space<vmem>>, vector<16xi32>,
      %swap3A_197 = vector.shape_cast %swap3A_196 : vector<16xi32> to vector<16xi32>
      %swap3A_198 = vector.shape_cast %or3A_190 : vector<16xi32> to vector<16xi32>
      tpu.vector_store %arg6[%swap3A_195], %swap3A_198 {strides = array<i32>} : memref<7168xi32, #tpu.memory_space<vmem>>, vector<16xi32>,
      %get3A_199 = arith.index_cast %add3A_75 : i32 to index
      %get3A_200 = arith.constant 0 : index
      %get3A_201 = tpu.vector_load %arg4[%get3A_199, %get3A_200] {strides = array<i32>} : memref<112x128xi32, #tpu.memory_space<vmem>>, vector<1x16xi32>,
      %get3A_202 = vector.shape_cast %get3A_201 : vector<1x16xi32> to vector<16xi32>
      %add3A_203 = arith.constant 32768 : i32
      %add3A_204 = vector.broadcast %add3A_203 : i32 to vector<16xi32>
      %add3A_205 = arith.addi %get3A_202, %add3A_204 : vector<16xi32>
      %shift_right_logical3A_206 = arith.constant 16 : i32
      %shift_right_logical3A_207 = vector.broadcast %shift_right_logical3A_206 : i32 to vector<16xi32>
      %shift_right_logical3A_208 = arith.shrui %add3A_205, %shift_right_logical3A_207 : vector<16xi32>
      %get3A_209 = arith.index_cast %add3A_75 : i32 to index
      %get3A_210 = arith.constant 16 : index
      %get3A_211 = tpu.vector_load %arg4[%get3A_209, %get3A_210] {strides = array<i32>} : memref<112x128xi32, #tpu.memory_space<vmem>>, vector<1x16xi32>,
      %get3A_212 = vector.shape_cast %get3A_211 : vector<1x16xi32> to vector<16xi32>
      %add3A_213 = arith.constant 32768 : i32
      %add3A_214 = vector.broadcast %add3A_213 : i32 to vector<16xi32>
      %add3A_215 = arith.addi %get3A_212, %add3A_214 : vector<16xi32>
      %shift_right_logical3A_216 = arith.constant 16 : i32
      %shift_right_logical3A_217 = vector.broadcast %shift_right_logical3A_216 : i32 to vector<16xi32>
      %shift_right_logical3A_218 = arith.shrui %add3A_215, %shift_right_logical3A_217 : vector<16xi32>
      %get3A_219 = arith.index_cast %add3A_75 : i32 to index
      %get3A_220 = arith.constant 32 : index
      %get3A_221 = tpu.vector_load %arg4[%get3A_219, %get3A_220] {strides = array<i32>} : memref<112x128xi32, #tpu.memory_space<vmem>>, vector<1x16xi32>,
      %get3A_222 = vector.shape_cast %get3A_221 : vector<1x16xi32> to vector<16xi32>
      %add3A_223 = arith.constant 32768 : i32
      %add3A_224 = vector.broadcast %add3A_223 : i32 to vector<16xi32>
      %add3A_225 = arith.addi %get3A_222, %add3A_224 : vector<16xi32>
      %shift_right_logical3A_226 = arith.constant 16 : i32
      %shift_right_logical3A_227 = vector.broadcast %shift_right_logical3A_226 : i32 to vector<16xi32>
      %shift_right_logical3A_228 = arith.shrui %add3A_225, %shift_right_logical3A_227 : vector<16xi32>
      %get3A_229 = arith.index_cast %add3A_75 : i32 to index
      %get3A_230 = arith.constant 48 : index
      %get3A_231 = tpu.vector_load %arg4[%get3A_229, %get3A_230] {strides = array<i32>} : memref<112x128xi32, #tpu.memory_space<vmem>>, vector<1x16xi32>,
      %get3A_232 = vector.shape_cast %get3A_231 : vector<1x16xi32> to vector<16xi32>
      %add3A_233 = arith.constant 32768 : i32
      %add3A_234 = vector.broadcast %add3A_233 : i32 to vector<16xi32>
      %add3A_235 = arith.addi %get3A_232, %add3A_234 : vector<16xi32>
      %shift_right_logical3A_236 = arith.constant 16 : i32
      %shift_right_logical3A_237 = vector.broadcast %shift_right_logical3A_236 : i32 to vector<16xi32>
      %shift_right_logical3A_238 = arith.shrui %add3A_235, %shift_right_logical3A_237 : vector<16xi32>
      %get3A_239 = arith.index_cast %add3A_75 : i32 to index
      %get3A_240 = arith.constant 64 : index
      %get3A_241 = tpu.vector_load %arg4[%get3A_239, %get3A_240] {strides = array<i32>} : memref<112x128xi32, #tpu.memory_space<vmem>>, vector<1x16xi32>,
      %get3A_242 = vector.shape_cast %get3A_241 : vector<1x16xi32> to vector<16xi32>
      %add3A_243 = arith.constant 32768 : i32
      %add3A_244 = vector.broadcast %add3A_243 : i32 to vector<16xi32>
      %add3A_245 = arith.addi %get3A_242, %add3A_244 : vector<16xi32>
      %shift_right_logical3A_246 = arith.constant 16 : i32
      %shift_right_logical3A_247 = vector.broadcast %shift_right_logical3A_246 : i32 to vector<16xi32>
      %shift_right_logical3A_248 = arith.shrui %add3A_245, %shift_right_logical3A_247 : vector<16xi32>
      %get3A_249 = arith.index_cast %add3A_75 : i32 to index
      %get3A_250 = arith.constant 80 : index
      %get3A_251 = tpu.vector_load %arg4[%get3A_249, %get3A_250] {strides = array<i32>} : memref<112x128xi32, #tpu.memory_space<vmem>>, vector<1x16xi32>,
      %get3A_252 = vector.shape_cast %get3A_251 : vector<1x16xi32> to vector<16xi32>
      %add3A_253 = arith.constant 32768 : i32
      %add3A_254 = vector.broadcast %add3A_253 : i32 to vector<16xi32>
      %add3A_255 = arith.addi %get3A_252, %add3A_254 : vector<16xi32>
      %shift_right_logical3A_256 = arith.constant 16 : i32
      %shift_right_logical3A_257 = vector.broadcast %shift_right_logical3A_256 : i32 to vector<16xi32>
      %shift_right_logical3A_258 = arith.shrui %add3A_255, %shift_right_logical3A_257 : vector<16xi32>
      %get3A_259 = arith.index_cast %add3A_75 : i32 to index
      %get3A_260 = arith.constant 96 : index
      %get3A_261 = tpu.vector_load %arg4[%get3A_259, %get3A_260] {strides = array<i32>} : memref<112x128xi32, #tpu.memory_space<vmem>>, vector<1x16xi32>,
      %get3A_262 = vector.shape_cast %get3A_261 : vector<1x16xi32> to vector<16xi32>
      %add3A_263 = arith.constant 32768 : i32
      %add3A_264 = vector.broadcast %add3A_263 : i32 to vector<16xi32>
      %add3A_265 = arith.addi %get3A_262, %add3A_264 : vector<16xi32>
      %shift_right_logical3A_266 = arith.constant 16 : i32
      %shift_right_logical3A_267 = vector.broadcast %shift_right_logical3A_266 : i32 to vector<16xi32>
      %shift_right_logical3A_268 = arith.shrui %add3A_265, %shift_right_logical3A_267 : vector<16xi32>
      %get3A_269 = arith.index_cast %add3A_75 : i32 to index
      %get3A_270 = arith.constant 112 : index
      %get3A_271 = tpu.vector_load %arg4[%get3A_269, %get3A_270] {strides = array<i32>} : memref<112x128xi32, #tpu.memory_space<vmem>>, vector<1x16xi32>,
      %get3A_272 = vector.shape_cast %get3A_271 : vector<1x16xi32> to vector<16xi32>
      %add3A_273 = arith.constant 32768 : i32
      %add3A_274 = vector.broadcast %add3A_273 : i32 to vector<16xi32>
      %add3A_275 = arith.addi %get3A_272, %add3A_274 : vector<16xi32>
      %shift_right_logical3A_276 = arith.constant 16 : i32
      %shift_right_logical3A_277 = vector.broadcast %shift_right_logical3A_276 : i32 to vector<16xi32>
      %shift_right_logical3A_278 = arith.shrui %add3A_275, %shift_right_logical3A_277 : vector<16xi32>
      %shift_left3A_279 = arith.constant 16 : i32
      %shift_left3A_280 = vector.broadcast %shift_left3A_279 : i32 to vector<16xi32>
      %shift_left3A_281 = arith.shli %shift_right_logical3A_248, %shift_left3A_280 : vector<16xi32>
      %or3A_282 = arith.ori %shift_right_logical3A_208, %shift_left3A_281 : vector<16xi32>
      %mul3A_283 = arith.constant 64 : i32
      %mul3A_284 = arith.muli %add3A_75, %mul3A_283 : i32
      %add3A_285 = arith.constant 0 : i32
      %add3A_286 = arith.addi %mul3A_284, %add3A_285 : i32
      %swap3A_287 = arith.index_cast %add3A_286 : i32 to index
      %swap3A_288 = tpu.vector_load %arg6[%swap3A_287] {strides = array<i32>} : memref<7168xi32, #tpu.memory_space<vmem>>, vector<16xi32>,
      %swap3A_289 = vector.shape_cast %swap3A_288 : vector<16xi32> to vector<16xi32>
      %swap3A_290 = vector.shape_cast %or3A_282 : vector<16xi32> to vector<16xi32>
      tpu.vector_store %arg6[%swap3A_287], %swap3A_290 {strides = array<i32>} : memref<7168xi32, #tpu.memory_space<vmem>>, vector<16xi32>,
      %shift_left3A_291 = arith.constant 16 : i32
      %shift_left3A_292 = vector.broadcast %shift_left3A_291 : i32 to vector<16xi32>
      %shift_left3A_293 = arith.shli %shift_right_logical3A_258, %shift_left3A_292 : vector<16xi32>
      %or3A_294 = arith.ori %shift_right_logical3A_218, %shift_left3A_293 : vector<16xi32>
      %mul3A_295 = arith.constant 64 : i32
      %mul3A_296 = arith.muli %add3A_75, %mul3A_295 : i32
      %add3A_297 = arith.constant 16 : i32
      %add3A_298 = arith.addi %mul3A_296, %add3A_297 : i32
      %swap3A_299 = arith.index_cast %add3A_298 : i32 to index
      %swap3A_300 = tpu.vector_load %arg6[%swap3A_299] {strides = array<i32>} : memref<7168xi32, #tpu.memory_space<vmem>>, vector<16xi32>,
      %swap3A_301 = vector.shape_cast %swap3A_300 : vector<16xi32> to vector<16xi32>
      %swap3A_302 = vector.shape_cast %or3A_294 : vector<16xi32> to vector<16xi32>
      tpu.vector_store %arg6[%swap3A_299], %swap3A_302 {strides = array<i32>} : memref<7168xi32, #tpu.memory_space<vmem>>, vector<16xi32>,
      %shift_left3A_303 = arith.constant 16 : i32
      %shift_left3A_304 = vector.broadcast %shift_left3A_303 : i32 to vector<16xi32>
      %shift_left3A_305 = arith.shli %shift_right_logical3A_268, %shift_left3A_304 : vector<16xi32>
      %or3A_306 = arith.ori %shift_right_logical3A_228, %shift_left3A_305 : vector<16xi32>
      %mul3A_307 = arith.constant 64 : i32
      %mul3A_308 = arith.muli %add3A_75, %mul3A_307 : i32
      %add3A_309 = arith.constant 32 : i32
      %add3A_310 = arith.addi %mul3A_308, %add3A_309 : i32
      %swap3A_311 = arith.index_cast %add3A_310 : i32 to index
      %swap3A_312 = tpu.vector_load %arg6[%swap3A_311] {strides = array<i32>} : memref<7168xi32, #tpu.memory_space<vmem>>, vector<16xi32>,
      %swap3A_313 = vector.shape_cast %swap3A_312 : vector<16xi32> to vector<16xi32>
      %swap3A_314 = vector.shape_cast %or3A_306 : vector<16xi32> to vector<16xi32>
      tpu.vector_store %arg6[%swap3A_311], %swap3A_314 {strides = array<i32>} : memref<7168xi32, #tpu.memory_space<vmem>>, vector<16xi32>,
      %shift_left3A_315 = arith.constant 16 : i32
      %shift_left3A_316 = vector.broadcast %shift_left3A_315 : i32 to vector<16xi32>
      %shift_left3A_317 = arith.shli %shift_right_logical3A_278, %shift_left3A_316 : vector<16xi32>
      %or3A_318 = arith.ori %shift_right_logical3A_238, %shift_left3A_317 : vector<16xi32>
      %mul3A_319 = arith.constant 64 : i32
      %mul3A_320 = arith.muli %add3A_75, %mul3A_319 : i32
      %add3A_321 = arith.constant 48 : i32
      %add3A_322 = arith.addi %mul3A_320, %add3A_321 : i32
      %swap3A_323 = arith.index_cast %add3A_322 : i32 to index
      %swap3A_324 = tpu.vector_load %arg6[%swap3A_323] {strides = array<i32>} : memref<7168xi32, #tpu.memory_space<vmem>>, vector<16xi32>,
      %swap3A_325 = vector.shape_cast %swap3A_324 : vector<16xi32> to vector<16xi32>
      %swap3A_326 = vector.shape_cast %or3A_318 : vector<16xi32> to vector<16xi32>
      tpu.vector_store %arg6[%swap3A_323], %swap3A_326 {strides = array<i32>} : memref<7168xi32, #tpu.memory_space<vmem>>, vector<16xi32>,
    }
    %scan3A_24 = arith.constant 56 : i32
    %add3A_25 = arith.constant 0 : i32
    %add3A_26 = arith.addi %min3A_3, %add3A_25 : i32
    %mul3A_27 = arith.constant 64 : i32
    %mul3A_28 = arith.muli %add3A_26, %mul3A_27 : i32
    %dma_start3A_29 = tpu.memref_slice %arg3[%mul3A_28] : memref<6400000xi32, #tpu.memory_space<hbm>> -> memref<7168xi32, #tpu.memory_space<hbm>>
    %dma_start3A_30 = tpu.memref_slice %arg3[%mul3A_28] : memref<6400000xi32, #tpu.memory_space<hbm>> -> memref<7168xi32, #tpu.memory_space<hbm>>
    tpu.enqueue_dma source(%arg6 : memref<7168xi32, #tpu.memory_space<vmem>>) target(%dma_start3A_30 : memref<7168xi32, #tpu.memory_space<hbm>>) target_semaphore(%arg10 : memref<!tpu.dma_semaphore, #tpu.memory_space<semaphore_mem>>)
    %add3A_31 = arith.constant 224 : i32
    %add3A_32 = arith.addi %min3A_3, %add3A_31 : i32
    %dma_start3A_33 = arith.constant 0 : i32
    %dma_start3A_34 = tpu.memref_slice %arg2[%add3A_32, %dma_start3A_33] : memref<100000x128xi32, #tpu.memory_space<hbm>> -> memref<112x128xi32, #tpu.memory_space<hbm>>
    %dma_start3A_35 = arith.constant 0 : i32
    %dma_start3A_36 = tpu.memref_slice %arg2[%add3A_32, %dma_start3A_35] : memref<100000x128xi32, #tpu.memory_space<hbm>> -> memref<112x128xi32, #tpu.memory_space<hbm>>
    tpu.enqueue_dma source(%dma_start3A_36 : memref<112x128xi32, #tpu.memory_space<hbm>>) target(%arg4 : memref<112x128xi32, #tpu.memory_space<vmem>>) target_semaphore(%arg8 : memref<!tpu.dma_semaphore, #tpu.memory_space<semaphore_mem>>)
    %dma_wait3A_37 = arith.constant 0 : i32
    %dma_wait3A_38 = arith.constant 0 : i32
    %dma_wait3A_39 = tpu.memref_slice %arg2[%dma_wait3A_37, %dma_wait3A_38] : memref<100000x128xi32, #tpu.memory_space<hbm>> -> memref<112x128xi32, #tpu.memory_space<hbm>>
    %dma_wait3A_40 = arith.constant 0 : i32
    %dma_wait3A_41 = arith.constant 0 : i32
    %dma_wait3A_42 = tpu.memref_slice %arg2[%dma_wait3A_40, %dma_wait3A_41] : memref<100000x128xi32, #tpu.memory_space<hbm>> -> memref<112x128xi32, #tpu.memory_space<hbm>>
    tpu.wait_dma2 semaphore(%arg9 : memref<!tpu.dma_semaphore, #tpu.memory_space<semaphore_mem>>) src(%dma_wait3A_42 : memref<112x128xi32, #tpu.memory_space<hbm>>) dst(%arg5 : memref<112x128xi32, #tpu.memory_space<vmem>>)
    %scan3A_43 = arith.constant 0 : i32
    %scan3A_44 = arith.constant 0 : i32
    %scan3A_45 = arith.constant 56 : i32
    %scan3A_46 = arith.addi %scan3A_44, %scan3A_45 : i32
    %scan3A_47 = arith.constant 1 : i32
    scf.for %scan3A_69 = %scan3A_44 to %scan3A_46 step %scan3A_47  : i32 {
      %mul3A_70 = arith.constant 2 : i32
      %mul3A_71 = arith.muli %mul3A_70, %scan3A_69 : i32
      %mul3A_72 = arith.constant 2 : i32
      %mul3A_73 = arith.muli %mul3A_72, %scan3A_69 : i32
      %add3A_74 = arith.constant 1 : i32
      %add3A_75 = arith.addi %mul3A_73, %add3A_74 : i32
      %get3A = arith.index_cast %mul3A_71 : i32 to index
      %get3A_76 = arith.constant 0 : index
      %get3A_77 = tpu.vector_load %arg5[%get3A, %get3A_76] {strides = array<i32>} : memref<112x128xi32, #tpu.memory_space<vmem>>, vector<1x16xi32>,
      %get3A_78 = vector.shape_cast %get3A_77 : vector<1x16xi32> to vector<16xi32>
      %add3A_79 = arith.constant 32768 : i32
      %add3A_80 = vector.broadcast %add3A_79 : i32 to vector<16xi32>
      %add3A_81 = arith.addi %get3A_78, %add3A_80 : vector<16xi32>
      %shift_right_logical3A = arith.constant 16 : i32
      %shift_right_logical3A_82 = vector.broadcast %shift_right_logical3A : i32 to vector<16xi32>
      %shift_right_logical3A_83 = arith.shrui %add3A_81, %shift_right_logical3A_82 : vector<16xi32>
      %get3A_84 = arith.index_cast %mul3A_71 : i32 to index
      %get3A_85 = arith.constant 16 : index
      %get3A_86 = tpu.vector_load %arg5[%get3A_84, %get3A_85] {strides = array<i32>} : memref<112x128xi32, #tpu.memory_space<vmem>>, vector<1x16xi32>,
      %get3A_87 = vector.shape_cast %get3A_86 : vector<1x16xi32> to vector<16xi32>
      %add3A_88 = arith.constant 32768 : i32
      %add3A_89 = vector.broadcast %add3A_88 : i32 to vector<16xi32>
      %add3A_90 = arith.addi %get3A_87, %add3A_89 : vector<16xi32>
      %shift_right_logical3A_91 = arith.constant 16 : i32
      %shift_right_logical3A_92 = vector.broadcast %shift_right_logical3A_91 : i32 to vector<16xi32>
      %shift_right_logical3A_93 = arith.shrui %add3A_90, %shift_right_logical3A_92 : vector<16xi32>
      %get3A_94 = arith.index_cast %mul3A_71 : i32 to index
      %get3A_95 = arith.constant 32 : index
      %get3A_96 = tpu.vector_load %arg5[%get3A_94, %get3A_95] {strides = array<i32>} : memref<112x128xi32, #tpu.memory_space<vmem>>, vector<1x16xi32>,
      %get3A_97 = vector.shape_cast %get3A_96 : vector<1x16xi32> to vector<16xi32>
      %add3A_98 = arith.constant 32768 : i32
      %add3A_99 = vector.broadcast %add3A_98 : i32 to vector<16xi32>
      %add3A_100 = arith.addi %get3A_97, %add3A_99 : vector<16xi32>
      %shift_right_logical3A_101 = arith.constant 16 : i32
      %shift_right_logical3A_102 = vector.broadcast %shift_right_logical3A_101 : i32 to vector<16xi32>
      %shift_right_logical3A_103 = arith.shrui %add3A_100, %shift_right_logical3A_102 : vector<16xi32>
      %get3A_104 = arith.index_cast %mul3A_71 : i32 to index
      %get3A_105 = arith.constant 48 : index
      %get3A_106 = tpu.vector_load %arg5[%get3A_104, %get3A_105] {strides = array<i32>} : memref<112x128xi32, #tpu.memory_space<vmem>>, vector<1x16xi32>,
      %get3A_107 = vector.shape_cast %get3A_106 : vector<1x16xi32> to vector<16xi32>
      %add3A_108 = arith.constant 32768 : i32
      %add3A_109 = vector.broadcast %add3A_108 : i32 to vector<16xi32>
      %add3A_110 = arith.addi %get3A_107, %add3A_109 : vector<16xi32>
      %shift_right_logical3A_111 = arith.constant 16 : i32
      %shift_right_logical3A_112 = vector.broadcast %shift_right_logical3A_111 : i32 to vector<16xi32>
      %shift_right_logical3A_113 = arith.shrui %add3A_110, %shift_right_logical3A_112 : vector<16xi32>
      %get3A_114 = arith.index_cast %mul3A_71 : i32 to index
      %get3A_115 = arith.constant 64 : index
      %get3A_116 = tpu.vector_load %arg5[%get3A_114, %get3A_115] {strides = array<i32>} : memref<112x128xi32, #tpu.memory_space<vmem>>, vector<1x16xi32>,
      %get3A_117 = vector.shape_cast %get3A_116 : vector<1x16xi32> to vector<16xi32>
      %add3A_118 = arith.constant 32768 : i32
      %add3A_119 = vector.broadcast %add3A_118 : i32 to vector<16xi32>
      %add3A_120 = arith.addi %get3A_117, %add3A_119 : vector<16xi32>
      %shift_right_logical3A_121 = arith.constant 16 : i32
      %shift_right_logical3A_122 = vector.broadcast %shift_right_logical3A_121 : i32 to vector<16xi32>
      %shift_right_logical3A_123 = arith.shrui %add3A_120, %shift_right_logical3A_122 : vector<16xi32>
      %get3A_124 = arith.index_cast %mul3A_71 : i32 to index
      %get3A_125 = arith.constant 80 : index
      %get3A_126 = tpu.vector_load %arg5[%get3A_124, %get3A_125] {strides = array<i32>} : memref<112x128xi32, #tpu.memory_space<vmem>>, vector<1x16xi32>,
      %get3A_127 = vector.shape_cast %get3A_126 : vector<1x16xi32> to vector<16xi32>
      %add3A_128 = arith.constant 32768 : i32
      %add3A_129 = vector.broadcast %add3A_128 : i32 to vector<16xi32>
      %add3A_130 = arith.addi %get3A_127, %add3A_129 : vector<16xi32>
      %shift_right_logical3A_131 = arith.constant 16 : i32
      %shift_right_logical3A_132 = vector.broadcast %shift_right_logical3A_131 : i32 to vector<16xi32>
      %shift_right_logical3A_133 = arith.shrui %add3A_130, %shift_right_logical3A_132 : vector<16xi32>
      %get3A_134 = arith.index_cast %mul3A_71 : i32 to index
      %get3A_135 = arith.constant 96 : index
      %get3A_136 = tpu.vector_load %arg5[%get3A_134, %get3A_135] {strides = array<i32>} : memref<112x128xi32, #tpu.memory_space<vmem>>, vector<1x16xi32>,
      %get3A_137 = vector.shape_cast %get3A_136 : vector<1x16xi32> to vector<16xi32>
      %add3A_138 = arith.constant 32768 : i32
      %add3A_139 = vector.broadcast %add3A_138 : i32 to vector<16xi32>
      %add3A_140 = arith.addi %get3A_137, %add3A_139 : vector<16xi32>
      %shift_right_logical3A_141 = arith.constant 16 : i32
      %shift_right_logical3A_142 = vector.broadcast %shift_right_logical3A_141 : i32 to vector<16xi32>
      %shift_right_logical3A_143 = arith.shrui %add3A_140, %shift_right_logical3A_142 : vector<16xi32>
      %get3A_144 = arith.index_cast %mul3A_71 : i32 to index
      %get3A_145 = arith.constant 112 : index
      %get3A_146 = tpu.vector_load %arg5[%get3A_144, %get3A_145] {strides = array<i32>} : memref<112x128xi32, #tpu.memory_space<vmem>>, vector<1x16xi32>,
      %get3A_147 = vector.shape_cast %get3A_146 : vector<1x16xi32> to vector<16xi32>
      %add3A_148 = arith.constant 32768 : i32
      %add3A_149 = vector.broadcast %add3A_148 : i32 to vector<16xi32>
      %add3A_150 = arith.addi %get3A_147, %add3A_149 : vector<16xi32>
      %shift_right_logical3A_151 = arith.constant 16 : i32
      %shift_right_logical3A_152 = vector.broadcast %shift_right_logical3A_151 : i32 to vector<16xi32>
      %shift_right_logical3A_153 = arith.shrui %add3A_150, %shift_right_logical3A_152 : vector<16xi32>
      %shift_left3A = arith.constant 16 : i32
      %shift_left3A_154 = vector.broadcast %shift_left3A : i32 to vector<16xi32>
      %shift_left3A_155 = arith.shli %shift_right_logical3A_123, %shift_left3A_154 : vector<16xi32>
      %or3A = arith.ori %shift_right_logical3A_83, %shift_left3A_155 : vector<16xi32>
      %mul3A_156 = arith.constant 64 : i32
      %mul3A_157 = arith.muli %mul3A_71, %mul3A_156 : i32
      %add3A_158 = arith.constant 0 : i32
      %add3A_159 = arith.addi %mul3A_157, %add3A_158 : i32
      %swap3A = arith.index_cast %add3A_159 : i32 to index
      %swap3A_160 = tpu.vector_load %arg7[%swap3A] {strides = array<i32>} : memref<7168xi32, #tpu.memory_space<vmem>>, vector<16xi32>,
      %swap3A_161 = vector.shape_cast %swap3A_160 : vector<16xi32> to vector<16xi32>
      %swap3A_162 = vector.shape_cast %or3A : vector<16xi32> to vector<16xi32>
      tpu.vector_store %arg7[%swap3A], %swap3A_162 {strides = array<i32>} : memref<7168xi32, #tpu.memory_space<vmem>>, vector<16xi32>,
      %shift_left3A_163 = arith.constant 16 : i32
      %shift_left3A_164 = vector.broadcast %shift_left3A_163 : i32 to vector<16xi32>
      %shift_left3A_165 = arith.shli %shift_right_logical3A_133, %shift_left3A_164 : vector<16xi32>
      %or3A_166 = arith.ori %shift_right_logical3A_93, %shift_left3A_165 : vector<16xi32>
      %mul3A_167 = arith.constant 64 : i32
      %mul3A_168 = arith.muli %mul3A_71, %mul3A_167 : i32
      %add3A_169 = arith.constant 16 : i32
      %add3A_170 = arith.addi %mul3A_168, %add3A_169 : i32
      %swap3A_171 = arith.index_cast %add3A_170 : i32 to index
      %swap3A_172 = tpu.vector_load %arg7[%swap3A_171] {strides = array<i32>} : memref<7168xi32, #tpu.memory_space<vmem>>, vector<16xi32>,
      %swap3A_173 = vector.shape_cast %swap3A_172 : vector<16xi32> to vector<16xi32>
      %swap3A_174 = vector.shape_cast %or3A_166 : vector<16xi32> to vector<16xi32>
      tpu.vector_store %arg7[%swap3A_171], %swap3A_174 {strides = array<i32>} : memref<7168xi32, #tpu.memory_space<vmem>>, vector<16xi32>,
      %shift_left3A_175 = arith.constant 16 : i32
      %shift_left3A_176 = vector.broadcast %shift_left3A_175 : i32 to vector<16xi32>
      %shift_left3A_177 = arith.shli %shift_right_logical3A_143, %shift_left3A_176 : vector<16xi32>
      %or3A_178 = arith.ori %shift_right_logical3A_103, %shift_left3A_177 : vector<16xi32>
      %mul3A_179 = arith.constant 64 : i32
      %mul3A_180 = arith.muli %mul3A_71, %mul3A_179 : i32
      %add3A_181 = arith.constant 32 : i32
      %add3A_182 = arith.addi %mul3A_180, %add3A_181 : i32
      %swap3A_183 = arith.index_cast %add3A_182 : i32 to index
      %swap3A_184 = tpu.vector_load %arg7[%swap3A_183] {strides = array<i32>} : memref<7168xi32, #tpu.memory_space<vmem>>, vector<16xi32>,
      %swap3A_185 = vector.shape_cast %swap3A_184 : vector<16xi32> to vector<16xi32>
      %swap3A_186 = vector.shape_cast %or3A_178 : vector<16xi32> to vector<16xi32>
      tpu.vector_store %arg7[%swap3A_183], %swap3A_186 {strides = array<i32>} : memref<7168xi32, #tpu.memory_space<vmem>>, vector<16xi32>,
      %shift_left3A_187 = arith.constant 16 : i32
      %shift_left3A_188 = vector.broadcast %shift_left3A_187 : i32 to vector<16xi32>
      %shift_left3A_189 = arith.shli %shift_right_logical3A_153, %shift_left3A_188 : vector<16xi32>
      %or3A_190 = arith.ori %shift_right_logical3A_113, %shift_left3A_189 : vector<16xi32>
      %mul3A_191 = arith.constant 64 : i32
      %mul3A_192 = arith.muli %mul3A_71, %mul3A_191 : i32
      %add3A_193 = arith.constant 48 : i32
      %add3A_194 = arith.addi %mul3A_192, %add3A_193 : i32
      %swap3A_195 = arith.index_cast %add3A_194 : i32 to index
      %swap3A_196 = tpu.vector_load %arg7[%swap3A_195] {strides = array<i32>} : memref<7168xi32, #tpu.memory_space<vmem>>, vector<16xi32>,
      %swap3A_197 = vector.shape_cast %swap3A_196 : vector<16xi32> to vector<16xi32>
      %swap3A_198 = vector.shape_cast %or3A_190 : vector<16xi32> to vector<16xi32>
      tpu.vector_store %arg7[%swap3A_195], %swap3A_198 {strides = array<i32>} : memref<7168xi32, #tpu.memory_space<vmem>>, vector<16xi32>,
      %get3A_199 = arith.index_cast %add3A_75 : i32 to index
      %get3A_200 = arith.constant 0 : index
      %get3A_201 = tpu.vector_load %arg5[%get3A_199, %get3A_200] {strides = array<i32>} : memref<112x128xi32, #tpu.memory_space<vmem>>, vector<1x16xi32>,
      %get3A_202 = vector.shape_cast %get3A_201 : vector<1x16xi32> to vector<16xi32>
      %add3A_203 = arith.constant 32768 : i32
      %add3A_204 = vector.broadcast %add3A_203 : i32 to vector<16xi32>
      %add3A_205 = arith.addi %get3A_202, %add3A_204 : vector<16xi32>
      %shift_right_logical3A_206 = arith.constant 16 : i32
      %shift_right_logical3A_207 = vector.broadcast %shift_right_logical3A_206 : i32 to vector<16xi32>
      %shift_right_logical3A_208 = arith.shrui %add3A_205, %shift_right_logical3A_207 : vector<16xi32>
      %get3A_209 = arith.index_cast %add3A_75 : i32 to index
      %get3A_210 = arith.constant 16 : index
      %get3A_211 = tpu.vector_load %arg5[%get3A_209, %get3A_210] {strides = array<i32>} : memref<112x128xi32, #tpu.memory_space<vmem>>, vector<1x16xi32>,
      %get3A_212 = vector.shape_cast %get3A_211 : vector<1x16xi32> to vector<16xi32>
      %add3A_213 = arith.constant 32768 : i32
      %add3A_214 = vector.broadcast %add3A_213 : i32 to vector<16xi32>
      %add3A_215 = arith.addi %get3A_212, %add3A_214 : vector<16xi32>
      %shift_right_logical3A_216 = arith.constant 16 : i32
      %shift_right_logical3A_217 = vector.broadcast %shift_right_logical3A_216 : i32 to vector<16xi32>
      %shift_right_logical3A_218 = arith.shrui %add3A_215, %shift_right_logical3A_217 : vector<16xi32>
      %get3A_219 = arith.index_cast %add3A_75 : i32 to index
      %get3A_220 = arith.constant 32 : index
      %get3A_221 = tpu.vector_load %arg5[%get3A_219, %get3A_220] {strides = array<i32>} : memref<112x128xi32, #tpu.memory_space<vmem>>, vector<1x16xi32>,
      %get3A_222 = vector.shape_cast %get3A_221 : vector<1x16xi32> to vector<16xi32>
      %add3A_223 = arith.constant 32768 : i32
      %add3A_224 = vector.broadcast %add3A_223 : i32 to vector<16xi32>
      %add3A_225 = arith.addi %get3A_222, %add3A_224 : vector<16xi32>
      %shift_right_logical3A_226 = arith.constant 16 : i32
      %shift_right_logical3A_227 = vector.broadcast %shift_right_logical3A_226 : i32 to vector<16xi32>
      %shift_right_logical3A_228 = arith.shrui %add3A_225, %shift_right_logical3A_227 : vector<16xi32>
      %get3A_229 = arith.index_cast %add3A_75 : i32 to index
      %get3A_230 = arith.constant 48 : index
      %get3A_231 = tpu.vector_load %arg5[%get3A_229, %get3A_230] {strides = array<i32>} : memref<112x128xi32, #tpu.memory_space<vmem>>, vector<1x16xi32>,
      %get3A_232 = vector.shape_cast %get3A_231 : vector<1x16xi32> to vector<16xi32>
      %add3A_233 = arith.constant 32768 : i32
      %add3A_234 = vector.broadcast %add3A_233 : i32 to vector<16xi32>
      %add3A_235 = arith.addi %get3A_232, %add3A_234 : vector<16xi32>
      %shift_right_logical3A_236 = arith.constant 16 : i32
      %shift_right_logical3A_237 = vector.broadcast %shift_right_logical3A_236 : i32 to vector<16xi32>
      %shift_right_logical3A_238 = arith.shrui %add3A_235, %shift_right_logical3A_237 : vector<16xi32>
      %get3A_239 = arith.index_cast %add3A_75 : i32 to index
      %get3A_240 = arith.constant 64 : index
      %get3A_241 = tpu.vector_load %arg5[%get3A_239, %get3A_240] {strides = array<i32>} : memref<112x128xi32, #tpu.memory_space<vmem>>, vector<1x16xi32>,
      %get3A_242 = vector.shape_cast %get3A_241 : vector<1x16xi32> to vector<16xi32>
      %add3A_243 = arith.constant 32768 : i32
      %add3A_244 = vector.broadcast %add3A_243 : i32 to vector<16xi32>
      %add3A_245 = arith.addi %get3A_242, %add3A_244 : vector<16xi32>
      %shift_right_logical3A_246 = arith.constant 16 : i32
      %shift_right_logical3A_247 = vector.broadcast %shift_right_logical3A_246 : i32 to vector<16xi32>
      %shift_right_logical3A_248 = arith.shrui %add3A_245, %shift_right_logical3A_247 : vector<16xi32>
      %get3A_249 = arith.index_cast %add3A_75 : i32 to index
      %get3A_250 = arith.constant 80 : index
      %get3A_251 = tpu.vector_load %arg5[%get3A_249, %get3A_250] {strides = array<i32>} : memref<112x128xi32, #tpu.memory_space<vmem>>, vector<1x16xi32>,
      %get3A_252 = vector.shape_cast %get3A_251 : vector<1x16xi32> to vector<16xi32>
      %add3A_253 = arith.constant 32768 : i32
      %add3A_254 = vector.broadcast %add3A_253 : i32 to vector<16xi32>
      %add3A_255 = arith.addi %get3A_252, %add3A_254 : vector<16xi32>
      %shift_right_logical3A_256 = arith.constant 16 : i32
      %shift_right_logical3A_257 = vector.broadcast %shift_right_logical3A_256 : i32 to vector<16xi32>
      %shift_right_logical3A_258 = arith.shrui %add3A_255, %shift_right_logical3A_257 : vector<16xi32>
      %get3A_259 = arith.index_cast %add3A_75 : i32 to index
      %get3A_260 = arith.constant 96 : index
      %get3A_261 = tpu.vector_load %arg5[%get3A_259, %get3A_260] {strides = array<i32>} : memref<112x128xi32, #tpu.memory_space<vmem>>, vector<1x16xi32>,
      %get3A_262 = vector.shape_cast %get3A_261 : vector<1x16xi32> to vector<16xi32>
      %add3A_263 = arith.constant 32768 : i32
      %add3A_264 = vector.broadcast %add3A_263 : i32 to vector<16xi32>
      %add3A_265 = arith.addi %get3A_262, %add3A_264 : vector<16xi32>
      %shift_right_logical3A_266 = arith.constant 16 : i32
      %shift_right_logical3A_267 = vector.broadcast %shift_right_logical3A_266 : i32 to vector<16xi32>
      %shift_right_logical3A_268 = arith.shrui %add3A_265, %shift_right_logical3A_267 : vector<16xi32>
      %get3A_269 = arith.index_cast %add3A_75 : i32 to index
      %get3A_270 = arith.constant 112 : index
      %get3A_271 = tpu.vector_load %arg5[%get3A_269, %get3A_270] {strides = array<i32>} : memref<112x128xi32, #tpu.memory_space<vmem>>, vector<1x16xi32>,
      %get3A_272 = vector.shape_cast %get3A_271 : vector<1x16xi32> to vector<16xi32>
      %add3A_273 = arith.constant 32768 : i32
      %add3A_274 = vector.broadcast %add3A_273 : i32 to vector<16xi32>
      %add3A_275 = arith.addi %get3A_272, %add3A_274 : vector<16xi32>
      %shift_right_logical3A_276 = arith.constant 16 : i32
      %shift_right_logical3A_277 = vector.broadcast %shift_right_logical3A_276 : i32 to vector<16xi32>
      %shift_right_logical3A_278 = arith.shrui %add3A_275, %shift_right_logical3A_277 : vector<16xi32>
      %shift_left3A_279 = arith.constant 16 : i32
      %shift_left3A_280 = vector.broadcast %shift_left3A_279 : i32 to vector<16xi32>
      %shift_left3A_281 = arith.shli %shift_right_logical3A_248, %shift_left3A_280 : vector<16xi32>
      %or3A_282 = arith.ori %shift_right_logical3A_208, %shift_left3A_281 : vector<16xi32>
      %mul3A_283 = arith.constant 64 : i32
      %mul3A_284 = arith.muli %add3A_75, %mul3A_283 : i32
      %add3A_285 = arith.constant 0 : i32
      %add3A_286 = arith.addi %mul3A_284, %add3A_285 : i32
      %swap3A_287 = arith.index_cast %add3A_286 : i32 to index
      %swap3A_288 = tpu.vector_load %arg7[%swap3A_287] {strides = array<i32>} : memref<7168xi32, #tpu.memory_space<vmem>>, vector<16xi32>,
      %swap3A_289 = vector.shape_cast %swap3A_288 : vector<16xi32> to vector<16xi32>
      %swap3A_290 = vector.shape_cast %or3A_282 : vector<16xi32> to vector<16xi32>
      tpu.vector_store %arg7[%swap3A_287], %swap3A_290 {strides = array<i32>} : memref<7168xi32, #tpu.memory_space<vmem>>, vector<16xi32>,
      %shift_left3A_291 = arith.constant 16 : i32
      %shift_left3A_292 = vector.broadcast %shift_left3A_291 : i32 to vector<16xi32>
      %shift_left3A_293 = arith.shli %shift_right_logical3A_258, %shift_left3A_292 : vector<16xi32>
      %or3A_294 = arith.ori %shift_right_logical3A_218, %shift_left3A_293 : vector<16xi32>
      %mul3A_295 = arith.constant 64 : i32
      %mul3A_296 = arith.muli %add3A_75, %mul3A_295 : i32
      %add3A_297 = arith.constant 16 : i32
      %add3A_298 = arith.addi %mul3A_296, %add3A_297 : i32
      %swap3A_299 = arith.index_cast %add3A_298 : i32 to index
      %swap3A_300 = tpu.vector_load %arg7[%swap3A_299] {strides = array<i32>} : memref<7168xi32, #tpu.memory_space<vmem>>, vector<16xi32>,
      %swap3A_301 = vector.shape_cast %swap3A_300 : vector<16xi32> to vector<16xi32>
      %swap3A_302 = vector.shape_cast %or3A_294 : vector<16xi32> to vector<16xi32>
      tpu.vector_store %arg7[%swap3A_299], %swap3A_302 {strides = array<i32>} : memref<7168xi32, #tpu.memory_space<vmem>>, vector<16xi32>,
      %shift_left3A_303 = arith.constant 16 : i32
      %shift_left3A_304 = vector.broadcast %shift_left3A_303 : i32 to vector<16xi32>
      %shift_left3A_305 = arith.shli %shift_right_logical3A_268, %shift_left3A_304 : vector<16xi32>
      %or3A_306 = arith.ori %shift_right_logical3A_228, %shift_left3A_305 : vector<16xi32>
      %mul3A_307 = arith.constant 64 : i32
      %mul3A_308 = arith.muli %add3A_75, %mul3A_307 : i32
      %add3A_309 = arith.constant 32 : i32
      %add3A_310 = arith.addi %mul3A_308, %add3A_309 : i32
      %swap3A_311 = arith.index_cast %add3A_310 : i32 to index
      %swap3A_312 = tpu.vector_load %arg7[%swap3A_311] {strides = array<i32>} : memref<7168xi32, #tpu.memory_space<vmem>>, vector<16xi32>,
      %swap3A_313 = vector.shape_cast %swap3A_312 : vector<16xi32> to vector<16xi32>
      %swap3A_314 = vector.shape_cast %or3A_306 : vector<16xi32> to vector<16xi32>
      tpu.vector_store %arg7[%swap3A_311], %swap3A_314 {strides = array<i32>} : memref<7168xi32, #tpu.memory_space<vmem>>, vector<16xi32>,
      %shift_left3A_315 = arith.constant 16 : i32
      %shift_left3A_316 = vector.broadcast %shift_left3A_315 : i32 to vector<16xi32>
      %shift_left3A_317 = arith.shli %shift_right_logical3A_278, %shift_left3A_316 : vector<16xi32>
      %or3A_318 = arith.ori %shift_right_logical3A_238, %shift_left3A_317 : vector<16xi32>
      %mul3A_319 = arith.constant 64 : i32
      %mul3A_320 = arith.muli %add3A_75, %mul3A_319 : i32
      %add3A_321 = arith.constant 48 : i32
      %add3A_322 = arith.addi %mul3A_320, %add3A_321 : i32
      %swap3A_323 = arith.index_cast %add3A_322 : i32 to index
      %swap3A_324 = tpu.vector_load %arg7[%swap3A_323] {strides = array<i32>} : memref<7168xi32, #tpu.memory_space<vmem>>, vector<16xi32>,
      %swap3A_325 = vector.shape_cast %swap3A_324 : vector<16xi32> to vector<16xi32>
      %swap3A_326 = vector.shape_cast %or3A_318 : vector<16xi32> to vector<16xi32>
      tpu.vector_store %arg7[%swap3A_323], %swap3A_326 {strides = array<i32>} : memref<7168xi32, #tpu.memory_space<vmem>>, vector<16xi32>,
    }
    %scan3A_48 = arith.constant 56 : i32
    %add3A_49 = arith.constant 112 : i32
    %add3A_50 = arith.addi %min3A_3, %add3A_49 : i32
    %mul3A_51 = arith.constant 64 : i32
    %mul3A_52 = arith.muli %add3A_50, %mul3A_51 : i32
    %dma_start3A_53 = tpu.memref_slice %arg3[%mul3A_52] : memref<6400000xi32, #tpu.memory_space<hbm>> -> memref<7168xi32, #tpu.memory_space<hbm>>
    %dma_start3A_54 = tpu.memref_slice %arg3[%mul3A_52] : memref<6400000xi32, #tpu.memory_space<hbm>> -> memref<7168xi32, #tpu.memory_space<hbm>>
    tpu.enqueue_dma source(%arg7 : memref<7168xi32, #tpu.memory_space<vmem>>) target(%dma_start3A_54 : memref<7168xi32, #tpu.memory_space<hbm>>) target_semaphore(%arg11 : memref<!tpu.dma_semaphore, #tpu.memory_space<semaphore_mem>>)
    %scan3A_55 = arith.constant 0 : i32
    %scan3A_56 = arith.constant 0 : i32
    %scan3A_57 = arith.constant 13 : i32
    %scan3A_58 = arith.addi %scan3A_56, %scan3A_57 : i32
    %scan3A_59 = arith.constant 1 : i32
    scf.for %scan3A_69 = %scan3A_56 to %scan3A_58 step %scan3A_59  : i32 {
      %mul3A_70 = arith.constant 2 : i32
      %mul3A_71 = arith.muli %mul3A_70, %scan3A_69 : i32
      %add3A_72 = arith.constant 2 : i32
      %add3A_73 = arith.addi %mul3A_71, %add3A_72 : i32
      %add3A_74 = arith.constant 1 : i32
      %add3A_75 = arith.addi %add3A_73, %add3A_74 : i32
      %mul3A_76 = arith.constant 112 : i32
      %mul3A_77 = arith.muli %add3A_75, %mul3A_76 : i32
      %add3A_78 = arith.addi %min3A_3, %mul3A_77 : i32
      %dma_start3A_79 = arith.constant 0 : i32
      %dma_start3A_80 = tpu.memref_slice %arg2[%add3A_78, %dma_start3A_79] : memref<100000x128xi32, #tpu.memory_space<hbm>> -> memref<112x128xi32, #tpu.memory_space<hbm>>
      %dma_start3A_81 = arith.constant 0 : i32
      %dma_start3A_82 = tpu.memref_slice %arg2[%add3A_78, %dma_start3A_81] : memref<100000x128xi32, #tpu.memory_space<hbm>> -> memref<112x128xi32, #tpu.memory_space<hbm>>
      tpu.enqueue_dma source(%dma_start3A_82 : memref<112x128xi32, #tpu.memory_space<hbm>>) target(%arg5 : memref<112x128xi32, #tpu.memory_space<vmem>>) target_semaphore(%arg9 : memref<!tpu.dma_semaphore, #tpu.memory_space<semaphore_mem>>)
      %dma_wait3A_83 = arith.constant 0 : i32
      %dma_wait3A_84 = arith.constant 0 : i32
      %dma_wait3A_85 = tpu.memref_slice %arg2[%dma_wait3A_83, %dma_wait3A_84] : memref<100000x128xi32, #tpu.memory_space<hbm>> -> memref<112x128xi32, #tpu.memory_space<hbm>>
      %dma_wait3A_86 = arith.constant 0 : i32
      %dma_wait3A_87 = arith.constant 0 : i32
      %dma_wait3A_88 = tpu.memref_slice %arg2[%dma_wait3A_86, %dma_wait3A_87] : memref<100000x128xi32, #tpu.memory_space<hbm>> -> memref<112x128xi32, #tpu.memory_space<hbm>>
      tpu.wait_dma2 semaphore(%arg8 : memref<!tpu.dma_semaphore, #tpu.memory_space<semaphore_mem>>) src(%dma_wait3A_88 : memref<112x128xi32, #tpu.memory_space<hbm>>) dst(%arg4 : memref<112x128xi32, #tpu.memory_space<vmem>>)
      %dma_wait3A_89 = arith.constant 0 : i32
      %dma_wait3A_90 = tpu.memref_slice %arg3[%dma_wait3A_89] : memref<6400000xi32, #tpu.memory_space<hbm>> -> memref<7168xi32, #tpu.memory_space<hbm>>
      %dma_wait3A_91 = arith.constant 0 : i32
      %dma_wait3A_92 = tpu.memref_slice %arg3[%dma_wait3A_91] : memref<6400000xi32, #tpu.memory_space<hbm>> -> memref<7168xi32, #tpu.memory_space<hbm>>
      tpu.wait_dma2 semaphore(%arg10 : memref<!tpu.dma_semaphore, #tpu.memory_space<semaphore_mem>>) src(%dma_wait3A_92 : memref<7168xi32, #tpu.memory_space<hbm>>) dst(%arg6 : memref<7168xi32, #tpu.memory_space<vmem>>)
      %scan3A_93 = arith.constant 0 : i32
      %scan3A_94 = arith.constant 0 : i32
      %scan3A_95 = arith.constant 56 : i32
      %scan3A_96 = arith.addi %scan3A_94, %scan3A_95 : i32
      %scan3A_97 = arith.constant 1 : i32
      scf.for %scan3A_135 = %scan3A_94 to %scan3A_96 step %scan3A_97  : i32 {
        %mul3A_136 = arith.constant 2 : i32
        %mul3A_137 = arith.muli %mul3A_136, %scan3A_135 : i32
        %mul3A_138 = arith.constant 2 : i32
        %mul3A_139 = arith.muli %mul3A_138, %scan3A_135 : i32
        %add3A_140 = arith.constant 1 : i32
        %add3A_141 = arith.addi %mul3A_139, %add3A_140 : i32
        %get3A = arith.index_cast %mul3A_137 : i32 to index
        %get3A_142 = arith.constant 0 : index
        %get3A_143 = tpu.vector_load %arg4[%get3A, %get3A_142] {strides = array<i32>} : memref<112x128xi32, #tpu.memory_space<vmem>>, vector<1x16xi32>,
        %get3A_144 = vector.shape_cast %get3A_143 : vector<1x16xi32> to vector<16xi32>
        %add3A_145 = arith.constant 32768 : i32
        %add3A_146 = vector.broadcast %add3A_145 : i32 to vector<16xi32>
        %add3A_147 = arith.addi %get3A_144, %add3A_146 : vector<16xi32>
        %shift_right_logical3A = arith.constant 16 : i32
        %shift_right_logical3A_148 = vector.broadcast %shift_right_logical3A : i32 to vector<16xi32>
        %shift_right_logical3A_149 = arith.shrui %add3A_147, %shift_right_logical3A_148 : vector<16xi32>
        %get3A_150 = arith.index_cast %mul3A_137 : i32 to index
        %get3A_151 = arith.constant 16 : index
        %get3A_152 = tpu.vector_load %arg4[%get3A_150, %get3A_151] {strides = array<i32>} : memref<112x128xi32, #tpu.memory_space<vmem>>, vector<1x16xi32>,
        %get3A_153 = vector.shape_cast %get3A_152 : vector<1x16xi32> to vector<16xi32>
        %add3A_154 = arith.constant 32768 : i32
        %add3A_155 = vector.broadcast %add3A_154 : i32 to vector<16xi32>
        %add3A_156 = arith.addi %get3A_153, %add3A_155 : vector<16xi32>
        %shift_right_logical3A_157 = arith.constant 16 : i32
        %shift_right_logical3A_158 = vector.broadcast %shift_right_logical3A_157 : i32 to vector<16xi32>
        %shift_right_logical3A_159 = arith.shrui %add3A_156, %shift_right_logical3A_158 : vector<16xi32>
        %get3A_160 = arith.index_cast %mul3A_137 : i32 to index
        %get3A_161 = arith.constant 32 : index
        %get3A_162 = tpu.vector_load %arg4[%get3A_160, %get3A_161] {strides = array<i32>} : memref<112x128xi32, #tpu.memory_space<vmem>>, vector<1x16xi32>,
        %get3A_163 = vector.shape_cast %get3A_162 : vector<1x16xi32> to vector<16xi32>
        %add3A_164 = arith.constant 32768 : i32
        %add3A_165 = vector.broadcast %add3A_164 : i32 to vector<16xi32>
        %add3A_166 = arith.addi %get3A_163, %add3A_165 : vector<16xi32>
        %shift_right_logical3A_167 = arith.constant 16 : i32
        %shift_right_logical3A_168 = vector.broadcast %shift_right_logical3A_167 : i32 to vector<16xi32>
        %shift_right_logical3A_169 = arith.shrui %add3A_166, %shift_right_logical3A_168 : vector<16xi32>
        %get3A_170 = arith.index_cast %mul3A_137 : i32 to index
        %get3A_171 = arith.constant 48 : index
        %get3A_172 = tpu.vector_load %arg4[%get3A_170, %get3A_171] {strides = array<i32>} : memref<112x128xi32, #tpu.memory_space<vmem>>, vector<1x16xi32>,
        %get3A_173 = vector.shape_cast %get3A_172 : vector<1x16xi32> to vector<16xi32>
        %add3A_174 = arith.constant 32768 : i32
        %add3A_175 = vector.broadcast %add3A_174 : i32 to vector<16xi32>
        %add3A_176 = arith.addi %get3A_173, %add3A_175 : vector<16xi32>
        %shift_right_logical3A_177 = arith.constant 16 : i32
        %shift_right_logical3A_178 = vector.broadcast %shift_right_logical3A_177 : i32 to vector<16xi32>
        %shift_right_logical3A_179 = arith.shrui %add3A_176, %shift_right_logical3A_178 : vector<16xi32>
        %get3A_180 = arith.index_cast %mul3A_137 : i32 to index
        %get3A_181 = arith.constant 64 : index
        %get3A_182 = tpu.vector_load %arg4[%get3A_180, %get3A_181] {strides = array<i32>} : memref<112x128xi32, #tpu.memory_space<vmem>>, vector<1x16xi32>,
        %get3A_183 = vector.shape_cast %get3A_182 : vector<1x16xi32> to vector<16xi32>
        %add3A_184 = arith.constant 32768 : i32
        %add3A_185 = vector.broadcast %add3A_184 : i32 to vector<16xi32>
        %add3A_186 = arith.addi %get3A_183, %add3A_185 : vector<16xi32>
        %shift_right_logical3A_187 = arith.constant 16 : i32
        %shift_right_logical3A_188 = vector.broadcast %shift_right_logical3A_187 : i32 to vector<16xi32>
        %shift_right_logical3A_189 = arith.shrui %add3A_186, %shift_right_logical3A_188 : vector<16xi32>
        %get3A_190 = arith.index_cast %mul3A_137 : i32 to index
        %get3A_191 = arith.constant 80 : index
        %get3A_192 = tpu.vector_load %arg4[%get3A_190, %get3A_191] {strides = array<i32>} : memref<112x128xi32, #tpu.memory_space<vmem>>, vector<1x16xi32>,
        %get3A_193 = vector.shape_cast %get3A_192 : vector<1x16xi32> to vector<16xi32>
        %add3A_194 = arith.constant 32768 : i32
        %add3A_195 = vector.broadcast %add3A_194 : i32 to vector<16xi32>
        %add3A_196 = arith.addi %get3A_193, %add3A_195 : vector<16xi32>
        %shift_right_logical3A_197 = arith.constant 16 : i32
        %shift_right_logical3A_198 = vector.broadcast %shift_right_logical3A_197 : i32 to vector<16xi32>
        %shift_right_logical3A_199 = arith.shrui %add3A_196, %shift_right_logical3A_198 : vector<16xi32>
        %get3A_200 = arith.index_cast %mul3A_137 : i32 to index
        %get3A_201 = arith.constant 96 : index
        %get3A_202 = tpu.vector_load %arg4[%get3A_200, %get3A_201] {strides = array<i32>} : memref<112x128xi32, #tpu.memory_space<vmem>>, vector<1x16xi32>,
        %get3A_203 = vector.shape_cast %get3A_202 : vector<1x16xi32> to vector<16xi32>
        %add3A_204 = arith.constant 32768 : i32
        %add3A_205 = vector.broadcast %add3A_204 : i32 to vector<16xi32>
        %add3A_206 = arith.addi %get3A_203, %add3A_205 : vector<16xi32>
        %shift_right_logical3A_207 = arith.constant 16 : i32
        %shift_right_logical3A_208 = vector.broadcast %shift_right_logical3A_207 : i32 to vector<16xi32>
        %shift_right_logical3A_209 = arith.shrui %add3A_206, %shift_right_logical3A_208 : vector<16xi32>
        %get3A_210 = arith.index_cast %mul3A_137 : i32 to index
        %get3A_211 = arith.constant 112 : index
        %get3A_212 = tpu.vector_load %arg4[%get3A_210, %get3A_211] {strides = array<i32>} : memref<112x128xi32, #tpu.memory_space<vmem>>, vector<1x16xi32>,
        %get3A_213 = vector.shape_cast %get3A_212 : vector<1x16xi32> to vector<16xi32>
        %add3A_214 = arith.constant 32768 : i32
        %add3A_215 = vector.broadcast %add3A_214 : i32 to vector<16xi32>
        %add3A_216 = arith.addi %get3A_213, %add3A_215 : vector<16xi32>
        %shift_right_logical3A_217 = arith.constant 16 : i32
        %shift_right_logical3A_218 = vector.broadcast %shift_right_logical3A_217 : i32 to vector<16xi32>
        %shift_right_logical3A_219 = arith.shrui %add3A_216, %shift_right_logical3A_218 : vector<16xi32>
        %shift_left3A = arith.constant 16 : i32
        %shift_left3A_220 = vector.broadcast %shift_left3A : i32 to vector<16xi32>
        %shift_left3A_221 = arith.shli %shift_right_logical3A_189, %shift_left3A_220 : vector<16xi32>
        %or3A = arith.ori %shift_right_logical3A_149, %shift_left3A_221 : vector<16xi32>
        %mul3A_222 = arith.constant 64 : i32
        %mul3A_223 = arith.muli %mul3A_137, %mul3A_222 : i32
        %add3A_224 = arith.constant 0 : i32
        %add3A_225 = arith.addi %mul3A_223, %add3A_224 : i32
        %swap3A = arith.index_cast %add3A_225 : i32 to index
        %swap3A_226 = tpu.vector_load %arg6[%swap3A] {strides = array<i32>} : memref<7168xi32, #tpu.memory_space<vmem>>, vector<16xi32>,
        %swap3A_227 = vector.shape_cast %swap3A_226 : vector<16xi32> to vector<16xi32>
        %swap3A_228 = vector.shape_cast %or3A : vector<16xi32> to vector<16xi32>
        tpu.vector_store %arg6[%swap3A], %swap3A_228 {strides = array<i32>} : memref<7168xi32, #tpu.memory_space<vmem>>, vector<16xi32>,
        %shift_left3A_229 = arith.constant 16 : i32
        %shift_left3A_230 = vector.broadcast %shift_left3A_229 : i32 to vector<16xi32>
        %shift_left3A_231 = arith.shli %shift_right_logical3A_199, %shift_left3A_230 : vector<16xi32>
        %or3A_232 = arith.ori %shift_right_logical3A_159, %shift_left3A_231 : vector<16xi32>
        %mul3A_233 = arith.constant 64 : i32
        %mul3A_234 = arith.muli %mul3A_137, %mul3A_233 : i32
        %add3A_235 = arith.constant 16 : i32
        %add3A_236 = arith.addi %mul3A_234, %add3A_235 : i32
        %swap3A_237 = arith.index_cast %add3A_236 : i32 to index
        %swap3A_238 = tpu.vector_load %arg6[%swap3A_237] {strides = array<i32>} : memref<7168xi32, #tpu.memory_space<vmem>>, vector<16xi32>,
        %swap3A_239 = vector.shape_cast %swap3A_238 : vector<16xi32> to vector<16xi32>
        %swap3A_240 = vector.shape_cast %or3A_232 : vector<16xi32> to vector<16xi32>
        tpu.vector_store %arg6[%swap3A_237], %swap3A_240 {strides = array<i32>} : memref<7168xi32, #tpu.memory_space<vmem>>, vector<16xi32>,
        %shift_left3A_241 = arith.constant 16 : i32
        %shift_left3A_242 = vector.broadcast %shift_left3A_241 : i32 to vector<16xi32>
        %shift_left3A_243 = arith.shli %shift_right_logical3A_209, %shift_left3A_242 : vector<16xi32>
        %or3A_244 = arith.ori %shift_right_logical3A_169, %shift_left3A_243 : vector<16xi32>
        %mul3A_245 = arith.constant 64 : i32
        %mul3A_246 = arith.muli %mul3A_137, %mul3A_245 : i32
        %add3A_247 = arith.constant 32 : i32
        %add3A_248 = arith.addi %mul3A_246, %add3A_247 : i32
        %swap3A_249 = arith.index_cast %add3A_248 : i32 to index
        %swap3A_250 = tpu.vector_load %arg6[%swap3A_249] {strides = array<i32>} : memref<7168xi32, #tpu.memory_space<vmem>>, vector<16xi32>,
        %swap3A_251 = vector.shape_cast %swap3A_250 : vector<16xi32> to vector<16xi32>
        %swap3A_252 = vector.shape_cast %or3A_244 : vector<16xi32> to vector<16xi32>
        tpu.vector_store %arg6[%swap3A_249], %swap3A_252 {strides = array<i32>} : memref<7168xi32, #tpu.memory_space<vmem>>, vector<16xi32>,
        %shift_left3A_253 = arith.constant 16 : i32
        %shift_left3A_254 = vector.broadcast %shift_left3A_253 : i32 to vector<16xi32>
        %shift_left3A_255 = arith.shli %shift_right_logical3A_219, %shift_left3A_254 : vector<16xi32>
        %or3A_256 = arith.ori %shift_right_logical3A_179, %shift_left3A_255 : vector<16xi32>
        %mul3A_257 = arith.constant 64 : i32
        %mul3A_258 = arith.muli %mul3A_137, %mul3A_257 : i32
        %add3A_259 = arith.constant 48 : i32
        %add3A_260 = arith.addi %mul3A_258, %add3A_259 : i32
        %swap3A_261 = arith.index_cast %add3A_260 : i32 to index
        %swap3A_262 = tpu.vector_load %arg6[%swap3A_261] {strides = array<i32>} : memref<7168xi32, #tpu.memory_space<vmem>>, vector<16xi32>,
        %swap3A_263 = vector.shape_cast %swap3A_262 : vector<16xi32> to vector<16xi32>
        %swap3A_264 = vector.shape_cast %or3A_256 : vector<16xi32> to vector<16xi32>
        tpu.vector_store %arg6[%swap3A_261], %swap3A_264 {strides = array<i32>} : memref<7168xi32, #tpu.memory_space<vmem>>, vector<16xi32>,
        %get3A_265 = arith.index_cast %add3A_141 : i32 to index
        %get3A_266 = arith.constant 0 : index
        %get3A_267 = tpu.vector_load %arg4[%get3A_265, %get3A_266] {strides = array<i32>} : memref<112x128xi32, #tpu.memory_space<vmem>>, vector<1x16xi32>,
        %get3A_268 = vector.shape_cast %get3A_267 : vector<1x16xi32> to vector<16xi32>
        %add3A_269 = arith.constant 32768 : i32
        %add3A_270 = vector.broadcast %add3A_269 : i32 to vector<16xi32>
        %add3A_271 = arith.addi %get3A_268, %add3A_270 : vector<16xi32>
        %shift_right_logical3A_272 = arith.constant 16 : i32
        %shift_right_logical3A_273 = vector.broadcast %shift_right_logical3A_272 : i32 to vector<16xi32>
        %shift_right_logical3A_274 = arith.shrui %add3A_271, %shift_right_logical3A_273 : vector<16xi32>
        %get3A_275 = arith.index_cast %add3A_141 : i32 to index
        %get3A_276 = arith.constant 16 : index
        %get3A_277 = tpu.vector_load %arg4[%get3A_275, %get3A_276] {strides = array<i32>} : memref<112x128xi32, #tpu.memory_space<vmem>>, vector<1x16xi32>,
        %get3A_278 = vector.shape_cast %get3A_277 : vector<1x16xi32> to vector<16xi32>
        %add3A_279 = arith.constant 32768 : i32
        %add3A_280 = vector.broadcast %add3A_279 : i32 to vector<16xi32>
        %add3A_281 = arith.addi %get3A_278, %add3A_280 : vector<16xi32>
        %shift_right_logical3A_282 = arith.constant 16 : i32
        %shift_right_logical3A_283 = vector.broadcast %shift_right_logical3A_282 : i32 to vector<16xi32>
        %shift_right_logical3A_284 = arith.shrui %add3A_281, %shift_right_logical3A_283 : vector<16xi32>
        %get3A_285 = arith.index_cast %add3A_141 : i32 to index
        %get3A_286 = arith.constant 32 : index
        %get3A_287 = tpu.vector_load %arg4[%get3A_285, %get3A_286] {strides = array<i32>} : memref<112x128xi32, #tpu.memory_space<vmem>>, vector<1x16xi32>,
        %get3A_288 = vector.shape_cast %get3A_287 : vector<1x16xi32> to vector<16xi32>
        %add3A_289 = arith.constant 32768 : i32
        %add3A_290 = vector.broadcast %add3A_289 : i32 to vector<16xi32>
        %add3A_291 = arith.addi %get3A_288, %add3A_290 : vector<16xi32>
        %shift_right_logical3A_292 = arith.constant 16 : i32
        %shift_right_logical3A_293 = vector.broadcast %shift_right_logical3A_292 : i32 to vector<16xi32>
        %shift_right_logical3A_294 = arith.shrui %add3A_291, %shift_right_logical3A_293 : vector<16xi32>
        %get3A_295 = arith.index_cast %add3A_141 : i32 to index
        %get3A_296 = arith.constant 48 : index
        %get3A_297 = tpu.vector_load %arg4[%get3A_295, %get3A_296] {strides = array<i32>} : memref<112x128xi32, #tpu.memory_space<vmem>>, vector<1x16xi32>,
        %get3A_298 = vector.shape_cast %get3A_297 : vector<1x16xi32> to vector<16xi32>
        %add3A_299 = arith.constant 32768 : i32
        %add3A_300 = vector.broadcast %add3A_299 : i32 to vector<16xi32>
        %add3A_301 = arith.addi %get3A_298, %add3A_300 : vector<16xi32>
        %shift_right_logical3A_302 = arith.constant 16 : i32
        %shift_right_logical3A_303 = vector.broadcast %shift_right_logical3A_302 : i32 to vector<16xi32>
        %shift_right_logical3A_304 = arith.shrui %add3A_301, %shift_right_logical3A_303 : vector<16xi32>
        %get3A_305 = arith.index_cast %add3A_141 : i32 to index
        %get3A_306 = arith.constant 64 : index
        %get3A_307 = tpu.vector_load %arg4[%get3A_305, %get3A_306] {strides = array<i32>} : memref<112x128xi32, #tpu.memory_space<vmem>>, vector<1x16xi32>,
        %get3A_308 = vector.shape_cast %get3A_307 : vector<1x16xi32> to vector<16xi32>
        %add3A_309 = arith.constant 32768 : i32
        %add3A_310 = vector.broadcast %add3A_309 : i32 to vector<16xi32>
        %add3A_311 = arith.addi %get3A_308, %add3A_310 : vector<16xi32>
        %shift_right_logical3A_312 = arith.constant 16 : i32
        %shift_right_logical3A_313 = vector.broadcast %shift_right_logical3A_312 : i32 to vector<16xi32>
        %shift_right_logical3A_314 = arith.shrui %add3A_311, %shift_right_logical3A_313 : vector<16xi32>
        %get3A_315 = arith.index_cast %add3A_141 : i32 to index
        %get3A_316 = arith.constant 80 : index
        %get3A_317 = tpu.vector_load %arg4[%get3A_315, %get3A_316] {strides = array<i32>} : memref<112x128xi32, #tpu.memory_space<vmem>>, vector<1x16xi32>,
        %get3A_318 = vector.shape_cast %get3A_317 : vector<1x16xi32> to vector<16xi32>
        %add3A_319 = arith.constant 32768 : i32
        %add3A_320 = vector.broadcast %add3A_319 : i32 to vector<16xi32>
        %add3A_321 = arith.addi %get3A_318, %add3A_320 : vector<16xi32>
        %shift_right_logical3A_322 = arith.constant 16 : i32
        %shift_right_logical3A_323 = vector.broadcast %shift_right_logical3A_322 : i32 to vector<16xi32>
        %shift_right_logical3A_324 = arith.shrui %add3A_321, %shift_right_logical3A_323 : vector<16xi32>
        %get3A_325 = arith.index_cast %add3A_141 : i32 to index
        %get3A_326 = arith.constant 96 : index
        %get3A_327 = tpu.vector_load %arg4[%get3A_325, %get3A_326] {strides = array<i32>} : memref<112x128xi32, #tpu.memory_space<vmem>>, vector<1x16xi32>,
        %get3A_328 = vector.shape_cast %get3A_327 : vector<1x16xi32> to vector<16xi32>
        %add3A_329 = arith.constant 32768 : i32
        %add3A_330 = vector.broadcast %add3A_329 : i32 to vector<16xi32>
        %add3A_331 = arith.addi %get3A_328, %add3A_330 : vector<16xi32>
        %shift_right_logical3A_332 = arith.constant 16 : i32
        %shift_right_logical3A_333 = vector.broadcast %shift_right_logical3A_332 : i32 to vector<16xi32>
        %shift_right_logical3A_334 = arith.shrui %add3A_331, %shift_right_logical3A_333 : vector<16xi32>
        %get3A_335 = arith.index_cast %add3A_141 : i32 to index
        %get3A_336 = arith.constant 112 : index
        %get3A_337 = tpu.vector_load %arg4[%get3A_335, %get3A_336] {strides = array<i32>} : memref<112x128xi32, #tpu.memory_space<vmem>>, vector<1x16xi32>,
        %get3A_338 = vector.shape_cast %get3A_337 : vector<1x16xi32> to vector<16xi32>
        %add3A_339 = arith.constant 32768 : i32
        %add3A_340 = vector.broadcast %add3A_339 : i32 to vector<16xi32>
        %add3A_341 = arith.addi %get3A_338, %add3A_340 : vector<16xi32>
        %shift_right_logical3A_342 = arith.constant 16 : i32
        %shift_right_logical3A_343 = vector.broadcast %shift_right_logical3A_342 : i32 to vector<16xi32>
        %shift_right_logical3A_344 = arith.shrui %add3A_341, %shift_right_logical3A_343 : vector<16xi32>
        %shift_left3A_345 = arith.constant 16 : i32
        %shift_left3A_346 = vector.broadcast %shift_left3A_345 : i32 to vector<16xi32>
        %shift_left3A_347 = arith.shli %shift_right_logical3A_314, %shift_left3A_346 : vector<16xi32>
        %or3A_348 = arith.ori %shift_right_logical3A_274, %shift_left3A_347 : vector<16xi32>
        %mul3A_349 = arith.constant 64 : i32
        %mul3A_350 = arith.muli %add3A_141, %mul3A_349 : i32
        %add3A_351 = arith.constant 0 : i32
        %add3A_352 = arith.addi %mul3A_350, %add3A_351 : i32
        %swap3A_353 = arith.index_cast %add3A_352 : i32 to index
        %swap3A_354 = tpu.vector_load %arg6[%swap3A_353] {strides = array<i32>} : memref<7168xi32, #tpu.memory_space<vmem>>, vector<16xi32>,
        %swap3A_355 = vector.shape_cast %swap3A_354 : vector<16xi32> to vector<16xi32>
        %swap3A_356 = vector.shape_cast %or3A_348 : vector<16xi32> to vector<16xi32>
        tpu.vector_store %arg6[%swap3A_353], %swap3A_356 {strides = array<i32>} : memref<7168xi32, #tpu.memory_space<vmem>>, vector<16xi32>,
        %shift_left3A_357 = arith.constant 16 : i32
        %shift_left3A_358 = vector.broadcast %shift_left3A_357 : i32 to vector<16xi32>
        %shift_left3A_359 = arith.shli %shift_right_logical3A_324, %shift_left3A_358 : vector<16xi32>
        %or3A_360 = arith.ori %shift_right_logical3A_284, %shift_left3A_359 : vector<16xi32>
        %mul3A_361 = arith.constant 64 : i32
        %mul3A_362 = arith.muli %add3A_141, %mul3A_361 : i32
        %add3A_363 = arith.constant 16 : i32
        %add3A_364 = arith.addi %mul3A_362, %add3A_363 : i32
        %swap3A_365 = arith.index_cast %add3A_364 : i32 to index
        %swap3A_366 = tpu.vector_load %arg6[%swap3A_365] {strides = array<i32>} : memref<7168xi32, #tpu.memory_space<vmem>>, vector<16xi32>,
        %swap3A_367 = vector.shape_cast %swap3A_366 : vector<16xi32> to vector<16xi32>
        %swap3A_368 = vector.shape_cast %or3A_360 : vector<16xi32> to vector<16xi32>
        tpu.vector_store %arg6[%swap3A_365], %swap3A_368 {strides = array<i32>} : memref<7168xi32, #tpu.memory_space<vmem>>, vector<16xi32>,
        %shift_left3A_369 = arith.constant 16 : i32
        %shift_left3A_370 = vector.broadcast %shift_left3A_369 : i32 to vector<16xi32>
        %shift_left3A_371 = arith.shli %shift_right_logical3A_334, %shift_left3A_370 : vector<16xi32>
        %or3A_372 = arith.ori %shift_right_logical3A_294, %shift_left3A_371 : vector<16xi32>
        %mul3A_373 = arith.constant 64 : i32
        %mul3A_374 = arith.muli %add3A_141, %mul3A_373 : i32
        %add3A_375 = arith.constant 32 : i32
        %add3A_376 = arith.addi %mul3A_374, %add3A_375 : i32
        %swap3A_377 = arith.index_cast %add3A_376 : i32 to index
        %swap3A_378 = tpu.vector_load %arg6[%swap3A_377] {strides = array<i32>} : memref<7168xi32, #tpu.memory_space<vmem>>, vector<16xi32>,
        %swap3A_379 = vector.shape_cast %swap3A_378 : vector<16xi32> to vector<16xi32>
        %swap3A_380 = vector.shape_cast %or3A_372 : vector<16xi32> to vector<16xi32>
        tpu.vector_store %arg6[%swap3A_377], %swap3A_380 {strides = array<i32>} : memref<7168xi32, #tpu.memory_space<vmem>>, vector<16xi32>,
        %shift_left3A_381 = arith.constant 16 : i32
        %shift_left3A_382 = vector.broadcast %shift_left3A_381 : i32 to vector<16xi32>
        %shift_left3A_383 = arith.shli %shift_right_logical3A_344, %shift_left3A_382 : vector<16xi32>
        %or3A_384 = arith.ori %shift_right_logical3A_304, %shift_left3A_383 : vector<16xi32>
        %mul3A_385 = arith.constant 64 : i32
        %mul3A_386 = arith.muli %add3A_141, %mul3A_385 : i32
        %add3A_387 = arith.constant 48 : i32
        %add3A_388 = arith.addi %mul3A_386, %add3A_387 : i32
        %swap3A_389 = arith.index_cast %add3A_388 : i32 to index
        %swap3A_390 = tpu.vector_load %arg6[%swap3A_389] {strides = array<i32>} : memref<7168xi32, #tpu.memory_space<vmem>>, vector<16xi32>,
        %swap3A_391 = vector.shape_cast %swap3A_390 : vector<16xi32> to vector<16xi32>
        %swap3A_392 = vector.shape_cast %or3A_384 : vector<16xi32> to vector<16xi32>
        tpu.vector_store %arg6[%swap3A_389], %swap3A_392 {strides = array<i32>} : memref<7168xi32, #tpu.memory_space<vmem>>, vector<16xi32>,
      }
      %scan3A_98 = arith.constant 56 : i32
      %mul3A_99 = arith.constant 112 : i32
      %mul3A_100 = arith.muli %add3A_73, %mul3A_99 : i32
      %add3A_101 = arith.addi %min3A_3, %mul3A_100 : i32
      %mul3A_102 = arith.constant 64 : i32
      %mul3A_103 = arith.muli %add3A_101, %mul3A_102 : i32
      %dma_start3A_104 = tpu.memref_slice %arg3[%mul3A_103] : memref<6400000xi32, #tpu.memory_space<hbm>> -> memref<7168xi32, #tpu.memory_space<hbm>>
      %dma_start3A_105 = tpu.memref_slice %arg3[%mul3A_103] : memref<6400000xi32, #tpu.memory_space<hbm>> -> memref<7168xi32, #tpu.memory_space<hbm>>
      tpu.enqueue_dma source(%arg6 : memref<7168xi32, #tpu.memory_space<vmem>>) target(%dma_start3A_105 : memref<7168xi32, #tpu.memory_space<hbm>>) target_semaphore(%arg10 : memref<!tpu.dma_semaphore, #tpu.memory_space<semaphore_mem>>)
      %add3A_106 = arith.constant 2 : i32
      %add3A_107 = arith.addi %add3A_73, %add3A_106 : i32
      %lt3A = arith.constant 28 : i32
      %lt3A_108 = arith.cmpi slt, %add3A_107, %lt3A : i32
      %convert_element_type3A = arith.extui %lt3A_108 : i1 to i32
      %cond3A = arith.constant 0 : i32
      %cond3A_109 = arith.cmpi ne, %convert_element_type3A, %cond3A : i32
      scf.if %cond3A_109 {
        %add3A_135 = arith.constant 2 : i32
        %add3A_136 = arith.addi %add3A_73, %add3A_135 : i32
        %mul3A_137 = arith.constant 112 : i32
        %mul3A_138 = arith.muli %add3A_136, %mul3A_137 : i32
        %add3A_139 = arith.addi %min3A_3, %mul3A_138 : i32
        %dma_start3A_140 = arith.constant 0 : i32
        %dma_start3A_141 = tpu.memref_slice %arg2[%add3A_139, %dma_start3A_140] : memref<100000x128xi32, #tpu.memory_space<hbm>> -> memref<112x128xi32, #tpu.memory_space<hbm>>
        %dma_start3A_142 = arith.constant 0 : i32
        %dma_start3A_143 = tpu.memref_slice %arg2[%add3A_139, %dma_start3A_142] : memref<100000x128xi32, #tpu.memory_space<hbm>> -> memref<112x128xi32, #tpu.memory_space<hbm>>
        tpu.enqueue_dma source(%dma_start3A_143 : memref<112x128xi32, #tpu.memory_space<hbm>>) target(%arg4 : memref<112x128xi32, #tpu.memory_space<vmem>>) target_semaphore(%arg8 : memref<!tpu.dma_semaphore, #tpu.memory_space<semaphore_mem>>)
      } else {
      }
      %dma_wait3A_110 = arith.constant 0 : i32
      %dma_wait3A_111 = arith.constant 0 : i32
      %dma_wait3A_112 = tpu.memref_slice %arg2[%dma_wait3A_110, %dma_wait3A_111] : memref<100000x128xi32, #tpu.memory_space<hbm>> -> memref<112x128xi32, #tpu.memory_space<hbm>>
      %dma_wait3A_113 = arith.constant 0 : i32
      %dma_wait3A_114 = arith.constant 0 : i32
      %dma_wait3A_115 = tpu.memref_slice %arg2[%dma_wait3A_113, %dma_wait3A_114] : memref<100000x128xi32, #tpu.memory_space<hbm>> -> memref<112x128xi32, #tpu.memory_space<hbm>>
      tpu.wait_dma2 semaphore(%arg9 : memref<!tpu.dma_semaphore, #tpu.memory_space<semaphore_mem>>) src(%dma_wait3A_115 : memref<112x128xi32, #tpu.memory_space<hbm>>) dst(%arg5 : memref<112x128xi32, #tpu.memory_space<vmem>>)
      %add3A_116 = arith.constant 1 : i32
      %add3A_117 = arith.addi %add3A_73, %add3A_116 : i32
      %dma_wait3A_118 = arith.constant 0 : i32
      %dma_wait3A_119 = tpu.memref_slice %arg3[%dma_wait3A_118] : memref<6400000xi32, #tpu.memory_space<hbm>> -> memref<7168xi32, #tpu.memory_space<hbm>>
      %dma_wait3A_120 = arith.constant 0 : i32
      %dma_wait3A_121 = tpu.memref_slice %arg3[%dma_wait3A_120] : memref<6400000xi32, #tpu.memory_space<hbm>> -> memref<7168xi32, #tpu.memory_space<hbm>>
      tpu.wait_dma2 semaphore(%arg11 : memref<!tpu.dma_semaphore, #tpu.memory_space<semaphore_mem>>) src(%dma_wait3A_121 : memref<7168xi32, #tpu.memory_space<hbm>>) dst(%arg7 : memref<7168xi32, #tpu.memory_space<vmem>>)
      %scan3A_122 = arith.constant 0 : i32
      %scan3A_123 = arith.constant 0 : i32
      %scan3A_124 = arith.constant 56 : i32
      %scan3A_125 = arith.addi %scan3A_123, %scan3A_124 : i32
      %scan3A_126 = arith.constant 1 : i32
      scf.for %scan3A_135 = %scan3A_123 to %scan3A_125 step %scan3A_126  : i32 {
        %mul3A_136 = arith.constant 2 : i32
        %mul3A_137 = arith.muli %mul3A_136, %scan3A_135 : i32
        %mul3A_138 = arith.constant 2 : i32
        %mul3A_139 = arith.muli %mul3A_138, %scan3A_135 : i32
        %add3A_140 = arith.constant 1 : i32
        %add3A_141 = arith.addi %mul3A_139, %add3A_140 : i32
        %get3A = arith.index_cast %mul3A_137 : i32 to index
        %get3A_142 = arith.constant 0 : index
        %get3A_143 = tpu.vector_load %arg5[%get3A, %get3A_142] {strides = array<i32>} : memref<112x128xi32, #tpu.memory_space<vmem>>, vector<1x16xi32>,
        %get3A_144 = vector.shape_cast %get3A_143 : vector<1x16xi32> to vector<16xi32>
        %add3A_145 = arith.constant 32768 : i32
        %add3A_146 = vector.broadcast %add3A_145 : i32 to vector<16xi32>
        %add3A_147 = arith.addi %get3A_144, %add3A_146 : vector<16xi32>
        %shift_right_logical3A = arith.constant 16 : i32
        %shift_right_logical3A_148 = vector.broadcast %shift_right_logical3A : i32 to vector<16xi32>
        %shift_right_logical3A_149 = arith.shrui %add3A_147, %shift_right_logical3A_148 : vector<16xi32>
        %get3A_150 = arith.index_cast %mul3A_137 : i32 to index
        %get3A_151 = arith.constant 16 : index
        %get3A_152 = tpu.vector_load %arg5[%get3A_150, %get3A_151] {strides = array<i32>} : memref<112x128xi32, #tpu.memory_space<vmem>>, vector<1x16xi32>,
        %get3A_153 = vector.shape_cast %get3A_152 : vector<1x16xi32> to vector<16xi32>
        %add3A_154 = arith.constant 32768 : i32
        %add3A_155 = vector.broadcast %add3A_154 : i32 to vector<16xi32>
        %add3A_156 = arith.addi %get3A_153, %add3A_155 : vector<16xi32>
        %shift_right_logical3A_157 = arith.constant 16 : i32
        %shift_right_logical3A_158 = vector.broadcast %shift_right_logical3A_157 : i32 to vector<16xi32>
        %shift_right_logical3A_159 = arith.shrui %add3A_156, %shift_right_logical3A_158 : vector<16xi32>
        %get3A_160 = arith.index_cast %mul3A_137 : i32 to index
        %get3A_161 = arith.constant 32 : index
        %get3A_162 = tpu.vector_load %arg5[%get3A_160, %get3A_161] {strides = array<i32>} : memref<112x128xi32, #tpu.memory_space<vmem>>, vector<1x16xi32>,
        %get3A_163 = vector.shape_cast %get3A_162 : vector<1x16xi32> to vector<16xi32>
        %add3A_164 = arith.constant 32768 : i32
        %add3A_165 = vector.broadcast %add3A_164 : i32 to vector<16xi32>
        %add3A_166 = arith.addi %get3A_163, %add3A_165 : vector<16xi32>
        %shift_right_logical3A_167 = arith.constant 16 : i32
        %shift_right_logical3A_168 = vector.broadcast %shift_right_logical3A_167 : i32 to vector<16xi32>
        %shift_right_logical3A_169 = arith.shrui %add3A_166, %shift_right_logical3A_168 : vector<16xi32>
        %get3A_170 = arith.index_cast %mul3A_137 : i32 to index
        %get3A_171 = arith.constant 48 : index
        %get3A_172 = tpu.vector_load %arg5[%get3A_170, %get3A_171] {strides = array<i32>} : memref<112x128xi32, #tpu.memory_space<vmem>>, vector<1x16xi32>,
        %get3A_173 = vector.shape_cast %get3A_172 : vector<1x16xi32> to vector<16xi32>
        %add3A_174 = arith.constant 32768 : i32
        %add3A_175 = vector.broadcast %add3A_174 : i32 to vector<16xi32>
        %add3A_176 = arith.addi %get3A_173, %add3A_175 : vector<16xi32>
        %shift_right_logical3A_177 = arith.constant 16 : i32
        %shift_right_logical3A_178 = vector.broadcast %shift_right_logical3A_177 : i32 to vector<16xi32>
        %shift_right_logical3A_179 = arith.shrui %add3A_176, %shift_right_logical3A_178 : vector<16xi32>
        %get3A_180 = arith.index_cast %mul3A_137 : i32 to index
        %get3A_181 = arith.constant 64 : index
        %get3A_182 = tpu.vector_load %arg5[%get3A_180, %get3A_181] {strides = array<i32>} : memref<112x128xi32, #tpu.memory_space<vmem>>, vector<1x16xi32>,
        %get3A_183 = vector.shape_cast %get3A_182 : vector<1x16xi32> to vector<16xi32>
        %add3A_184 = arith.constant 32768 : i32
        %add3A_185 = vector.broadcast %add3A_184 : i32 to vector<16xi32>
        %add3A_186 = arith.addi %get3A_183, %add3A_185 : vector<16xi32>
        %shift_right_logical3A_187 = arith.constant 16 : i32
        %shift_right_logical3A_188 = vector.broadcast %shift_right_logical3A_187 : i32 to vector<16xi32>
        %shift_right_logical3A_189 = arith.shrui %add3A_186, %shift_right_logical3A_188 : vector<16xi32>
        %get3A_190 = arith.index_cast %mul3A_137 : i32 to index
        %get3A_191 = arith.constant 80 : index
        %get3A_192 = tpu.vector_load %arg5[%get3A_190, %get3A_191] {strides = array<i32>} : memref<112x128xi32, #tpu.memory_space<vmem>>, vector<1x16xi32>,
        %get3A_193 = vector.shape_cast %get3A_192 : vector<1x16xi32> to vector<16xi32>
        %add3A_194 = arith.constant 32768 : i32
        %add3A_195 = vector.broadcast %add3A_194 : i32 to vector<16xi32>
        %add3A_196 = arith.addi %get3A_193, %add3A_195 : vector<16xi32>
        %shift_right_logical3A_197 = arith.constant 16 : i32
        %shift_right_logical3A_198 = vector.broadcast %shift_right_logical3A_197 : i32 to vector<16xi32>
        %shift_right_logical3A_199 = arith.shrui %add3A_196, %shift_right_logical3A_198 : vector<16xi32>
        %get3A_200 = arith.index_cast %mul3A_137 : i32 to index
        %get3A_201 = arith.constant 96 : index
        %get3A_202 = tpu.vector_load %arg5[%get3A_200, %get3A_201] {strides = array<i32>} : memref<112x128xi32, #tpu.memory_space<vmem>>, vector<1x16xi32>,
        %get3A_203 = vector.shape_cast %get3A_202 : vector<1x16xi32> to vector<16xi32>
        %add3A_204 = arith.constant 32768 : i32
        %add3A_205 = vector.broadcast %add3A_204 : i32 to vector<16xi32>
        %add3A_206 = arith.addi %get3A_203, %add3A_205 : vector<16xi32>
        %shift_right_logical3A_207 = arith.constant 16 : i32
        %shift_right_logical3A_208 = vector.broadcast %shift_right_logical3A_207 : i32 to vector<16xi32>
        %shift_right_logical3A_209 = arith.shrui %add3A_206, %shift_right_logical3A_208 : vector<16xi32>
        %get3A_210 = arith.index_cast %mul3A_137 : i32 to index
        %get3A_211 = arith.constant 112 : index
        %get3A_212 = tpu.vector_load %arg5[%get3A_210, %get3A_211] {strides = array<i32>} : memref<112x128xi32, #tpu.memory_space<vmem>>, vector<1x16xi32>,
        %get3A_213 = vector.shape_cast %get3A_212 : vector<1x16xi32> to vector<16xi32>
        %add3A_214 = arith.constant 32768 : i32
        %add3A_215 = vector.broadcast %add3A_214 : i32 to vector<16xi32>
        %add3A_216 = arith.addi %get3A_213, %add3A_215 : vector<16xi32>
        %shift_right_logical3A_217 = arith.constant 16 : i32
        %shift_right_logical3A_218 = vector.broadcast %shift_right_logical3A_217 : i32 to vector<16xi32>
        %shift_right_logical3A_219 = arith.shrui %add3A_216, %shift_right_logical3A_218 : vector<16xi32>
        %shift_left3A = arith.constant 16 : i32
        %shift_left3A_220 = vector.broadcast %shift_left3A : i32 to vector<16xi32>
        %shift_left3A_221 = arith.shli %shift_right_logical3A_189, %shift_left3A_220 : vector<16xi32>
        %or3A = arith.ori %shift_right_logical3A_149, %shift_left3A_221 : vector<16xi32>
        %mul3A_222 = arith.constant 64 : i32
        %mul3A_223 = arith.muli %mul3A_137, %mul3A_222 : i32
        %add3A_224 = arith.constant 0 : i32
        %add3A_225 = arith.addi %mul3A_223, %add3A_224 : i32
        %swap3A = arith.index_cast %add3A_225 : i32 to index
        %swap3A_226 = tpu.vector_load %arg7[%swap3A] {strides = array<i32>} : memref<7168xi32, #tpu.memory_space<vmem>>, vector<16xi32>,
        %swap3A_227 = vector.shape_cast %swap3A_226 : vector<16xi32> to vector<16xi32>
        %swap3A_228 = vector.shape_cast %or3A : vector<16xi32> to vector<16xi32>
        tpu.vector_store %arg7[%swap3A], %swap3A_228 {strides = array<i32>} : memref<7168xi32, #tpu.memory_space<vmem>>, vector<16xi32>,
        %shift_left3A_229 = arith.constant 16 : i32
        %shift_left3A_230 = vector.broadcast %shift_left3A_229 : i32 to vector<16xi32>
        %shift_left3A_231 = arith.shli %shift_right_logical3A_199, %shift_left3A_230 : vector<16xi32>
        %or3A_232 = arith.ori %shift_right_logical3A_159, %shift_left3A_231 : vector<16xi32>
        %mul3A_233 = arith.constant 64 : i32
        %mul3A_234 = arith.muli %mul3A_137, %mul3A_233 : i32
        %add3A_235 = arith.constant 16 : i32
        %add3A_236 = arith.addi %mul3A_234, %add3A_235 : i32
        %swap3A_237 = arith.index_cast %add3A_236 : i32 to index
        %swap3A_238 = tpu.vector_load %arg7[%swap3A_237] {strides = array<i32>} : memref<7168xi32, #tpu.memory_space<vmem>>, vector<16xi32>,
        %swap3A_239 = vector.shape_cast %swap3A_238 : vector<16xi32> to vector<16xi32>
        %swap3A_240 = vector.shape_cast %or3A_232 : vector<16xi32> to vector<16xi32>
        tpu.vector_store %arg7[%swap3A_237], %swap3A_240 {strides = array<i32>} : memref<7168xi32, #tpu.memory_space<vmem>>, vector<16xi32>,
        %shift_left3A_241 = arith.constant 16 : i32
        %shift_left3A_242 = vector.broadcast %shift_left3A_241 : i32 to vector<16xi32>
        %shift_left3A_243 = arith.shli %shift_right_logical3A_209, %shift_left3A_242 : vector<16xi32>
        %or3A_244 = arith.ori %shift_right_logical3A_169, %shift_left3A_243 : vector<16xi32>
        %mul3A_245 = arith.constant 64 : i32
        %mul3A_246 = arith.muli %mul3A_137, %mul3A_245 : i32
        %add3A_247 = arith.constant 32 : i32
        %add3A_248 = arith.addi %mul3A_246, %add3A_247 : i32
        %swap3A_249 = arith.index_cast %add3A_248 : i32 to index
        %swap3A_250 = tpu.vector_load %arg7[%swap3A_249] {strides = array<i32>} : memref<7168xi32, #tpu.memory_space<vmem>>, vector<16xi32>,
        %swap3A_251 = vector.shape_cast %swap3A_250 : vector<16xi32> to vector<16xi32>
        %swap3A_252 = vector.shape_cast %or3A_244 : vector<16xi32> to vector<16xi32>
        tpu.vector_store %arg7[%swap3A_249], %swap3A_252 {strides = array<i32>} : memref<7168xi32, #tpu.memory_space<vmem>>, vector<16xi32>,
        %shift_left3A_253 = arith.constant 16 : i32
        %shift_left3A_254 = vector.broadcast %shift_left3A_253 : i32 to vector<16xi32>
        %shift_left3A_255 = arith.shli %shift_right_logical3A_219, %shift_left3A_254 : vector<16xi32>
        %or3A_256 = arith.ori %shift_right_logical3A_179, %shift_left3A_255 : vector<16xi32>
        %mul3A_257 = arith.constant 64 : i32
        %mul3A_258 = arith.muli %mul3A_137, %mul3A_257 : i32
        %add3A_259 = arith.constant 48 : i32
        %add3A_260 = arith.addi %mul3A_258, %add3A_259 : i32
        %swap3A_261 = arith.index_cast %add3A_260 : i32 to index
        %swap3A_262 = tpu.vector_load %arg7[%swap3A_261] {strides = array<i32>} : memref<7168xi32, #tpu.memory_space<vmem>>, vector<16xi32>,
        %swap3A_263 = vector.shape_cast %swap3A_262 : vector<16xi32> to vector<16xi32>
        %swap3A_264 = vector.shape_cast %or3A_256 : vector<16xi32> to vector<16xi32>
        tpu.vector_store %arg7[%swap3A_261], %swap3A_264 {strides = array<i32>} : memref<7168xi32, #tpu.memory_space<vmem>>, vector<16xi32>,
        %get3A_265 = arith.index_cast %add3A_141 : i32 to index
        %get3A_266 = arith.constant 0 : index
        %get3A_267 = tpu.vector_load %arg5[%get3A_265, %get3A_266] {strides = array<i32>} : memref<112x128xi32, #tpu.memory_space<vmem>>, vector<1x16xi32>,
        %get3A_268 = vector.shape_cast %get3A_267 : vector<1x16xi32> to vector<16xi32>
        %add3A_269 = arith.constant 32768 : i32
        %add3A_270 = vector.broadcast %add3A_269 : i32 to vector<16xi32>
        %add3A_271 = arith.addi %get3A_268, %add3A_270 : vector<16xi32>
        %shift_right_logical3A_272 = arith.constant 16 : i32
        %shift_right_logical3A_273 = vector.broadcast %shift_right_logical3A_272 : i32 to vector<16xi32>
        %shift_right_logical3A_274 = arith.shrui %add3A_271, %shift_right_logical3A_273 : vector<16xi32>
        %get3A_275 = arith.index_cast %add3A_141 : i32 to index
        %get3A_276 = arith.constant 16 : index
        %get3A_277 = tpu.vector_load %arg5[%get3A_275, %get3A_276] {strides = array<i32>} : memref<112x128xi32, #tpu.memory_space<vmem>>, vector<1x16xi32>,
        %get3A_278 = vector.shape_cast %get3A_277 : vector<1x16xi32> to vector<16xi32>
        %add3A_279 = arith.constant 32768 : i32
        %add3A_280 = vector.broadcast %add3A_279 : i32 to vector<16xi32>
        %add3A_281 = arith.addi %get3A_278, %add3A_280 : vector<16xi32>
        %shift_right_logical3A_282 = arith.constant 16 : i32
        %shift_right_logical3A_283 = vector.broadcast %shift_right_logical3A_282 : i32 to vector<16xi32>
        %shift_right_logical3A_284 = arith.shrui %add3A_281, %shift_right_logical3A_283 : vector<16xi32>
        %get3A_285 = arith.index_cast %add3A_141 : i32 to index
        %get3A_286 = arith.constant 32 : index
        %get3A_287 = tpu.vector_load %arg5[%get3A_285, %get3A_286] {strides = array<i32>} : memref<112x128xi32, #tpu.memory_space<vmem>>, vector<1x16xi32>,
        %get3A_288 = vector.shape_cast %get3A_287 : vector<1x16xi32> to vector<16xi32>
        %add3A_289 = arith.constant 32768 : i32
        %add3A_290 = vector.broadcast %add3A_289 : i32 to vector<16xi32>
        %add3A_291 = arith.addi %get3A_288, %add3A_290 : vector<16xi32>
        %shift_right_logical3A_292 = arith.constant 16 : i32
        %shift_right_logical3A_293 = vector.broadcast %shift_right_logical3A_292 : i32 to vector<16xi32>
        %shift_right_logical3A_294 = arith.shrui %add3A_291, %shift_right_logical3A_293 : vector<16xi32>
        %get3A_295 = arith.index_cast %add3A_141 : i32 to index
        %get3A_296 = arith.constant 48 : index
        %get3A_297 = tpu.vector_load %arg5[%get3A_295, %get3A_296] {strides = array<i32>} : memref<112x128xi32, #tpu.memory_space<vmem>>, vector<1x16xi32>,
        %get3A_298 = vector.shape_cast %get3A_297 : vector<1x16xi32> to vector<16xi32>
        %add3A_299 = arith.constant 32768 : i32
        %add3A_300 = vector.broadcast %add3A_299 : i32 to vector<16xi32>
        %add3A_301 = arith.addi %get3A_298, %add3A_300 : vector<16xi32>
        %shift_right_logical3A_302 = arith.constant 16 : i32
        %shift_right_logical3A_303 = vector.broadcast %shift_right_logical3A_302 : i32 to vector<16xi32>
        %shift_right_logical3A_304 = arith.shrui %add3A_301, %shift_right_logical3A_303 : vector<16xi32>
        %get3A_305 = arith.index_cast %add3A_141 : i32 to index
        %get3A_306 = arith.constant 64 : index
        %get3A_307 = tpu.vector_load %arg5[%get3A_305, %get3A_306] {strides = array<i32>} : memref<112x128xi32, #tpu.memory_space<vmem>>, vector<1x16xi32>,
        %get3A_308 = vector.shape_cast %get3A_307 : vector<1x16xi32> to vector<16xi32>
        %add3A_309 = arith.constant 32768 : i32
        %add3A_310 = vector.broadcast %add3A_309 : i32 to vector<16xi32>
        %add3A_311 = arith.addi %get3A_308, %add3A_310 : vector<16xi32>
        %shift_right_logical3A_312 = arith.constant 16 : i32
        %shift_right_logical3A_313 = vector.broadcast %shift_right_logical3A_312 : i32 to vector<16xi32>
        %shift_right_logical3A_314 = arith.shrui %add3A_311, %shift_right_logical3A_313 : vector<16xi32>
        %get3A_315 = arith.index_cast %add3A_141 : i32 to index
        %get3A_316 = arith.constant 80 : index
        %get3A_317 = tpu.vector_load %arg5[%get3A_315, %get3A_316] {strides = array<i32>} : memref<112x128xi32, #tpu.memory_space<vmem>>, vector<1x16xi32>,
        %get3A_318 = vector.shape_cast %get3A_317 : vector<1x16xi32> to vector<16xi32>
        %add3A_319 = arith.constant 32768 : i32
        %add3A_320 = vector.broadcast %add3A_319 : i32 to vector<16xi32>
        %add3A_321 = arith.addi %get3A_318, %add3A_320 : vector<16xi32>
        %shift_right_logical3A_322 = arith.constant 16 : i32
        %shift_right_logical3A_323 = vector.broadcast %shift_right_logical3A_322 : i32 to vector<16xi32>
        %shift_right_logical3A_324 = arith.shrui %add3A_321, %shift_right_logical3A_323 : vector<16xi32>
        %get3A_325 = arith.index_cast %add3A_141 : i32 to index
        %get3A_326 = arith.constant 96 : index
        %get3A_327 = tpu.vector_load %arg5[%get3A_325, %get3A_326] {strides = array<i32>} : memref<112x128xi32, #tpu.memory_space<vmem>>, vector<1x16xi32>,
        %get3A_328 = vector.shape_cast %get3A_327 : vector<1x16xi32> to vector<16xi32>
        %add3A_329 = arith.constant 32768 : i32
        %add3A_330 = vector.broadcast %add3A_329 : i32 to vector<16xi32>
        %add3A_331 = arith.addi %get3A_328, %add3A_330 : vector<16xi32>
        %shift_right_logical3A_332 = arith.constant 16 : i32
        %shift_right_logical3A_333 = vector.broadcast %shift_right_logical3A_332 : i32 to vector<16xi32>
        %shift_right_logical3A_334 = arith.shrui %add3A_331, %shift_right_logical3A_333 : vector<16xi32>
        %get3A_335 = arith.index_cast %add3A_141 : i32 to index
        %get3A_336 = arith.constant 112 : index
        %get3A_337 = tpu.vector_load %arg5[%get3A_335, %get3A_336] {strides = array<i32>} : memref<112x128xi32, #tpu.memory_space<vmem>>, vector<1x16xi32>,
        %get3A_338 = vector.shape_cast %get3A_337 : vector<1x16xi32> to vector<16xi32>
        %add3A_339 = arith.constant 32768 : i32
        %add3A_340 = vector.broadcast %add3A_339 : i32 to vector<16xi32>
        %add3A_341 = arith.addi %get3A_338, %add3A_340 : vector<16xi32>
        %shift_right_logical3A_342 = arith.constant 16 : i32
        %shift_right_logical3A_343 = vector.broadcast %shift_right_logical3A_342 : i32 to vector<16xi32>
        %shift_right_logical3A_344 = arith.shrui %add3A_341, %shift_right_logical3A_343 : vector<16xi32>
        %shift_left3A_345 = arith.constant 16 : i32
        %shift_left3A_346 = vector.broadcast %shift_left3A_345 : i32 to vector<16xi32>
        %shift_left3A_347 = arith.shli %shift_right_logical3A_314, %shift_left3A_346 : vector<16xi32>
        %or3A_348 = arith.ori %shift_right_logical3A_274, %shift_left3A_347 : vector<16xi32>
        %mul3A_349 = arith.constant 64 : i32
        %mul3A_350 = arith.muli %add3A_141, %mul3A_349 : i32
        %add3A_351 = arith.constant 0 : i32
        %add3A_352 = arith.addi %mul3A_350, %add3A_351 : i32
        %swap3A_353 = arith.index_cast %add3A_352 : i32 to index
        %swap3A_354 = tpu.vector_load %arg7[%swap3A_353] {strides = array<i32>} : memref<7168xi32, #tpu.memory_space<vmem>>, vector<16xi32>,
        %swap3A_355 = vector.shape_cast %swap3A_354 : vector<16xi32> to vector<16xi32>
        %swap3A_356 = vector.shape_cast %or3A_348 : vector<16xi32> to vector<16xi32>
        tpu.vector_store %arg7[%swap3A_353], %swap3A_356 {strides = array<i32>} : memref<7168xi32, #tpu.memory_space<vmem>>, vector<16xi32>,
        %shift_left3A_357 = arith.constant 16 : i32
        %shift_left3A_358 = vector.broadcast %shift_left3A_357 : i32 to vector<16xi32>
        %shift_left3A_359 = arith.shli %shift_right_logical3A_324, %shift_left3A_358 : vector<16xi32>
        %or3A_360 = arith.ori %shift_right_logical3A_284, %shift_left3A_359 : vector<16xi32>
        %mul3A_361 = arith.constant 64 : i32
        %mul3A_362 = arith.muli %add3A_141, %mul3A_361 : i32
        %add3A_363 = arith.constant 16 : i32
        %add3A_364 = arith.addi %mul3A_362, %add3A_363 : i32
        %swap3A_365 = arith.index_cast %add3A_364 : i32 to index
        %swap3A_366 = tpu.vector_load %arg7[%swap3A_365] {strides = array<i32>} : memref<7168xi32, #tpu.memory_space<vmem>>, vector<16xi32>,
        %swap3A_367 = vector.shape_cast %swap3A_366 : vector<16xi32> to vector<16xi32>
        %swap3A_368 = vector.shape_cast %or3A_360 : vector<16xi32> to vector<16xi32>
        tpu.vector_store %arg7[%swap3A_365], %swap3A_368 {strides = array<i32>} : memref<7168xi32, #tpu.memory_space<vmem>>, vector<16xi32>,
        %shift_left3A_369 = arith.constant 16 : i32
        %shift_left3A_370 = vector.broadcast %shift_left3A_369 : i32 to vector<16xi32>
        %shift_left3A_371 = arith.shli %shift_right_logical3A_334, %shift_left3A_370 : vector<16xi32>
        %or3A_372 = arith.ori %shift_right_logical3A_294, %shift_left3A_371 : vector<16xi32>
        %mul3A_373 = arith.constant 64 : i32
        %mul3A_374 = arith.muli %add3A_141, %mul3A_373 : i32
        %add3A_375 = arith.constant 32 : i32
        %add3A_376 = arith.addi %mul3A_374, %add3A_375 : i32
        %swap3A_377 = arith.index_cast %add3A_376 : i32 to index
        %swap3A_378 = tpu.vector_load %arg7[%swap3A_377] {strides = array<i32>} : memref<7168xi32, #tpu.memory_space<vmem>>, vector<16xi32>,
        %swap3A_379 = vector.shape_cast %swap3A_378 : vector<16xi32> to vector<16xi32>
        %swap3A_380 = vector.shape_cast %or3A_372 : vector<16xi32> to vector<16xi32>
        tpu.vector_store %arg7[%swap3A_377], %swap3A_380 {strides = array<i32>} : memref<7168xi32, #tpu.memory_space<vmem>>, vector<16xi32>,
        %shift_left3A_381 = arith.constant 16 : i32
        %shift_left3A_382 = vector.broadcast %shift_left3A_381 : i32 to vector<16xi32>
        %shift_left3A_383 = arith.shli %shift_right_logical3A_344, %shift_left3A_382 : vector<16xi32>
        %or3A_384 = arith.ori %shift_right_logical3A_304, %shift_left3A_383 : vector<16xi32>
        %mul3A_385 = arith.constant 64 : i32
        %mul3A_386 = arith.muli %add3A_141, %mul3A_385 : i32
        %add3A_387 = arith.constant 48 : i32
        %add3A_388 = arith.addi %mul3A_386, %add3A_387 : i32
        %swap3A_389 = arith.index_cast %add3A_388 : i32 to index
        %swap3A_390 = tpu.vector_load %arg7[%swap3A_389] {strides = array<i32>} : memref<7168xi32, #tpu.memory_space<vmem>>, vector<16xi32>,
        %swap3A_391 = vector.shape_cast %swap3A_390 : vector<16xi32> to vector<16xi32>
        %swap3A_392 = vector.shape_cast %or3A_384 : vector<16xi32> to vector<16xi32>
        tpu.vector_store %arg7[%swap3A_389], %swap3A_392 {strides = array<i32>} : memref<7168xi32, #tpu.memory_space<vmem>>, vector<16xi32>,
      }
      %scan3A_127 = arith.constant 56 : i32
      %mul3A_128 = arith.constant 112 : i32
      %mul3A_129 = arith.muli %add3A_117, %mul3A_128 : i32
      %add3A_130 = arith.addi %min3A_3, %mul3A_129 : i32
      %mul3A_131 = arith.constant 64 : i32
      %mul3A_132 = arith.muli %add3A_130, %mul3A_131 : i32
      %dma_start3A_133 = tpu.memref_slice %arg3[%mul3A_132] : memref<6400000xi32, #tpu.memory_space<hbm>> -> memref<7168xi32, #tpu.memory_space<hbm>>
      %dma_start3A_134 = tpu.memref_slice %arg3[%mul3A_132] : memref<6400000xi32, #tpu.memory_space<hbm>> -> memref<7168xi32, #tpu.memory_space<hbm>>
      tpu.enqueue_dma source(%arg7 : memref<7168xi32, #tpu.memory_space<vmem>>) target(%dma_start3A_134 : memref<7168xi32, #tpu.memory_space<hbm>>) target_semaphore(%arg11 : memref<!tpu.dma_semaphore, #tpu.memory_space<semaphore_mem>>)
    }
    %scan3A_60 = arith.constant 13 : i32
    %dma_wait3A_61 = arith.constant 0 : i32
    %dma_wait3A_62 = tpu.memref_slice %arg3[%dma_wait3A_61] : memref<6400000xi32, #tpu.memory_space<hbm>> -> memref<7168xi32, #tpu.memory_space<hbm>>
    %dma_wait3A_63 = arith.constant 0 : i32
    %dma_wait3A_64 = tpu.memref_slice %arg3[%dma_wait3A_63] : memref<6400000xi32, #tpu.memory_space<hbm>> -> memref<7168xi32, #tpu.memory_space<hbm>>
    tpu.wait_dma2 semaphore(%arg10 : memref<!tpu.dma_semaphore, #tpu.memory_space<semaphore_mem>>) src(%dma_wait3A_64 : memref<7168xi32, #tpu.memory_space<hbm>>) dst(%arg6 : memref<7168xi32, #tpu.memory_space<vmem>>)
    %dma_wait3A_65 = arith.constant 0 : i32
    %dma_wait3A_66 = tpu.memref_slice %arg3[%dma_wait3A_65] : memref<6400000xi32, #tpu.memory_space<hbm>> -> memref<7168xi32, #tpu.memory_space<hbm>>
    %dma_wait3A_67 = arith.constant 0 : i32
    %dma_wait3A_68 = tpu.memref_slice %arg3[%dma_wait3A_67] : memref<6400000xi32, #tpu.memory_space<hbm>> -> memref<7168xi32, #tpu.memory_space<hbm>>
    tpu.wait_dma2 semaphore(%arg11 : memref<!tpu.dma_semaphore, #tpu.memory_space<semaphore_mem>>) src(%dma_wait3A_68 : memref<7168xi32, #tpu.memory_space<hbm>>) dst(%arg7 : memref<7168xi32, #tpu.memory_space<vmem>>)
    return
  }
}

module attributes {stable_mosaic.version = 14 : i64} {
  func.func @head_kernel(%arg0: i32, %arg1: memref<512x128xf32, #tpu.memory_space<vmem>>, %arg2: memref<128x128xf32, #tpu.memory_space<vmem>>, %arg3: memref<1x128xf32, #tpu.memory_space<vmem>>, %arg4: memref<128x128xf32, #tpu.memory_space<vmem>>, %arg5: memref<1x128xf32, #tpu.memory_space<vmem>>, %arg6: memref<512x128xf32, #tpu.memory_space<vmem>>) attributes {dimension_semantics = [#tpu.dimension_semantics<arbitrary>], iteration_bounds = array<i64: 8>, scalar_prefetch = 0 : i64, scratch_operands = 0 : i64, tpu.core_type = #tpu.core_type<tc>, window_params = [{transform_indices = @transform_0, window_bounds = array<i64: 512, 128>}, {pipeline_mode = #tpu.pipeline_mode<synchronous>, transform_indices = @transform_1, window_bounds = array<i64: 128, 128>}, {pipeline_mode = #tpu.pipeline_mode<synchronous>, transform_indices = @transform_2, window_bounds = array<i64: 1, 128>}, {pipeline_mode = #tpu.pipeline_mode<synchronous>, transform_indices = @transform_3, window_bounds = array<i64: 128, 128>}, {pipeline_mode = #tpu.pipeline_mode<synchronous>, transform_indices = @transform_4, window_bounds = array<i64: 1, 128>}, {transform_indices = @transform_5, window_bounds = array<i64: 512, 128>}]} {
    %get3A = arith.constant 0 : index
    %get3A_0 = arith.constant 0 : index
    %get3A_1 = vector.load %arg1[%get3A, %get3A_0] : memref<512x128xf32, #tpu.memory_space<vmem>>, vector<512x128xf32>
    %mul3A = arith.constant 5.000000e-03 : f32
    %mul3A_2 = vector.broadcast %mul3A : f32 to vector<512x128xf32>
    %mul3A_3 = arith.mulf %get3A_1, %mul3A_2 : vector<512x128xf32>
    %get3A_4 = arith.constant 0 : index
    %get3A_5 = arith.constant 0 : index
    %get3A_6 = vector.load %arg2[%get3A_4, %get3A_5] : memref<128x128xf32, #tpu.memory_space<vmem>>, vector<128x128xf32>
    %dot_general3A = arith.constant dense<0.000000e+00> : vector<512x128xf32>
    %dot_general3A_7 = tpu.matmul %mul3A_3, %get3A_6, %dot_general3A {dimension_numbers = #tpu.dot_dimension_numbers<[1], [1], [0], [0], [0, 0, 1, 0], [], []>, transpose_lhs_hint = false} : vector<512x128xf32>, vector<128x128xf32>, vector<512x128xf32> -> vector<512x128xf32>
    %get3A_8 = arith.constant 0 : index
    %get3A_9 = arith.constant 0 : index
    %get3A_10 = vector.load %arg3[%get3A_8, %get3A_9] : memref<1x128xf32, #tpu.memory_space<vmem>>, vector<1x128xf32>
    %add3A = vector.broadcast %get3A_10 : vector<1x128xf32> to vector<512x128xf32>
    %add3A_11 = arith.addf %dot_general3A_7, %add3A : vector<512x128xf32>
    %get3A_12 = arith.constant 0 : index
    %get3A_13 = arith.constant 0 : index
    %get3A_14 = vector.load %arg4[%get3A_12, %get3A_13] : memref<128x128xf32, #tpu.memory_space<vmem>>, vector<128x128xf32>
    %dot_general3A_15 = arith.constant dense<0.000000e+00> : vector<512x128xf32>
    %dot_general3A_16 = tpu.matmul %add3A_11, %get3A_14, %dot_general3A_15 {dimension_numbers = #tpu.dot_dimension_numbers<[1], [1], [0], [0], [0, 0, 1, 0], [], []>, transpose_lhs_hint = false} : vector<512x128xf32>, vector<128x128xf32>, vector<512x128xf32> -> vector<512x128xf32>
    %get3A_17 = arith.constant 0 : index
    %get3A_18 = arith.constant 0 : index
    %get3A_19 = vector.load %arg5[%get3A_17, %get3A_18] : memref<1x128xf32, #tpu.memory_space<vmem>>, vector<1x128xf32>
    %add3A_20 = vector.broadcast %get3A_19 : vector<1x128xf32> to vector<512x128xf32>
    %add3A_21 = arith.addf %dot_general3A_16, %add3A_20 : vector<512x128xf32>
    %reduce_max3A = arith.constant dense<0xFF800000> : vector<512xf32>
    %reduce_max3A_22 = vector.multi_reduction <maximumf>, %add3A_21, %reduce_max3A [1] : vector<512x128xf32> to vector<512xf32>
    %broadcast_in_dim3A = vector.shape_cast %reduce_max3A_22 : vector<512xf32> to vector<512x1xf32>
    %sub3A = vector.broadcast %broadcast_in_dim3A : vector<512x1xf32> to vector<512x128xf32>
    %sub3A_23 = arith.subf %add3A_21, %sub3A : vector<512x128xf32>
    %exp3A = math.exp %sub3A_23 : vector<512x128xf32>
    %reduce_sum3A = arith.constant dense<0.000000e+00> : vector<512xf32>
    %reduce_sum3A_24 = vector.multi_reduction <add>, %exp3A, %reduce_sum3A [1] : vector<512x128xf32> to vector<512xf32>
    %broadcast_in_dim3A_25 = vector.shape_cast %reduce_sum3A_24 : vector<512xf32> to vector<512x1xf32>
    %log3A = math.log %broadcast_in_dim3A_25 : vector<512x1xf32>
    %add3A_26 = arith.addf %broadcast_in_dim3A, %log3A : vector<512x1xf32>
    %sub3A_27 = vector.broadcast %add3A_26 : vector<512x1xf32> to vector<512x128xf32>
    %sub3A_28 = arith.subf %add3A_21, %sub3A_27 : vector<512x128xf32>
    %swap3A = arith.constant 0 : index
    %swap3A_29 = arith.constant 0 : index
    %swap3A_30 = vector.load %arg6[%swap3A, %swap3A_29] : memref<512x128xf32, #tpu.memory_space<vmem>>, vector<512x128xf32>
    tpu.vector_store %arg6[%swap3A, %swap3A_29], %sub3A_28 {strides = array<i32>} : memref<512x128xf32, #tpu.memory_space<vmem>>, vector<512x128xf32>,
    return
  }
  func.func @transform_0(%arg0: i32) -> (i32, i32) {
    %c0_i32 = arith.constant 0 : i32
    %c0_i32_0 = arith.constant 0 : i32
    return %arg0, %c0_i32 : i32, i32
  }
  func.func @transform_1(%arg0: i32) -> (i32, i32) {
    %c0_i32 = arith.constant 0 : i32
    %c0_i32_0 = arith.constant 0 : i32
    %c0_i32_1 = arith.constant 0 : i32
    return %c0_i32, %c0_i32_0 : i32, i32
  }
  func.func @transform_2(%arg0: i32) -> (i32, i32) {
    %c0_i32 = arith.constant 0 : i32
    %c0_i32_0 = arith.constant 0 : i32
    %c0_i32_1 = arith.constant 0 : i32
    return %c0_i32, %c0_i32_0 : i32, i32
  }
  func.func @transform_3(%arg0: i32) -> (i32, i32) {
    %c0_i32 = arith.constant 0 : i32
    %c0_i32_0 = arith.constant 0 : i32
    %c0_i32_1 = arith.constant 0 : i32
    return %c0_i32, %c0_i32_0 : i32, i32
  }
  func.func @transform_4(%arg0: i32) -> (i32, i32) {
    %c0_i32 = arith.constant 0 : i32
    %c0_i32_0 = arith.constant 0 : i32
    %c0_i32_1 = arith.constant 0 : i32
    return %c0_i32, %c0_i32_0 : i32, i32
  }
  func.func @transform_5(%arg0: i32) -> (i32, i32) {
    %c0_i32 = arith.constant 0 : i32
    %c0_i32_0 = arith.constant 0 : i32
    return %arg0, %c0_i32 : i32, i32
  }
}

</mosaic_0001>

<sc_bundles>
// kernel: kernel.5.cloned.1.call-start
scs
__scs_entry_jumppad:
0x0: {  	(pc) =	sbr.rel $0x88, $3  }
0x1: {  	(tag) =	ssettag $0x0;
	lr =	simm.s32 $0x1  }
0x2: {  	[smem:$0x3F9B] =	sst lr;
	_ =	strace $0xD0000000  }
0x3: {  	_ = 	snop  }
0x4: {  	_ = 	snop  }
0x5: {  	_ = 	snop  }
0x6: {  	_ = 	snop  }
0x7: {  	_ = 	snop  }
__scs_overlays_trampoline_lowered:
0x8: {  	[smem:$0x3FAA] =	sst s0  }
0x9: {  	[smem:$0x3FAB] =	sst s1  }
0xa: {  	[smem:$0x3FAC] =	sst s2  }
0xb: {  	[smem:$0x3FAD] =	sst s3  }
0xc: {  	[smem:$0x3FAE] =	sst s4  }
0xd: {  	[smem:$0x3FAF] =	sst s5  }
0xe: {  	[smem:$0x3FB0] =	sst s6  }
0xf: {  	[smem:$0x3FB1] =	sst s7  }
0x10: {  	[smem:$0x3FB2] =	sst s8  }
0x11: {  	[smem:$0x3FB3] =	sst s9;
	s0 =	simm.s32 @!p0 $0x0  }
0x12: {  	s1 =	sld [smem:$0x3F99];
	s0 =	simm.s32 @p0 $0x1  }
0x13: {  	[smem:$0x3FB4] =	sst s0;
	s0 =	simm.s32 @!p1 $0x0  }
0x14: {  	s2 =	sld [smem:$0x3F98];
	s0 =	simm.s32 @p1 $0x1  }
0x15: {  	[smem:$0x3FB5] =	sst s0;
	s0 =	simm.s32 @!p2 $0x0  }
0x16: {  	s3 =	sld [smem:$0x3FDB];
	s0 =	simm.s32 @p2 $0x1  }
0x17: {  	s4 =	simm.s32 $0x1BF5;
	[smem:$0x3FB7] =	sst s0  }
0x18: {  	s0 =	sld [smem:$0x3F9A];
	_ =	swait.ge [sflag:s4], $0x0  }
0x19: {  	s7 =	sld [smem:$0x3F9B]  }
0x1a: {  	s8 =	sadd.s32 $0xFFFFE003, lr  }
0x1b: {  	s9 =	sadd.s32 $0xFFFFFEF7, lr;
	s5 =	simm.s32 $0xFFFFFFFF;
	p2 =	slt.u32 s8, $0xFFFFF086  }
0x1c: {  	p1 =	slt.u32 s9, $0xF7A;
	s5 =	simm.s32 @!p2 $0x0  }
0x1d: {  	s5 =	simm.s32 @p1 $0x1;
	p0 =	seq.s32 s7, s2  }
0x1e: {  	s7 =	smul.u32 @!p0 $0xF7A, s2;
	p2 =	seq.s32 @!p0 s5, $0x0  }
0x1f: {  	s9 =	smul.u32 $0xF7A, s1;
	s8 =	simm.s32 @!p0 $0x1BF5;
	p2 =	por !p2, p0  }
0x20: {  	[sflag:s8] =	ssyncset.s32 @!p0 $0xFFFFF086;
	s6 =	sadd.s32 @!p0 s3, s7;
	s7 =	simm.s32 @!p0 $0x108  }
0x21: {  	s3 =	sadd.s32 s3, s9;
	s6 =	sadd.s32 @!p0 $0x88, s6;
	s7 =	simm.s32 @p2 $0x1082  }
0x22: {  	[simem:s7], [sflag:s8] =	dma.local @!p0 [hbm:s6], $0xF7A  }
0x23: {  	s9 =	sor.u32 $0xD0000000, s2;
	s6 =	simm.s32 $0x108;
	_ =	swait.ge @!p0 [sflag:s8], $0x0  }
0x24: {  	s3 =	sadd.s32 $0x88, s3;
	s6 =	simm.s32 @!p1 $0x1082;
	[sflag:s4] =	ssyncset.s32 $0xFFFFF086  }
0x25: {  	[simem:s6], [sflag:s4] =	dma.local [hbm:s3], $0xF7A  }
0x26: {  	[smem:$0x3F9B] =	sst s1;
	(tag) =	ssettag s2;
	_ =	strace s9  }
0x27: {  	s1 =	sld [smem:$0x3FAB]  }
0x28: {  	s2 =	sld [smem:$0x3FAC]  }
0x29: {  	s4 =	sld [smem:$0x3FAE]  }
0x2a: {  	p0 =	seq.s32 s5, $0x0;
	s5 =	sld [smem:$0x3FAF]  }
0x2b: {  	s6 =	sld [smem:$0x3FB0]  }
0x2c: {  	s7 =	sld [smem:$0x3FB1]  }
0x2d: {  	s3 =	simm.s32 $0x108;
	s8 =	sld [smem:$0x3FB2]  }
0x2e: {  	s3 =	simm.s32 @!p0 $0x1082;
	s9 =	sld [smem:$0x3FB3]  }
0x2f: {  	lr =	sadd.s32 s0, s3;
	s0 =	sld [smem:$0x3FAA]  }
0x30: {  	s3 =	sld [smem:$0x3FAD]  }
0x31: {  	[smem:$0x3FB6] =	sst s10  }
0x32: {  	s10 =	sld [smem:$0x3FB4];
	_ =	sdelay $0x3  }
0x33: {  	p0 =	seq.s32 s10, $0x1;
	s10 =	sld [smem:$0x3FB6];
	_ =	sdelay $0x3  }
0x34: {  	[smem:$0x3FB6] =	sst s10  }
0x35: {  	s10 =	sld [smem:$0x3FB5];
	_ =	sdelay $0x3  }
0x36: {  	p1 =	seq.s32 s10, $0x1;
	s10 =	sld [smem:$0x3FB6];
	_ =	sdelay $0x3  }
0x37: {  	[smem:$0x3FB6] =	sst s10  }
0x38: {  	s10 =	sld [smem:$0x3FB7]  }
0x39: {  	_ = 	snop;
	(pc) =	sbr.ind lr, $3  }
0x3a: {  	_ = 	snop  }
0x3b: {  	_ = 	snop  }
0x3c: {  	p2 =	seq.s32 s10, $0x1;
	s10 =	sld [smem:$0x3FB6]  }
0x3d: {  	_ =	shalt  }
0x3e: {  	_ =	shalt  }
0x3f: {  	_ =	shalt  }
0x40: {  	_ =	shalt  }
0x41: {  	_ =	shalt  }
0x42: {  	_ =	shalt  }
0x43: {  	_ =	shalt  }
0x44: {  	_ =	shalt  }
0x45: {  	_ =	shalt  }
0x46: {  	_ =	shalt  }
0x47: {  	_ =	shalt  }
0x48: {  	_ =	shalt  }
0x49: {  	_ =	shalt  }
0x4a: {  	_ =	shalt  }
0x4b: {  	_ =	shalt  }
0x4c: {  	_ =	shalt  }
0x4d: {  	_ =	shalt  }
0x4e: {  	_ =	shalt  }
0x4f: {  	_ =	shalt  }
0x50: {  	_ =	shalt  }
0x51: {  	_ =	shalt  }
0x52: {  	_ =	shalt  }
0x53: {  	_ =	shalt  }
0x54: {  	_ =	shalt  }
0x55: {  	_ =	shalt  }
0x56: {  	_ =	shalt  }
0x57: {  	_ =	shalt  }
0x58: {  	_ =	shalt  }
0x59: {  	_ =	shalt  }
0x5a: {  	_ =	shalt  }
0x5b: {  	_ =	shalt  }
0x5c: {  	_ =	shalt  }
0x5d: {  	_ =	shalt  }
0x5e: {  	_ =	shalt  }
0x5f: {  	_ =	shalt  }
0x60: {  	_ =	shalt  }
0x61: {  	_ =	shalt  }
0x62: {  	_ =	shalt  }
0x63: {  	_ =	shalt  }
0x64: {  	_ =	shalt  }
0x65: {  	_ =	shalt  }
0x66: {  	_ =	shalt  }
0x67: {  	_ =	shalt  }
0x68: {  	_ =	shalt  }
0x69: {  	_ =	shalt  }
0x6a: {  	_ =	shalt  }
0x6b: {  	_ =	shalt  }
0x6c: {  	_ =	shalt  }
0x6d: {  	_ =	shalt  }
0x6e: {  	_ =	shalt  }
0x6f: {  	_ =	shalt  }
0x70: {  	_ =	shalt  }
0x71: {  	_ =	shalt  }
0x72: {  	_ =	shalt  }
0x73: {  	_ =	shalt  }
0x74: {  	_ =	shalt  }
0x75: {  	_ =	shalt  }
0x76: {  	_ =	shalt  }
0x77: {  	_ =	shalt  }
0x78: {  	_ =	shalt  }
0x79: {  	_ =	shalt  }
0x7a: {  	_ =	shalt  }
0x7b: {  	_ =	shalt  }
0x7c: {  	_ =	shalt  }
0x7d: {  	_ =	shalt  }
0x7e: {  	_ =	shalt  }
0x7f: {  	_ =	shalt  }
0x80: {  	_ =	shalt  }
0x81: {  	_ =	shalt  }
0x82: {  	_ =	shalt  }
0x83: {  	_ =	shalt  }
0x84: {  	_ =	shalt  }
0x85: {  	_ =	shalt  }
0x86: {  	_ =	shalt  }
0x87: {  	_ =	shalt  }
.Lfunc_end0:
.L_simem_size_0:
called_computation_lowered:
.L_overlay_start_0:
0x88: {  	s2 =	sld [smem:$0x3FD9]  }
0x89: {  	s3 =	sld [smem:$0x3FFE];
	_ =	sdelay $0x1  }
0x8a: {  	s1 =	srdreg.scid  }
0x8b: {  	s0 =	sand.u32 $0x1, s1  }
0x8c: {  	s16 =	sshll.u32 s0, $0xA;
	s2 =	sadd.s32 s3, s2  }
0x8d: {  	s2 =	sadd.s32 s2, s16  }
0x8e: {  	[smem:$0x3FC2] =	sst s2  }
0x8f: {  	_ = 	snop  }
0x90: {  	(tm) =	ssettm $0x1  }
0x91: {  	s17 =	sld [smem:$0x3FFB];
	_ =	sdelay $0x3  }
0x92: {  	_ =	strace s17  }
0x93: {  	s2 =	sld [smem:$0x3FFC];
	_ =	sdelay $0x3  }
0x94: {  	_ =	strace s2  }
0x95: {  	s2 =	sld [smem:$0x3FFD];
	_ =	sdelay $0x3  }
0x96: {  	_ =	strace s2  }
0x97: {  	_ =	strace $0x8FFFFFFF  }
0x98: {  	s18 =	sld [smem:$0x3FDB];
	_ =	sdelay $0x1  }
0x99: {  	s19 =	simm.s32 $_scs_section_size  }
0x9a: {  	s4 =	simm.s32 $_size__tile_overlayer_lowered;
	s5 =	simm.s32 $_tile_overlayer_lowered  }
0x9b: {  	s22 =	simm.s32 $0x1BFF;
	s21 =	sshll.u32 s5, $0x1;
	s2 =	sadd.s32 s19, s18  }
0x9c: {  	s6 =	simm.s32 $0x0;
	s20 =	sshll.u32 s4, $0x1;
	s4 =	sadd.s32 s21, s2  }
0x9d: {  	[timem:s6], [sflag:s22] =	dma.local [hbm:s4], s20  }
0x9e: {  	_ =	swait.ge [sflag:s22], s20  }
0x9f: {  	s3 =	ssub.s32 $0x0, s20;
	[sflag:s22] =	ssyncset.done $0x0  }
0xa0: {  	[sflag:s22] =	ssyncadd.s32 s3;
	_ =	sdelay $0x1  }
0xa1: {  	s23 =	simm.s32 $0x1B8B  }
0xa2: {  	_ =	swait.ge [sflag:s23], $0x1  }
0xa3: {  	[sflag:s23] =	ssyncset.done $0x0  }
0xa4: {  	s25 =	simm.s32 $0x1B8E;
	s24 =	sld [smem:$0x3FFE];
	[sflag:s23] =	ssyncadd.s32 $0xFFFFFFFF  }
0xa5: {  	s26 =	simm.s32 $execute0_lowered;
	[smem:$0x3FD2] =	sst s25  }
0xa6: {  	s4 =	sshll.u32 s26, $0x1;
	_ =	strace $0x80000046;
	[dreg:$0x1] =	wrdreg $0xFFFFFFFF  }
0xa7: {  	s28 =	simm.s32 $_size_execute0_lowered;
	s2 =	sadd.s32 s2, s4;
	[dreg:$0x0] =	wrdreg $0x0  }
0xa8: {  	s4 =	sshll.u32 s28, $0x1;
	[dreg:$0x2] =	wrdreg s2  }
0xa9: {  	[dreg:$0x3] =	wrdreg s4  }
0xaa: {  	[dreg:$0x4] =	wrdreg $0xC0  }
0xab: {  	_ =	task [dreg:s6], $0x5FFFF  }
0xac: {  	[dreg:$0x1] =	wrdreg $0xFFFFFFFF  }
0xad: {  	[dreg:$0x0] =	wrdreg $0x60  }
0xae: {  	[dreg:$0x2] =	wrdreg s24  }
0xaf: {  	[dreg:$0x3] =	wrdreg $0x9  }
0xb0: {  	_ =	task.clear_ibuf [dreg:s6], $0x4FFFF;
	_ =	strace $0x90000046  }
0xb1: {  	s29 =	simm.s32 $0x9;
	_ =	strace $0x80000048  }
0xb2: {  	_ =	swait.ge [sflag:s29], $0x1  }
0xb3: {  	[sflag:s29] =	ssyncadd.s32 $0xFFFFFFFF  }
0xb4: {  	_ =	strace $0x90000048  }
0xb5: {  	_ =	sfence  }
0xb6: {  	s30 =	sld [smem:$0x0];
	_ =	sdelay $0x2  }
0xb7: {  	s31 =	sshll.u32 s1, $0xD;
	s1 =	sshrl.u32 s1, $0x2  }
0xb8: {  	s3 =	sand.u32 $0x4000, s31;
	s1 =	sadd.s32 s1, s30  }
0xb9: {  	s0 =	sor.u32 s3, s0;
	s1 =	sshll.u32 s1, $0x11  }
0xba: {  	s0 =	sor.u32 s1, s0  }
0xbb: {  	s0 =	sadd.s32 $0x8F2B, s0  }
0xbc: {  	[sflag:s0] =	ssyncadd.remote.s32 $0x1  }
0xbd: {  	_ =	sfence.sel $0xFFFF  }
0xbe: {  	[dreg:$0x0] =	wrdreg $0xFFFFFFFF;
	(pc) =	sbr.abs _section_cstart, $3  }
0xbf: {  	[dreg:$0x1] =	wrdreg $0xFFFFFFFF  }
0xc0: {  	_ =	task.clear_ibuf [dreg:s6], $0x2FFFF;
	_ =	strace $0x9FFFFFFF  }
0xc1: {  	(tm) =	ssettm $0x7FFFFFFF  }
tec
execute0_lowered:
.L_overlay_start_1:
0x0: {  	(tag) =	ssettag $0x1  }
0x1: {  	s1 =	srdreg.scid;
	s0 =	stileid.u32  }
0x2: {  	s4 =	rddreg [dreg:$0x0];
	s2 =	simm.s32 $0x0;
	s14 =	simm.s32 $0x3800  }
0x3: {  	s15 =	simm.s32 $0x1;
	s16 =	simm.s32 $0x7000;
	s17 =	simm.s32 $0x2  }
0x4: {  	s18 =	simm.s32 $0x8C00;
	s5 =	sand.u32 $0x1, s1;
	s3 =	sshll.u32 s0, $0x1  }
0x5: {  	s19 =	simm.s32 $0x3;
	s20 =	simm.s32 $0x4;
	s3 =	sor.u32 s5, s3  }
0x6: {  	[smem:$0x7FF] =	sst s2;
	s5 =	ssub.s32 $0x2, s5;
	s6 =	smul.u32 $0xC40, s3  }
0x7: {  	s21 =	simm.s32 $0x0;
	_ =	strace $0x80000047;
	s29 =	sshrl.u32 s5, $0x1  }
0x8: {  	s3 =	sadd.s32 $0x1000, s4;
	s13 =	ssub.s32 s5, s29;
	s12 =	smin.u32 s6, $0x17A60  }
0x9: {  	s4 =	sadd.s32 $0x187A00, s4;
	s13 =	smax.u32 s13, $0x1;
	s7 =	sshll.u32 s12, $0x4  }
0xa: {  	s8 =	sadd.s32 $0x70, s12;
	s31 =	sshll.u32 s12, $0x3;
	s10 =	sadd.s32 $0x150, s12  }
0xb: {  	s11 =	sadd.s32 $0xE0, s12;
	s12 =	sadd.s32 $0x1C0, s12;
	s5 =	sadd.s32 s3, s7  }
0xc: {  	s30 =	sshll.u32 s8, $0x4;
	s9 =	sshll.u32 s8, $0x3;
	s7 =	sadd.s32 s4, s31  }
0xd: {  	s6 =	sadd.s32 s3, s30;
	s8 =	sadd.s32 $0xE00, s5;
	s9 =	sadd.s32 s4, s9  }
.LBB2_1:
0xe: {  	[tilespmem:s2], [sflag:$0x1] =	stream.linear.gather [hbm4b:s5+s2], $0x3800, $0x38;
	[tilespmem:$0xA800] =	vst v63  }
0xf: {  	_ = 	snop  }
0x10: {  	[tilespmem:s14], [sflag:$0x2] =	stream.linear.gather [hbm4b:s6+s2], $0x3800, $0x38;
	[tilespmem:$0xA800] =	vst v63  }
0x11: {  	_ =	swait.ge [sflag:s15], $0x3800  }
0x12: {  	[sflag:s15] =	ssyncset.done $0x0  }
0x13: {  	s22 =	simm.s32 $0x80;
	[sflag:s15] =	ssyncadd.s32 $0xFFFFC800  }
0x14: {  	v0 =	vld [tilespmem:s22+$0xFFFFFF80]  }
0x15: {  	v1 =	vld [tilespmem:s22+$0xFFFFFFC0]  }
0x16: {  	v2 =	vld [tilespmem:s22+$0xFFFFFFE0]  }
0x17: {  	v3 =	vld [tilespmem:s22+$0xFFFFFFF0]  }
0x18: {  	v4 =	vld [tilespmem:s22+$0xFFFFFFD0]  }
0x19: {  	v5 =	vld [tilespmem:s22+$0xFFFFFFB0]  }
0x1a: {  	v6 =	vld [tilespmem:s22+$0xFFFFFFA0]  }
0x1b: {  	v7 =	vld [tilespmem:s22+$0xFFFFFF90];
	v0 =	vadd.s32 $0x8000, v0  }
0x1c: {  	v1 =	vadd.s32 $0x8000, v1;
	v2 =	vadd.s32 $0x8000, v2;
	v3 =	vadd.s32 $0x8000, v3  }
0x1d: {  	v0 =	vshrl.u32 v0, $0x10;
	v1 =	vand.u32 $0xFFFF0000, v1;
	v2 =	vand.u32 $0xFFFF0000, v2  }
0x1e: {  	v0 =	vor.u32 v0, v1;
	v1 =	vadd.s32 $0x8000, v4;
	v4 =	vadd.s32 $0x8000, v5  }
0x1f: {  	s23 =	simm.s32 $0x7020;
	v3 =	vand.u32 $0xFFFF0000, v3;
	v5 =	vadd.s32 $0x8000, v6;
	v4 =	vshrl.u32 v4, $0x10  }
0x20: {  	v6 =	vadd.s32 $0x8000, v7;
	v5 =	vshrl.u32 v5, $0x10;
	[tilespmem:s23+$0xFFFFFFE0] =	vst v0;
	v0 =	vor.u32 v4, v3  }
0x21: {  	v1 =	vand.u32 $0xFFFF0000, v1;
	v3 =	vshrl.u32 v6, $0x10;
	v2 =	vor.u32 v5, v2;
	[tilespmem:s23+$0x10] =	vst v0  }
0x22: {  	v0 =	vor.u32 v3, v1;
	[tilespmem:s23+$0x0] =	vst v2  }
0x23: {  	[tilespmem:s23+$0xFFFFFFF0] =	vst v0  }
0x24: {  	v0 =	vld [tilespmem:s22+$0x40]  }
0x25: {  	v2 =	vld [tilespmem:s22+$0x70]  }
0x26: {  	v3 =	vld [tilespmem:s22+$0x60]  }
0x27: {  	v4 =	vld [tilespmem:s22+$0x50]  }
0x28: {  	v6 =	vld [tilespmem:s22+$0x0]  }
0x29: {  	v7 =	vld [tilespmem:s22+$0x10];
	_ =	sdelay $0x2  }
0x2a: {  	v5 =	vld [tilespmem:s22+$0x20];
	v0 =	vadd.s32 $0x8000, v0  }
0x2b: {  	v1 =	vand.u32 $0xFFFF0000, v0;
	v0 =	vadd.s32 $0x8000, v2;
	v2 =	vadd.s32 $0x8000, v4;
	v4 =	vld [tilespmem:s22+$0x30]  }
0x2c: {  	v8 =	vadd.s32 $0x8000, v3;
	v6 =	vadd.s32 $0x8000, v6;
	v7 =	vadd.s32 $0x8000, v7  }
0x2d: {  	s24 =	simm.s32 $0x40;
	s25 =	simm.s32 $0xC0;
	s26 =	simm.s32 $0x7020;
	v6 =	vshrl.u32 v6, $0x10;
	v3 =	vand.u32 $0xFFFF0000, v2;
	v2 =	vand.u32 $0xFFFF0000, v8  }
.LBB2_2:
0x2e: {  	p0 =	sne.s32 s25, $0x1BC0  }
0x2f: {  	v7 =	vshrl.u32 v7, $0x10;
	v5 =	vadd.s32 $0x8000, v5;
	v1 =	vor.u32 v6, v1;
	s22 =	sadd.s32 $0x100, s22;
	s23 =	sadd.s32 $0x80, s23;
	s28 =	smov.u32 s25  }
0x30: {  	s25 =	sadd.s32 $0x80, s25;
	s29 =	sor.u32 $0x50, s24;
	v5 =	vshrl.u32 v5, $0x10;
	v4 =	vadd.s32 $0x8000, v4;
	[tilespmem:s26+$0x20] =	vst v1;
	v1 =	vor.u32 v7, v3;
	s26 =	smov.u32 s23  }
0x31: {  	v0 =	vand.u32 $0xFFFF0000, v0;
	v3 =	vshrl.u32 v4, $0x10;
	[tilespmem:s29+$0x7000] =	vst v1;
	v1 =	vor.u32 v5, v2;
	s29 =	sor.u32 $0x60, s24  }
0x32: {  	[tilespmem:s29+$0x7000] =	vst v1;
	v0 =	vor.u32 v3, v0;
	s29 =	sor.u32 $0x70, s24;
	s24 =	smov.u32 s28  }
0x33: {  	[tilespmem:s29+$0x7000] =	vst v0  }
0x34: {  	v0 =	vld [tilespmem:s22+$0xFFFFFF80]  }
0x35: {  	v1 =	vld [tilespmem:s22+$0xFFFFFFC0]  }
0x36: {  	v2 =	vld [tilespmem:s22+$0xFFFFFFE0]  }
0x37: {  	v3 =	vld [tilespmem:s22+$0xFFFFFFF0]  }
0x38: {  	v4 =	vld [tilespmem:s22+$0xFFFFFFD0]  }
0x39: {  	v0 =	vadd.s32 $0x8000, v0;
	v5 =	vld [tilespmem:s22+$0xFFFFFFB0]  }
0x3a: {  	v0 =	vshrl.u32 v0, $0x10;
	v6 =	vld [tilespmem:s22+$0xFFFFFFA0];
	v1 =	vadd.s32 $0x8000, v1  }
0x3b: {  	v7 =	vld [tilespmem:s22+$0xFFFFFF90];
	v1 =	vand.u32 $0xFFFF0000, v1;
	v2 =	vadd.s32 $0x8000, v2  }
0x3c: {  	v3 =	vadd.s32 $0x8000, v3;
	v0 =	vor.u32 v0, v1  }
0x3d: {  	v1 =	vadd.s32 $0x8000, v4  }
0x3e: {  	v2 =	vand.u32 $0xFFFF0000, v2;
	v4 =	vadd.s32 $0x8000, v5  }
0x3f: {  	v3 =	vand.u32 $0xFFFF0000, v3;
	v5 =	vadd.s32 $0x8000, v6;
	v4 =	vshrl.u32 v4, $0x10  }
0x40: {  	v6 =	vadd.s32 $0x8000, v7;
	v5 =	vshrl.u32 v5, $0x10;
	[tilespmem:s23+$0xFFFFFFE0] =	vst v0;
	v0 =	vor.u32 v4, v3  }
0x41: {  	v1 =	vand.u32 $0xFFFF0000, v1;
	v3 =	vshrl.u32 v6, $0x10;
	v2 =	vor.u32 v5, v2;
	[tilespmem:s23+$0x10] =	vst v0  }
0x42: {  	v0 =	vor.u32 v3, v1;
	[tilespmem:s23+$0x0] =	vst v2  }
0x43: {  	[tilespmem:s23+$0xFFFFFFF0] =	vst v0  }
0x44: {  	v0 =	vld [tilespmem:s22+$0x40]  }
0x45: {  	v2 =	vld [tilespmem:s22+$0x70]  }
0x46: {  	v3 =	vld [tilespmem:s22+$0x60]  }
0x47: {  	v6 =	vld [tilespmem:s22+$0x50]  }
0x48: {  	v7 =	vld [tilespmem:s22+$0x0]  }
0x49: {  	v8 =	vld [tilespmem:s22+$0x10];
	v0 =	vadd.s32 $0x8000, v0  }
.Ltmp0:
0x4a: {  	v5 =	vld [tilespmem:s22+$0x20];
	v1 =	vand.u32 $0xFFFF0000, v0;
	v0 =	vadd.s32 $0x8000, v2;
	(pc) =	sbr.rel @p0 .LBB2_2-.Ltmp0, $4  }
0x4b: {  	v4 =	vld [tilespmem:s22+$0x30];
	v2 =	vadd.s32 $0x8000, v3  }
0x4c: {  	v3 =	vadd.s32 $0x8000, v6  }
0x4d: {  	v6 =	vadd.s32 $0x8000, v7;
	v3 =	vand.u32 $0xFFFF0000, v3  }
0x4e: {  	v2 =	vand.u32 $0xFFFF0000, v2;
	v6 =	vshrl.u32 v6, $0x10;
	v7 =	vadd.s32 $0x8000, v8  }
0x4f: {  	v7 =	vshrl.u32 v7, $0x10;
	v5 =	vadd.s32 $0x8000, v5;
	v1 =	vor.u32 v6, v1  }
0x50: {  	s22 =	sor.u32 $0x50, s24;
	v5 =	vshrl.u32 v5, $0x10;
	v4 =	vadd.s32 $0x8000, v4;
	[tilespmem:s26+$0x20] =	vst v1;
	v1 =	vor.u32 v7, v3  }
0x51: {  	v0 =	vand.u32 $0xFFFF0000, v0;
	s30 =	sor.u32 $0x60, s24;
	v3 =	vshrl.u32 v4, $0x10;
	[tilespmem:s22+$0x7000] =	vst v1;
	v1 =	vor.u32 v5, v2  }
0x52: {  	s31 =	sor.u32 $0x70, s24;
	[tilespmem:s30+$0x7000] =	vst v1;
	v0 =	vor.u32 v3, v0  }
0x53: {  	[tilespmem:s31+$0x7000] =	vst v0  }
0x54: {  	[hbm4b:s7+s2] =	stream.linear.scatter [tilespmem:s16], [sflag:$0x3], $0x1C00, $0x38;
	[tilespmem:$0xA800] =	vst v63  }
0x55: {  	_ = 	snop  }
0x56: {  	[tilespmem:s2], [sflag:$0x1] =	stream.linear.gather [hbm4b:s8+s2], $0x3800, $0x38;
	[tilespmem:$0xA800] =	vst v63  }
0x57: {  	_ =	swait.ge [sflag:s17], $0x3800  }
0x58: {  	[sflag:s17] =	ssyncset.done $0x0  }
0x59: {  	s22 =	simm.s32 $0x3880;
	[sflag:s17] =	ssyncadd.s32 $0xFFFFC800  }
0x5a: {  	v0 =	vld [tilespmem:s22+$0xFFFFFF80]  }
0x5b: {  	v1 =	vld [tilespmem:s22+$0xFFFFFFC0]  }
0x5c: {  	v2 =	vld [tilespmem:s22+$0xFFFFFFE0]  }
0x5d: {  	v3 =	vld [tilespmem:s22+$0xFFFFFFF0]  }
0x5e: {  	v4 =	vld [tilespmem:s22+$0xFFFFFFD0]  }
0x5f: {  	v5 =	vld [tilespmem:s22+$0xFFFFFFB0]  }
0x60: {  	v6 =	vld [tilespmem:s22+$0xFFFFFFA0]  }
0x61: {  	v7 =	vld [tilespmem:s22+$0xFFFFFF90];
	v0 =	vadd.s32 $0x8000, v0  }
0x62: {  	v1 =	vadd.s32 $0x8000, v1;
	v2 =	vadd.s32 $0x8000, v2;
	v3 =	vadd.s32 $0x8000, v3  }
0x63: {  	v0 =	vshrl.u32 v0, $0x10;
	v1 =	vand.u32 $0xFFFF0000, v1;
	v2 =	vand.u32 $0xFFFF0000, v2  }
0x64: {  	v0 =	vor.u32 v0, v1;
	v1 =	vadd.s32 $0x8000, v4;
	v4 =	vadd.s32 $0x8000, v5  }
0x65: {  	s23 =	simm.s32 $0x8C20;
	v3 =	vand.u32 $0xFFFF0000, v3;
	v5 =	vadd.s32 $0x8000, v6;
	v4 =	vshrl.u32 v4, $0x10  }
0x66: {  	v6 =	vadd.s32 $0x8000, v7;
	v5 =	vshrl.u32 v5, $0x10;
	[tilespmem:s23+$0xFFFFFFE0] =	vst v0;
	v0 =	vor.u32 v4, v3  }
0x67: {  	v1 =	vand.u32 $0xFFFF0000, v1;
	v3 =	vshrl.u32 v6, $0x10;
	v2 =	vor.u32 v5, v2;
	[tilespmem:s23+$0x10] =	vst v0  }
0x68: {  	v0 =	vor.u32 v3, v1;
	[tilespmem:s23+$0x0] =	vst v2  }
0x69: {  	[tilespmem:s23+$0xFFFFFFF0] =	vst v0  }
0x6a: {  	v0 =	vld [tilespmem:s22+$0x40]  }
0x6b: {  	v2 =	vld [tilespmem:s22+$0x70]  }
0x6c: {  	v3 =	vld [tilespmem:s22+$0x60]  }
0x6d: {  	v4 =	vld [tilespmem:s22+$0x50]  }
0x6e: {  	v6 =	vld [tilespmem:s22+$0x0]  }
0x6f: {  	v7 =	vld [tilespmem:s22+$0x10];
	_ =	sdelay $0x2  }
0x70: {  	v5 =	vld [tilespmem:s22+$0x20];
	v0 =	vadd.s32 $0x8000, v0  }
0x71: {  	v1 =	vand.u32 $0xFFFF0000, v0;
	v0 =	vadd.s32 $0x8000, v2;
	v2 =	vadd.s32 $0x8000, v4;
	v4 =	vld [tilespmem:s22+$0x30]  }
0x72: {  	v8 =	vadd.s32 $0x8000, v3;
	v6 =	vadd.s32 $0x8000, v6;
	v7 =	vadd.s32 $0x8000, v7  }
0x73: {  	s24 =	simm.s32 $0x40;
	s25 =	simm.s32 $0xC0;
	s26 =	simm.s32 $0x8C20;
	v6 =	vshrl.u32 v6, $0x10;
	v3 =	vand.u32 $0xFFFF0000, v2;
	v2 =	vand.u32 $0xFFFF0000, v8  }
.LBB2_4:
0x74: {  	p0 =	sne.s32 s25, $0x1BC0  }
0x75: {  	v7 =	vshrl.u32 v7, $0x10;
	v5 =	vadd.s32 $0x8000, v5;
	v1 =	vor.u32 v6, v1;
	s22 =	sadd.s32 $0x100, s22;
	s23 =	sadd.s32 $0x80, s23;
	s28 =	smov.u32 s25  }
0x76: {  	s25 =	sadd.s32 $0x80, s25;
	s29 =	sor.u32 $0x50, s24;
	v5 =	vshrl.u32 v5, $0x10;
	v4 =	vadd.s32 $0x8000, v4;
	[tilespmem:s26+$0x20] =	vst v1;
	v1 =	vor.u32 v7, v3;
	s26 =	smov.u32 s23  }
0x77: {  	v0 =	vand.u32 $0xFFFF0000, v0;
	v3 =	vshrl.u32 v4, $0x10;
	[tilespmem:s29+$0x8C00] =	vst v1;
	v1 =	vor.u32 v5, v2;
	s29 =	sor.u32 $0x60, s24  }
0x78: {  	[tilespmem:s29+$0x8C00] =	vst v1;
	v0 =	vor.u32 v3, v0;
	s29 =	sor.u32 $0x70, s24;
	s24 =	smov.u32 s28  }
0x79: {  	[tilespmem:s29+$0x8C00] =	vst v0  }
0x7a: {  	v0 =	vld [tilespmem:s22+$0xFFFFFF80]  }
0x7b: {  	v1 =	vld [tilespmem:s22+$0xFFFFFFC0]  }
0x7c: {  	v2 =	vld [tilespmem:s22+$0xFFFFFFE0]  }
0x7d: {  	v3 =	vld [tilespmem:s22+$0xFFFFFFF0]  }
0x7e: {  	v4 =	vld [tilespmem:s22+$0xFFFFFFD0]  }
0x7f: {  	v0 =	vadd.s32 $0x8000, v0;
	v5 =	vld [tilespmem:s22+$0xFFFFFFB0]  }
0x80: {  	v0 =	vshrl.u32 v0, $0x10;
	v6 =	vld [tilespmem:s22+$0xFFFFFFA0];
	v1 =	vadd.s32 $0x8000, v1  }
0x81: {  	v7 =	vld [tilespmem:s22+$0xFFFFFF90];
	v1 =	vand.u32 $0xFFFF0000, v1;
	v2 =	vadd.s32 $0x8000, v2  }
0x82: {  	v3 =	vadd.s32 $0x8000, v3;
	v0 =	vor.u32 v0, v1  }
0x83: {  	v1 =	vadd.s32 $0x8000, v4  }
0x84: {  	v2 =	vand.u32 $0xFFFF0000, v2;
	v4 =	vadd.s32 $0x8000, v5  }
0x85: {  	v3 =	vand.u32 $0xFFFF0000, v3;
	v5 =	vadd.s32 $0x8000, v6;
	v4 =	vshrl.u32 v4, $0x10  }
0x86: {  	v6 =	vadd.s32 $0x8000, v7;
	v5 =	vshrl.u32 v5, $0x10;
	[tilespmem:s23+$0xFFFFFFE0] =	vst v0;
	v0 =	vor.u32 v4, v3  }
0x87: {  	v1 =	vand.u32 $0xFFFF0000, v1;
	v3 =	vshrl.u32 v6, $0x10;
	v2 =	vor.u32 v5, v2;
	[tilespmem:s23+$0x10] =	vst v0  }
0x88: {  	v0 =	vor.u32 v3, v1;
	[tilespmem:s23+$0x0] =	vst v2  }
0x89: {  	[tilespmem:s23+$0xFFFFFFF0] =	vst v0  }
0x8a: {  	v0 =	vld [tilespmem:s22+$0x40]  }
0x8b: {  	v2 =	vld [tilespmem:s22+$0x70]  }
0x8c: {  	v3 =	vld [tilespmem:s22+$0x60]  }
0x8d: {  	v6 =	vld [tilespmem:s22+$0x50]  }
0x8e: {  	v7 =	vld [tilespmem:s22+$0x0]  }
0x8f: {  	v8 =	vld [tilespmem:s22+$0x10];
	v0 =	vadd.s32 $0x8000, v0  }
.Ltmp1:
0x90: {  	v5 =	vld [tilespmem:s22+$0x20];
	v1 =	vand.u32 $0xFFFF0000, v0;
	v0 =	vadd.s32 $0x8000, v2;
	(pc) =	sbr.rel @p0 .LBB2_4-.Ltmp1, $4  }
0x91: {  	v4 =	vld [tilespmem:s22+$0x30];
	v2 =	vadd.s32 $0x8000, v3  }
0x92: {  	v3 =	vadd.s32 $0x8000, v6  }
0x93: {  	v6 =	vadd.s32 $0x8000, v7;
	v3 =	vand.u32 $0xFFFF0000, v3  }
0x94: {  	v2 =	vand.u32 $0xFFFF0000, v2;
	v6 =	vshrl.u32 v6, $0x10;
	v7 =	vadd.s32 $0x8000, v8  }
0x95: {  	v7 =	vshrl.u32 v7, $0x10;
	v5 =	vadd.s32 $0x8000, v5;
	v1 =	vor.u32 v6, v1  }
0x96: {  	s22 =	sor.u32 $0x50, s24;
	v5 =	vshrl.u32 v5, $0x10;
	v4 =	vadd.s32 $0x8000, v4;
	[tilespmem:s26+$0x20] =	vst v1;
	v61 =	vor.u32 v7, v3  }
0x97: {  	v0 =	vand.u32 $0xFFFF0000, v0;
	s30 =	sor.u32 $0x60, s24;
	v62 =	vshrl.u32 v4, $0x10;
	[tilespmem:s22+$0x8C00] =	vst v61;
	v63 =	vor.u32 v5, v2  }
0x98: {  	s31 =	sor.u32 $0x70, s24;
	[tilespmem:s30+$0x8C00] =	vst v63;
	v0 =	vor.u32 v62, v0  }
0x99: {  	s22 =	simm.s32 $0x0;
	[tilespmem:s31+$0x8C00] =	vst v0  }
0x9a: {  	[hbm4b:s9+s22] =	stream.linear.scatter [tilespmem:s18], [sflag:$0x4], $0x1C00, $0x38;
	[tilespmem:$0xA800] =	vst v63  }
.LBB2_6:
0x9b: {  	s24 =	smul.u32 $0xE0, s22;
	_ =	sdelay $0x1  }
0x9c: {  	s23 =	sadd.s32 s24, s10  }
0x9d: {  	s25 =	sshll.u32 s23, $0x4  }
0x9e: {  	s25 =	sadd.s32 s3, s25  }
0x9f: {  	[tilespmem:s14], [sflag:$0x2] =	stream.linear.gather [hbm4b:s25+s2], $0x3800, $0x38;
	[tilespmem:$0xA800] =	vst v63  }
0xa0: {  	_ =	swait.ge [sflag:s15], $0x3800  }
0xa1: {  	[sflag:s15] =	ssyncset.done $0x0  }
0xa2: {  	[sflag:s15] =	ssyncadd.s32 $0xFFFFC800  }
0xa3: {  	_ =	swait.ge [sflag:s19], $0x1C00  }
0xa4: {  	[sflag:s19] =	ssyncset.done $0x0  }
0xa5: {  	s25 =	simm.s32 $0x80;
	[sflag:s19] =	ssyncadd.s32 $0xFFFFE400  }
0xa6: {  	v0 =	vld [tilespmem:s25+$0xFFFFFF80]  }
0xa7: {  	v1 =	vld [tilespmem:s25+$0xFFFFFFC0]  }
0xa8: {  	v2 =	vld [tilespmem:s25+$0xFFFFFFE0]  }
0xa9: {  	v3 =	vld [tilespmem:s25+$0xFFFFFFF0]  }
0xaa: {  	v4 =	vld [tilespmem:s25+$0xFFFFFFD0]  }
0xab: {  	v5 =	vld [tilespmem:s25+$0xFFFFFFB0]  }
0xac: {  	v6 =	vld [tilespmem:s25+$0xFFFFFFA0]  }
0xad: {  	v7 =	vld [tilespmem:s25+$0xFFFFFF90];
	v0 =	vadd.s32 $0x8000, v0  }
0xae: {  	v1 =	vadd.s32 $0x8000, v1;
	v2 =	vadd.s32 $0x8000, v2;
	v3 =	vadd.s32 $0x8000, v3  }
0xaf: {  	v0 =	vshrl.u32 v0, $0x10;
	v1 =	vand.u32 $0xFFFF0000, v1;
	v2 =	vand.u32 $0xFFFF0000, v2  }
0xb0: {  	v0 =	vor.u32 v0, v1;
	v1 =	vadd.s32 $0x8000, v4;
	v4 =	vadd.s32 $0x8000, v5  }
0xb1: {  	s26 =	simm.s32 $0x7020;
	v3 =	vand.u32 $0xFFFF0000, v3;
	v5 =	vadd.s32 $0x8000, v6;
	v4 =	vshrl.u32 v4, $0x10  }
0xb2: {  	v6 =	vadd.s32 $0x8000, v7;
	v5 =	vshrl.u32 v5, $0x10;
	[tilespmem:s26+$0xFFFFFFE0] =	vst v0;
	v0 =	vor.u32 v4, v3  }
0xb3: {  	v1 =	vand.u32 $0xFFFF0000, v1;
	v3 =	vshrl.u32 v6, $0x10;
	v2 =	vor.u32 v5, v2;
	[tilespmem:s26+$0x10] =	vst v0  }
0xb4: {  	v0 =	vor.u32 v3, v1;
	[tilespmem:s26+$0x0] =	vst v2  }
0xb5: {  	[tilespmem:s26+$0xFFFFFFF0] =	vst v0  }
0xb6: {  	v0 =	vld [tilespmem:s25+$0x40]  }
0xb7: {  	v2 =	vld [tilespmem:s25+$0x70]  }
0xb8: {  	v3 =	vld [tilespmem:s25+$0x60]  }
0xb9: {  	v4 =	vld [tilespmem:s25+$0x50]  }
0xba: {  	v6 =	vld [tilespmem:s25+$0x0]  }
0xbb: {  	v7 =	vld [tilespmem:s25+$0x10];
	_ =	sdelay $0x2  }
0xbc: {  	v5 =	vld [tilespmem:s25+$0x20];
	v0 =	vadd.s32 $0x8000, v0  }
0xbd: {  	v1 =	vand.u32 $0xFFFF0000, v0;
	v0 =	vadd.s32 $0x8000, v2;
	v2 =	vadd.s32 $0x8000, v4;
	v4 =	vld [tilespmem:s25+$0x30]  }
0xbe: {  	v8 =	vadd.s32 $0x8000, v3;
	v6 =	vadd.s32 $0x8000, v6;
	v7 =	vadd.s32 $0x8000, v7  }
0xbf: {  	s28 =	simm.s32 $0x40;
	s29 =	simm.s32 $0xC0;
	s30 =	simm.s32 $0x7020;
	v6 =	vshrl.u32 v6, $0x10;
	v3 =	vand.u32 $0xFFFF0000, v2;
	v2 =	vand.u32 $0xFFFF0000, v8  }
.LBB2_7:
0xc0: {  	p0 =	sne.s32 s29, $0x1BC0  }
0xc1: {  	v7 =	vshrl.u32 v7, $0x10;
	v5 =	vadd.s32 $0x8000, v5;
	v1 =	vor.u32 v6, v1;
	s25 =	sadd.s32 $0x100, s25;
	s26 =	sadd.s32 $0x80, s26;
	s31 =	smov.u32 s29  }
0xc2: {  	s29 =	sadd.s32 $0x80, s29;
	s1 =	sor.u32 $0x50, s28;
	v5 =	vshrl.u32 v5, $0x10;
	v4 =	vadd.s32 $0x8000, v4;
	[tilespmem:s30+$0x20] =	vst v1;
	v1 =	vor.u32 v7, v3;
	s30 =	smov.u32 s26  }
0xc3: {  	v0 =	vand.u32 $0xFFFF0000, v0;
	v3 =	vshrl.u32 v4, $0x10;
	[tilespmem:s1+$0x7000] =	vst v1;
	v1 =	vor.u32 v5, v2;
	s1 =	sor.u32 $0x60, s28  }
0xc4: {  	[tilespmem:s1+$0x7000] =	vst v1;
	v0 =	vor.u32 v3, v0;
	s1 =	sor.u32 $0x70, s28;
	s28 =	smov.u32 s31  }
0xc5: {  	[tilespmem:s1+$0x7000] =	vst v0  }
0xc6: {  	v0 =	vld [tilespmem:s25+$0xFFFFFF80]  }
0xc7: {  	v1 =	vld [tilespmem:s25+$0xFFFFFFC0]  }
0xc8: {  	v2 =	vld [tilespmem:s25+$0xFFFFFFE0]  }
0xc9: {  	v3 =	vld [tilespmem:s25+$0xFFFFFFF0]  }
0xca: {  	v4 =	vld [tilespmem:s25+$0xFFFFFFD0]  }
0xcb: {  	v0 =	vadd.s32 $0x8000, v0;
	v5 =	vld [tilespmem:s25+$0xFFFFFFB0]  }
0xcc: {  	v0 =	vshrl.u32 v0, $0x10;
	v6 =	vld [tilespmem:s25+$0xFFFFFFA0];
	v1 =	vadd.s32 $0x8000, v1  }
0xcd: {  	v7 =	vld [tilespmem:s25+$0xFFFFFF90];
	v1 =	vand.u32 $0xFFFF0000, v1;
	v2 =	vadd.s32 $0x8000, v2  }
0xce: {  	v3 =	vadd.s32 $0x8000, v3;
	v0 =	vor.u32 v0, v1  }
0xcf: {  	v1 =	vadd.s32 $0x8000, v4  }
0xd0: {  	v2 =	vand.u32 $0xFFFF0000, v2;
	v4 =	vadd.s32 $0x8000, v5  }
0xd1: {  	v3 =	vand.u32 $0xFFFF0000, v3;
	v5 =	vadd.s32 $0x8000, v6;
	v4 =	vshrl.u32 v4, $0x10  }
0xd2: {  	v6 =	vadd.s32 $0x8000, v7;
	v5 =	vshrl.u32 v5, $0x10;
	[tilespmem:s26+$0xFFFFFFE0] =	vst v0;
	v0 =	vor.u32 v4, v3  }
0xd3: {  	v1 =	vand.u32 $0xFFFF0000, v1;
	v3 =	vshrl.u32 v6, $0x10;
	v2 =	vor.u32 v5, v2;
	[tilespmem:s26+$0x10] =	vst v0  }
0xd4: {  	v0 =	vor.u32 v3, v1;
	[tilespmem:s26+$0x0] =	vst v2  }
0xd5: {  	[tilespmem:s26+$0xFFFFFFF0] =	vst v0  }
0xd6: {  	v0 =	vld [tilespmem:s25+$0x40]  }
0xd7: {  	v2 =	vld [tilespmem:s25+$0x70]  }
0xd8: {  	v3 =	vld [tilespmem:s25+$0x60]  }
0xd9: {  	v6 =	vld [tilespmem:s25+$0x50]  }
0xda: {  	v7 =	vld [tilespmem:s25+$0x0]  }
0xdb: {  	v8 =	vld [tilespmem:s25+$0x10];
	v0 =	vadd.s32 $0x8000, v0  }
.Ltmp2:
0xdc: {  	v5 =	vld [tilespmem:s25+$0x20];
	v1 =	vand.u32 $0xFFFF0000, v0;
	v0 =	vadd.s32 $0x8000, v2;
	(pc) =	sbr.rel @p0 .LBB2_7-.Ltmp2, $4  }
0xdd: {  	v4 =	vld [tilespmem:s25+$0x30];
	v2 =	vadd.s32 $0x8000, v3  }
0xde: {  	v3 =	vadd.s32 $0x8000, v6  }
0xdf: {  	v6 =	vadd.s32 $0x8000, v7;
	v3 =	vand.u32 $0xFFFF0000, v3  }
0xe0: {  	v2 =	vand.u32 $0xFFFF0000, v2;
	v6 =	vshrl.u32 v6, $0x10;
	v7 =	vadd.s32 $0x8000, v8  }
0xe1: {  	v7 =	vshrl.u32 v7, $0x10;
	v5 =	vadd.s32 $0x8000, v5;
	v1 =	vor.u32 v6, v1  }
0xe2: {  	s1 =	sor.u32 $0x50, s28;
	v5 =	vshrl.u32 v5, $0x10;
	v4 =	vadd.s32 $0x8000, v4;
	[tilespmem:s30+$0x20] =	vst v1;
	v1 =	vor.u32 v7, v3  }
0xe3: {  	v0 =	vand.u32 $0xFFFF0000, v0;
	s26 =	sor.u32 $0x60, s28;
	s25 =	sadd.s32 s24, s11;
	p0 =	seq.s32 s22, $0xC;
	v3 =	vshrl.u32 v4, $0x10;
	[tilespmem:s1+$0x7000] =	vst v1;
	v1 =	vor.u32 v5, v2  }
0xe4: {  	s30 =	sor.u32 $0x70, s28;
	s25 =	sshll.u32 s25, $0x3;
	s1 =	sadd.s32 @!p0 s24, s12;
	[tilespmem:s26+$0x7000] =	vst v1;
	v0 =	vor.u32 v3, v0  }
0xe5: {  	s31 =	sadd.s32 s4, s25;
	s1 =	sshll.u32 @!p0 s1, $0x4;
	[tilespmem:s30+$0x7000] =	vst v0  }
0xe6: {  	[hbm4b:s31+s2] =	stream.linear.scatter [tilespmem:s16], [sflag:$0x3], $0x1C00, $0x38;
	[tilespmem:$0xA800] =	vst v63  }
0xe7: {  	s24 =	simm.s32 @!p0 $0x0;
	s1 =	sadd.s32 @!p0 s3, s1  }
0xe8: {  	[tilespmem:s24], [sflag:$0x1] =	stream.linear.gather @!p0 [hbm4b:s1+s24], $0x3800, $0x38;
	[tilespmem:$0xA800] =	vst v63  }
0xe9: {  	_ =	swait.ge [sflag:s17], $0x3800  }
0xea: {  	[sflag:s17] =	ssyncset.done $0x0  }
0xeb: {  	[sflag:s17] =	ssyncadd.s32 $0xFFFFC800  }
0xec: {  	_ =	swait.ge [sflag:s20], $0x1C00  }
0xed: {  	[sflag:s20] =	ssyncset.done $0x0  }
0xee: {  	s24 =	simm.s32 $0x3880;
	[sflag:s20] =	ssyncadd.s32 $0xFFFFE400  }
0xef: {  	v0 =	vld [tilespmem:s24+$0xFFFFFF80]  }
0xf0: {  	v1 =	vld [tilespmem:s24+$0xFFFFFFC0]  }
0xf1: {  	v2 =	vld [tilespmem:s24+$0xFFFFFFE0]  }
0xf2: {  	v3 =	vld [tilespmem:s24+$0xFFFFFFF0]  }
0xf3: {  	v4 =	vld [tilespmem:s24+$0xFFFFFFD0]  }
0xf4: {  	v5 =	vld [tilespmem:s24+$0xFFFFFFB0]  }
0xf5: {  	v6 =	vld [tilespmem:s24+$0xFFFFFFA0]  }
0xf6: {  	v7 =	vld [tilespmem:s24+$0xFFFFFF90];
	v0 =	vadd.s32 $0x8000, v0  }
0xf7: {  	v1 =	vadd.s32 $0x8000, v1;
	v2 =	vadd.s32 $0x8000, v2;
	v3 =	vadd.s32 $0x8000, v3  }
0xf8: {  	v0 =	vshrl.u32 v0, $0x10;
	v1 =	vand.u32 $0xFFFF0000, v1;
	v2 =	vand.u32 $0xFFFF0000, v2  }
0xf9: {  	v0 =	vor.u32 v0, v1;
	v1 =	vadd.s32 $0x8000, v4;
	v4 =	vadd.s32 $0x8000, v5  }
0xfa: {  	s25 =	simm.s32 $0x8C20;
	v3 =	vand.u32 $0xFFFF0000, v3;
	v5 =	vadd.s32 $0x8000, v6;
	v4 =	vshrl.u32 v4, $0x10  }
0xfb: {  	v6 =	vadd.s32 $0x8000, v7;
	v5 =	vshrl.u32 v5, $0x10;
	[tilespmem:s25+$0xFFFFFFE0] =	vst v0;
	v0 =	vor.u32 v4, v3  }
0xfc: {  	v1 =	vand.u32 $0xFFFF0000, v1;
	v3 =	vshrl.u32 v6, $0x10;
	v2 =	vor.u32 v5, v2;
	[tilespmem:s25+$0x10] =	vst v0  }
0xfd: {  	v0 =	vor.u32 v3, v1;
	[tilespmem:s25+$0x0] =	vst v2  }
0xfe: {  	[tilespmem:s25+$0xFFFFFFF0] =	vst v0  }
0xff: {  	v0 =	vld [tilespmem:s24+$0x40]  }
0x100: {  	v2 =	vld [tilespmem:s24+$0x70]  }
0x101: {  	v3 =	vld [tilespmem:s24+$0x60]  }
0x102: {  	v4 =	vld [tilespmem:s24+$0x50]  }
0x103: {  	v6 =	vld [tilespmem:s24+$0x0]  }
0x104: {  	v7 =	vld [tilespmem:s24+$0x10];
	_ =	sdelay $0x2  }
0x105: {  	v5 =	vld [tilespmem:s24+$0x20];
	v0 =	vadd.s32 $0x8000, v0  }
0x106: {  	v1 =	vand.u32 $0xFFFF0000, v0;
	v0 =	vadd.s32 $0x8000, v2;
	v2 =	vadd.s32 $0x8000, v4;
	v4 =	vld [tilespmem:s24+$0x30]  }
0x107: {  	v8 =	vadd.s32 $0x8000, v3;
	v6 =	vadd.s32 $0x8000, v6;
	v7 =	vadd.s32 $0x8000, v7  }
0x108: {  	s29 =	simm.s32 $0x8C20;
	s28 =	simm.s32 $0xC0;
	s26 =	simm.s32 $0x40;
	v6 =	vshrl.u32 v6, $0x10;
	v3 =	vand.u32 $0xFFFF0000, v2;
	v2 =	vand.u32 $0xFFFF0000, v8  }
.LBB2_9:
0x109: {  	p0 =	sne.s32 s28, $0x1BC0  }
0x10a: {  	v7 =	vshrl.u32 v7, $0x10;
	v5 =	vadd.s32 $0x8000, v5;
	v1 =	vor.u32 v6, v1;
	s24 =	sadd.s32 $0x100, s24;
	s25 =	sadd.s32 $0x80, s25;
	s1 =	smov.u32 s28  }
0x10b: {  	s28 =	sadd.s32 $0x80, s28;
	s30 =	sor.u32 $0x50, s26;
	v5 =	vshrl.u32 v5, $0x10;
	v4 =	vadd.s32 $0x8000, v4;
	[tilespmem:s29+$0x20] =	vst v1;
	v1 =	vor.u32 v7, v3;
	s29 =	smov.u32 s25  }
0x10c: {  	v0 =	vand.u32 $0xFFFF0000, v0;
	v3 =	vshrl.u32 v4, $0x10;
	[tilespmem:s30+$0x8C00] =	vst v1;
	v1 =	vor.u32 v5, v2;
	s30 =	sor.u32 $0x60, s26  }
0x10d: {  	[tilespmem:s30+$0x8C00] =	vst v1;
	v0 =	vor.u32 v3, v0;
	s30 =	sor.u32 $0x70, s26;
	s26 =	smov.u32 s1  }
0x10e: {  	[tilespmem:s30+$0x8C00] =	vst v0  }
0x10f: {  	v0 =	vld [tilespmem:s24+$0xFFFFFF80]  }
0x110: {  	v1 =	vld [tilespmem:s24+$0xFFFFFFC0]  }
0x111: {  	v2 =	vld [tilespmem:s24+$0xFFFFFFE0]  }
0x112: {  	v3 =	vld [tilespmem:s24+$0xFFFFFFF0]  }
0x113: {  	v4 =	vld [tilespmem:s24+$0xFFFFFFD0]  }
0x114: {  	v0 =	vadd.s32 $0x8000, v0;
	v5 =	vld [tilespmem:s24+$0xFFFFFFB0]  }
0x115: {  	v0 =	vshrl.u32 v0, $0x10;
	v6 =	vld [tilespmem:s24+$0xFFFFFFA0];
	v1 =	vadd.s32 $0x8000, v1  }
0x116: {  	v7 =	vld [tilespmem:s24+$0xFFFFFF90];
	v1 =	vand.u32 $0xFFFF0000, v1;
	v2 =	vadd.s32 $0x8000, v2  }
0x117: {  	v3 =	vadd.s32 $0x8000, v3;
	v0 =	vor.u32 v0, v1  }
0x118: {  	v1 =	vadd.s32 $0x8000, v4  }
0x119: {  	v2 =	vand.u32 $0xFFFF0000, v2;
	v4 =	vadd.s32 $0x8000, v5  }
0x11a: {  	v3 =	vand.u32 $0xFFFF0000, v3;
	v5 =	vadd.s32 $0x8000, v6;
	v4 =	vshrl.u32 v4, $0x10  }
0x11b: {  	v6 =	vadd.s32 $0x8000, v7;
	v5 =	vshrl.u32 v5, $0x10;
	[tilespmem:s25+$0xFFFFFFE0] =	vst v0;
	v0 =	vor.u32 v4, v3  }
0x11c: {  	v1 =	vand.u32 $0xFFFF0000, v1;
	v3 =	vshrl.u32 v6, $0x10;
	v2 =	vor.u32 v5, v2;
	[tilespmem:s25+$0x10] =	vst v0  }
0x11d: {  	v0 =	vor.u32 v3, v1;
	[tilespmem:s25+$0x0] =	vst v2  }
0x11e: {  	[tilespmem:s25+$0xFFFFFFF0] =	vst v0  }
0x11f: {  	v0 =	vld [tilespmem:s24+$0x40]  }
0x120: {  	v2 =	vld [tilespmem:s24+$0x70]  }
0x121: {  	v3 =	vld [tilespmem:s24+$0x60]  }
0x122: {  	v6 =	vld [tilespmem:s24+$0x50]  }
0x123: {  	v7 =	vld [tilespmem:s24+$0x0]  }
0x124: {  	v8 =	vld [tilespmem:s24+$0x10];
	v0 =	vadd.s32 $0x8000, v0  }
.Ltmp3:
0x125: {  	v5 =	vld [tilespmem:s24+$0x20];
	v1 =	vand.u32 $0xFFFF0000, v0;
	v0 =	vadd.s32 $0x8000, v2;
	(pc) =	sbr.rel @p0 .LBB2_9-.Ltmp3, $4  }
0x126: {  	v4 =	vld [tilespmem:s24+$0x30];
	v2 =	vadd.s32 $0x8000, v3  }
0x127: {  	v3 =	vadd.s32 $0x8000, v6  }
0x128: {  	v6 =	vadd.s32 $0x8000, v7;
	v3 =	vand.u32 $0xFFFF0000, v3  }
0x129: {  	v2 =	vand.u32 $0xFFFF0000, v2;
	v6 =	vshrl.u32 v6, $0x10;
	v7 =	vadd.s32 $0x8000, v8  }
0x12a: {  	s22 =	sadd.s32 $0x1, s22  }
0x12b: {  	v7 =	vshrl.u32 v7, $0x10;
	v5 =	vadd.s32 $0x8000, v5;
	v1 =	vor.u32 v6, v1;
	p0 =	sne.s32 s22, $0xD  }
.Ltmp4:
0x12c: {  	s1 =	sor.u32 $0x50, s26;
	v5 =	vshrl.u32 v5, $0x10;
	v4 =	vadd.s32 $0x8000, v4;
	[tilespmem:s29+$0x20] =	vst v1;
	v61 =	vor.u32 v7, v3;
	(pc) =	sbr.rel @p0 .LBB2_6-.Ltmp4, $4  }
0x12d: {  	v0 =	vand.u32 $0xFFFF0000, v0;
	s29 =	sor.u32 $0x60, s26;
	v62 =	vshrl.u32 v4, $0x10;
	[tilespmem:s1+$0x8C00] =	vst v61;
	v63 =	vor.u32 v5, v2  }
0x12e: {  	s30 =	sor.u32 $0x70, s26;
	s23 =	sshll.u32 s23, $0x3;
	[tilespmem:s29+$0x8C00] =	vst v63;
	v0 =	vor.u32 v62, v0  }
0x12f: {  	s31 =	sadd.s32 s4, s23;
	[tilespmem:s30+$0x8C00] =	vst v0  }
0x130: {  	[hbm4b:s31+s2] =	stream.linear.scatter [tilespmem:s18], [sflag:$0x4], $0x1C00, $0x38;
	[tilespmem:$0xA800] =	vst v63  }
0x131: {  	s21 =	sadd.s32 $0x1, s21  }
0x132: {  	_ =	swait.ge [sflag:s19], $0x1C00;
	p0 =	sne.s32 s21, s13  }
.Ltmp5:
0x133: {  	[sflag:s19] =	ssyncset.done $0x0;
	(pc) =	sbr.rel @p0 .LBB2_1-.Ltmp5, $4  }
0x134: {  	[sflag:s19] =	ssyncadd.s32 $0xFFFFE400  }
0x135: {  	_ =	swait.ge [sflag:s20], $0x1C00  }
0x136: {  	[sflag:s20] =	ssyncset.done $0x0  }
0x137: {  	[sflag:s20] =	ssyncadd.s32 $0xFFFFE400  }
0x138: {  	_ =	sfence.sel $0x180000  }
0x139: {  	[bflag:$0x0] =	sbarrier.arrive $0xFFFF  }
0x13a: {  	_ =	strace $0x90000047  }
0x13b: {  	[bflag:$0x2] =	sbarrier.arrive $0xFFFF  }
0x13c: {  	p0 =	sne.s32 s0, $0x0;
	s0 =	rddreg [dreg:$0x1]  }
0x13d: {  	s0 =	sadd.s32 @!p0 $0x100000, s0  }
0x13e: {  	[sflag:s0] =	ssyncadd.tile.s32 @!p0 $0x1;
	_ =	shalt  }
.Lfunc_end2:
_tile_overlayer_lowered:
.L_overlay_start_2:
0x13f: {  	(tag) =	ssettag $0x2  }
0x140: {  	s0 =	rddreg [dreg:$0x0];
	s2 =	stileid.u32  }
0x141: {  	s1 =	rddreg [dreg:$0x1];
	p0 =	sne.s32 s2, $0x0  }
0x142: {  	s3 =	rddreg [dreg:$0x2];
	[bflag:$0x3] =	sbarrier.arrive $0xFFFF;
	s2 =	simm.s32 @!p0 $0x1C05  }
0x143: {  	[timem:s3], [sflag:s2] =	dma.local @!p0 [hbm:s0], s1  }
0x144: {  	s0 =	simm.s32 @!p0 $0x5  }
0x145: {  	_ =	swait.ge @!p0 [sflag:s0], s1  }
0x146: {  	s1 =	ssub.s32 @!p0 $0x0, s1;
	[sflag:s0] =	ssyncset.done @!p0 $0x0  }
0x147: {  	[sflag:s0] =	ssyncadd.s32 @!p0 s1  }
0x148: {  	[bflag:$0x3] =	sbarrier.arrive $0xFFFF  }
0x149: {  	_ =	shalt  }

// kernel: kernel.8.cloned.1.call-start
scs
__scs_entry_jumppad:
0x0: {  	(pc) =	sbr.rel $0x88, $3  }
0x1: {  	(tag) =	ssettag $0x0;
	lr =	simm.s32 $0x1  }
0x2: {  	[smem:$0x3F9B] =	sst lr;
	_ =	strace $0xD0000000  }
0x3: {  	_ = 	snop  }
0x4: {  	_ = 	snop  }
0x5: {  	_ = 	snop  }
0x6: {  	_ = 	snop  }
0x7: {  	_ = 	snop  }
__scs_overlays_trampoline_lowered:
0x8: {  	[smem:$0x3FAA] =	sst s0  }
0x9: {  	[smem:$0x3FAB] =	sst s1  }
0xa: {  	[smem:$0x3FAC] =	sst s2  }
0xb: {  	[smem:$0x3FAD] =	sst s3  }
0xc: {  	[smem:$0x3FAE] =	sst s4  }
0xd: {  	[smem:$0x3FAF] =	sst s5  }
0xe: {  	[smem:$0x3FB0] =	sst s6  }
0xf: {  	[smem:$0x3FB1] =	sst s7  }
0x10: {  	[smem:$0x3FB2] =	sst s8  }
0x11: {  	[smem:$0x3FB3] =	sst s9;
	s0 =	simm.s32 @!p0 $0x0  }
0x12: {  	s1 =	sld [smem:$0x3F99];
	s0 =	simm.s32 @p0 $0x1  }
0x13: {  	[smem:$0x3FB4] =	sst s0;
	s0 =	simm.s32 @!p1 $0x0  }
0x14: {  	s2 =	sld [smem:$0x3F98];
	s0 =	simm.s32 @p1 $0x1  }
0x15: {  	[smem:$0x3FB5] =	sst s0;
	s0 =	simm.s32 @!p2 $0x0  }
0x16: {  	s3 =	sld [smem:$0x3FDB];
	s0 =	simm.s32 @p2 $0x1  }
0x17: {  	s4 =	simm.s32 $0x1BF5;
	[smem:$0x3FB7] =	sst s0  }
0x18: {  	s0 =	sld [smem:$0x3F9A];
	_ =	swait.ge [sflag:s4], $0x0  }
0x19: {  	s7 =	sld [smem:$0x3F9B]  }
0x1a: {  	s8 =	sadd.s32 $0xFFFFE003, lr  }
0x1b: {  	s9 =	sadd.s32 $0xFFFFFEF7, lr;
	s5 =	simm.s32 $0xFFFFFFFF;
	p2 =	slt.u32 s8, $0xFFFFF086  }
0x1c: {  	p1 =	slt.u32 s9, $0xF7A;
	s5 =	simm.s32 @!p2 $0x0  }
0x1d: {  	s5 =	simm.s32 @p1 $0x1;
	p0 =	seq.s32 s7, s2  }
0x1e: {  	s7 =	smul.u32 @!p0 $0xF7A, s2;
	p2 =	seq.s32 @!p0 s5, $0x0  }
0x1f: {  	s9 =	smul.u32 $0xF7A, s1;
	s8 =	simm.s32 @!p0 $0x1BF5;
	p2 =	por !p2, p0  }
0x20: {  	[sflag:s8] =	ssyncset.s32 @!p0 $0xFFFFF086;
	s6 =	sadd.s32 @!p0 s3, s7;
	s7 =	simm.s32 @!p0 $0x108  }
0x21: {  	s3 =	sadd.s32 s3, s9;
	s6 =	sadd.s32 @!p0 $0x88, s6;
	s7 =	simm.s32 @p2 $0x1082  }
0x22: {  	[simem:s7], [sflag:s8] =	dma.local @!p0 [hbm:s6], $0xF7A  }
0x23: {  	s9 =	sor.u32 $0xD0000000, s2;
	s6 =	simm.s32 $0x108;
	_ =	swait.ge @!p0 [sflag:s8], $0x0  }
0x24: {  	s3 =	sadd.s32 $0x88, s3;
	s6 =	simm.s32 @!p1 $0x1082;
	[sflag:s4] =	ssyncset.s32 $0xFFFFF086  }
0x25: {  	[simem:s6], [sflag:s4] =	dma.local [hbm:s3], $0xF7A  }
0x26: {  	[smem:$0x3F9B] =	sst s1;
	(tag) =	ssettag s2;
	_ =	strace s9  }
0x27: {  	s1 =	sld [smem:$0x3FAB]  }
0x28: {  	s2 =	sld [smem:$0x3FAC]  }
0x29: {  	s4 =	sld [smem:$0x3FAE]  }
0x2a: {  	p0 =	seq.s32 s5, $0x0;
	s5 =	sld [smem:$0x3FAF]  }
0x2b: {  	s6 =	sld [smem:$0x3FB0]  }
0x2c: {  	s7 =	sld [smem:$0x3FB1]  }
0x2d: {  	s3 =	simm.s32 $0x108;
	s8 =	sld [smem:$0x3FB2]  }
0x2e: {  	s3 =	simm.s32 @!p0 $0x1082;
	s9 =	sld [smem:$0x3FB3]  }
0x2f: {  	lr =	sadd.s32 s0, s3;
	s0 =	sld [smem:$0x3FAA]  }
0x30: {  	s3 =	sld [smem:$0x3FAD]  }
0x31: {  	[smem:$0x3FB6] =	sst s10  }
0x32: {  	s10 =	sld [smem:$0x3FB4];
	_ =	sdelay $0x3  }
0x33: {  	p0 =	seq.s32 s10, $0x1;
	s10 =	sld [smem:$0x3FB6];
	_ =	sdelay $0x3  }
0x34: {  	[smem:$0x3FB6] =	sst s10  }
0x35: {  	s10 =	sld [smem:$0x3FB5];
	_ =	sdelay $0x3  }
0x36: {  	p1 =	seq.s32 s10, $0x1;
	s10 =	sld [smem:$0x3FB6];
	_ =	sdelay $0x3  }
0x37: {  	[smem:$0x3FB6] =	sst s10  }
0x38: {  	s10 =	sld [smem:$0x3FB7]  }
0x39: {  	_ = 	snop;
	(pc) =	sbr.ind lr, $3  }
0x3a: {  	_ = 	snop  }
0x3b: {  	_ = 	snop  }
0x3c: {  	p2 =	seq.s32 s10, $0x1;
	s10 =	sld [smem:$0x3FB6]  }
0x3d: {  	_ =	shalt  }
0x3e: {  	_ =	shalt  }
0x3f: {  	_ =	shalt  }
0x40: {  	_ =	shalt  }
0x41: {  	_ =	shalt  }
0x42: {  	_ =	shalt  }
0x43: {  	_ =	shalt  }
0x44: {  	_ =	shalt  }
0x45: {  	_ =	shalt  }
0x46: {  	_ =	shalt  }
0x47: {  	_ =	shalt  }
0x48: {  	_ =	shalt  }
0x49: {  	_ =	shalt  }
0x4a: {  	_ =	shalt  }
0x4b: {  	_ =	shalt  }
0x4c: {  	_ =	shalt  }
0x4d: {  	_ =	shalt  }
0x4e: {  	_ =	shalt  }
0x4f: {  	_ =	shalt  }
0x50: {  	_ =	shalt  }
0x51: {  	_ =	shalt  }
0x52: {  	_ =	shalt  }
0x53: {  	_ =	shalt  }
0x54: {  	_ =	shalt  }
0x55: {  	_ =	shalt  }
0x56: {  	_ =	shalt  }
0x57: {  	_ =	shalt  }
0x58: {  	_ =	shalt  }
0x59: {  	_ =	shalt  }
0x5a: {  	_ =	shalt  }
0x5b: {  	_ =	shalt  }
0x5c: {  	_ =	shalt  }
0x5d: {  	_ =	shalt  }
0x5e: {  	_ =	shalt  }
0x5f: {  	_ =	shalt  }
0x60: {  	_ =	shalt  }
0x61: {  	_ =	shalt  }
0x62: {  	_ =	shalt  }
0x63: {  	_ =	shalt  }
0x64: {  	_ =	shalt  }
0x65: {  	_ =	shalt  }
0x66: {  	_ =	shalt  }
0x67: {  	_ =	shalt  }
0x68: {  	_ =	shalt  }
0x69: {  	_ =	shalt  }
0x6a: {  	_ =	shalt  }
0x6b: {  	_ =	shalt  }
0x6c: {  	_ =	shalt  }
0x6d: {  	_ =	shalt  }
0x6e: {  	_ =	shalt  }
0x6f: {  	_ =	shalt  }
0x70: {  	_ =	shalt  }
0x71: {  	_ =	shalt  }
0x72: {  	_ =	shalt  }
0x73: {  	_ =	shalt  }
0x74: {  	_ =	shalt  }
0x75: {  	_ =	shalt  }
0x76: {  	_ =	shalt  }
0x77: {  	_ =	shalt  }
0x78: {  	_ =	shalt  }
0x79: {  	_ =	shalt  }
0x7a: {  	_ =	shalt  }
0x7b: {  	_ =	shalt  }
0x7c: {  	_ =	shalt  }
0x7d: {  	_ =	shalt  }
0x7e: {  	_ =	shalt  }
0x7f: {  	_ =	shalt  }
0x80: {  	_ =	shalt  }
0x81: {  	_ =	shalt  }
0x82: {  	_ =	shalt  }
0x83: {  	_ =	shalt  }
0x84: {  	_ =	shalt  }
0x85: {  	_ =	shalt  }
0x86: {  	_ =	shalt  }
0x87: {  	_ =	shalt  }
.Lfunc_end0:
.L_simem_size_0:
called_computation.1_lowered:
.L_overlay_start_0:
0x88: {  	s2 =	sld [smem:$0x3FD9]  }
0x89: {  	s3 =	sld [smem:$0x3FFE];
	_ =	sdelay $0x1  }
0x8a: {  	s1 =	srdreg.scid  }
0x8b: {  	s0 =	sand.u32 $0x1, s1  }
0x8c: {  	s16 =	sshll.u32 s0, $0xA;
	s2 =	sadd.s32 s3, s2  }
0x8d: {  	s2 =	sadd.s32 s2, s16  }
0x8e: {  	[smem:$0x3FC2] =	sst s2  }
0x8f: {  	_ = 	snop  }
0x90: {  	(tm) =	ssettm $0x1  }
0x91: {  	s17 =	sld [smem:$0x3FFB];
	_ =	sdelay $0x3  }
0x92: {  	_ =	strace s17  }
0x93: {  	s2 =	sld [smem:$0x3FFC];
	_ =	sdelay $0x3  }
0x94: {  	_ =	strace s2  }
0x95: {  	s2 =	sld [smem:$0x3FFD];
	_ =	sdelay $0x3  }
0x96: {  	_ =	strace s2  }
0x97: {  	_ =	strace $0x8FFFFFFF  }
0x98: {  	s18 =	sld [smem:$0x3FDB];
	_ =	sdelay $0x1  }
0x99: {  	s19 =	simm.s32 $_scs_section_size  }
0x9a: {  	s4 =	simm.s32 $_size__tile_overlayer_lowered;
	s5 =	simm.s32 $_tile_overlayer_lowered  }
0x9b: {  	s22 =	simm.s32 $0x1BFF;
	s21 =	sshll.u32 s5, $0x1;
	s2 =	sadd.s32 s19, s18  }
0x9c: {  	s6 =	simm.s32 $0x0;
	s20 =	sshll.u32 s4, $0x1;
	s4 =	sadd.s32 s21, s2  }
0x9d: {  	[timem:s6], [sflag:s22] =	dma.local [hbm:s4], s20  }
0x9e: {  	_ =	swait.ge [sflag:s22], s20  }
0x9f: {  	s3 =	ssub.s32 $0x0, s20;
	[sflag:s22] =	ssyncset.done $0x0  }
0xa0: {  	[sflag:s22] =	ssyncadd.s32 s3;
	_ =	sdelay $0x1  }
0xa1: {  	s23 =	simm.s32 $0x1B8B  }
0xa2: {  	_ =	swait.ge [sflag:s23], $0x1  }
0xa3: {  	[sflag:s23] =	ssyncset.done $0x0  }
0xa4: {  	s25 =	simm.s32 $0x1B8E;
	s24 =	sld [smem:$0x3FFE];
	[sflag:s23] =	ssyncadd.s32 $0xFFFFFFFF  }
0xa5: {  	s26 =	simm.s32 $execute0_lowered;
	[smem:$0x3FD2] =	sst s25  }
0xa6: {  	s4 =	sshll.u32 s26, $0x1;
	_ =	strace $0x80000049;
	[dreg:$0x1] =	wrdreg $0xFFFFFFFF  }
0xa7: {  	s28 =	simm.s32 $_size_execute0_lowered;
	s2 =	sadd.s32 s2, s4;
	[dreg:$0x0] =	wrdreg $0x0  }
0xa8: {  	s4 =	sshll.u32 s28, $0x1;
	[dreg:$0x2] =	wrdreg s2  }
0xa9: {  	[dreg:$0x3] =	wrdreg s4  }
0xaa: {  	[dreg:$0x4] =	wrdreg $0xC0  }
0xab: {  	_ =	task [dreg:s6], $0x5FFFF  }
0xac: {  	[dreg:$0x1] =	wrdreg $0xFFFFFFFF  }
0xad: {  	[dreg:$0x0] =	wrdreg $0x60  }
0xae: {  	[dreg:$0x2] =	wrdreg s24  }
0xaf: {  	[dreg:$0x3] =	wrdreg $0x9  }
0xb0: {  	_ =	task.clear_ibuf [dreg:s6], $0x4FFFF;
	_ =	strace $0x90000049  }
0xb1: {  	s29 =	simm.s32 $0x9;
	_ =	strace $0x8000004B  }
0xb2: {  	_ =	swait.ge [sflag:s29], $0x1  }
0xb3: {  	[sflag:s29] =	ssyncadd.s32 $0xFFFFFFFF  }
0xb4: {  	_ =	strace $0x9000004B  }
0xb5: {  	_ =	sfence  }
0xb6: {  	s30 =	sld [smem:$0x0];
	_ =	sdelay $0x2  }
0xb7: {  	s31 =	sshll.u32 s1, $0xD;
	s1 =	sshrl.u32 s1, $0x2  }
0xb8: {  	s3 =	sand.u32 $0x4000, s31;
	s1 =	sadd.s32 s1, s30  }
0xb9: {  	s0 =	sor.u32 s3, s0;
	s1 =	sshll.u32 s1, $0x11  }
0xba: {  	s0 =	sor.u32 s1, s0  }
0xbb: {  	s0 =	sadd.s32 $0x8F2B, s0  }
0xbc: {  	[sflag:s0] =	ssyncadd.remote.s32 $0x1  }
0xbd: {  	_ =	sfence.sel $0xFFFF  }
0xbe: {  	[dreg:$0x0] =	wrdreg $0xFFFFFFFF;
	(pc) =	sbr.abs _section_cstart, $3  }
0xbf: {  	[dreg:$0x1] =	wrdreg $0xFFFFFFFF  }
0xc0: {  	_ =	task.clear_ibuf [dreg:s6], $0x2FFFF;
	_ =	strace $0x9FFFFFFF  }
0xc1: {  	(tm) =	ssettm $0x7FFFFFFF  }
tec
execute0_lowered:
.L_overlay_start_1:
0x0: {  	(tag) =	ssettag $0x1  }
0x1: {  	s1 =	srdreg.scid;
	s0 =	stileid.u32  }
0x2: {  	s4 =	rddreg [dreg:$0x0];
	s2 =	simm.s32 $0x0;
	s8 =	simm.s32 $0x68  }
0x3: {  	s9 =	simm.s32 $0x6400;
	s10 =	simm.s32 $0x60;
	s11 =	simm.s32 $0x7E00  }
0x4: {  	s12 =	simm.s32 $0x9600;
	s13 =	simm.s32 $0xB000;
	s14 =	simm.s32 $0x1  }
0x5: {  	s15 =	simm.s32 $0x2;
	s16 =	simm.s32 $0xC800;
	s17 =	simm.s32 $0x0  }
0x6: {  	s3 =	sand.u32 $0x1, s1;
	s5 =	sshll.u32 s0, $0x1;
	[smem:$0x7FF] =	sst s2  }
0x7: {  	s1 =	rddreg [dreg:$0x1];
	s5 =	sor.u32 s3, s5;
	_ =	strace $0x8000004A  }
0x8: {  	s7 =	ssub.s32 $0x2, s3;
	s6 =	smul.u32 $0xC80, s5;
	s5 =	sshll.u32 s5, $0xB  }
0x9: {  	s3 =	sadd.s32 $0x187A00, s4;
	s31 =	sshrl.u32 s7, $0x1;
	s5 =	sadd.s32 s5, s4  }
0xa: {  	s7 =	ssub.s32 s7, s31;
	s6 =	sadd.s32 s6, s4;
	s5 =	sadd.s32 $0x1000, s5  }
0xb: {  	s4 =	sadd.s32 $0x24B000, s6;
	s6 =	smax.u32 s7, $0x1;
	s7 =	simm.s32 $0x3  }
.LBB2_1:
0xc: {  	[tilespmem:s2], [sflag:$0x3] =	stream.linear.gather [hbm4b:s4+s2], $0x6400, $0x38;
	[tilespmem:$0x10800] =	vst v63  }
0xd: {  	_ =	swait.ge [sflag:s7], $0x6400  }
0xe: {  	[sflag:s7] =	ssyncset.done $0x0  }
0xf: {  	[sflag:s7] =	ssyncadd.s32 $0xFFFF9C00  }
0x10: {  	[tilespmem:s9], [sflag:$0x1] =	stream.indirect.gather [hbm4b:s3+s8], $0x40, s2, s8, $0xb8;
	[tilespmem:$0x10800] =	vst v63  }
0x11: {  	s18 =	simm.s32 $0x0  }
0x12: {  	[tilespmem:s11], [sflag:$0x1] =	stream.indirect.gather [hbm4b:s3+s10], $0x40, s8, s10, $0xb8;
	[tilespmem:$0x10800] =	vst v63  }
.LBB2_2:
0x13: {  	s19 =	sshllo.u32 s18, $0x1  }
0x14: {  	s20 =	smul.u32 $0x320, s19;
	_ =	sdelay $0x1  }
0x15: {  	s20 =	sshra.s32 s20, $0x2  }
0x16: {  	[tilespmem:s12], [sflag:$0x2] =	stream.indirect.gather [hbm4b:s3+s8], $0x40, s20, s8, $0xb8;
	[tilespmem:$0x10800] =	vst v63  }
0x17: {  	s20 =	sadd.s32 $0x68, s20  }
0x18: {  	[tilespmem:s13], [sflag:$0x2] =	stream.indirect.gather [hbm4b:s3+s10], $0x40, s20, s10, $0xb8;
	[tilespmem:$0x10800] =	vst v63  }
0x19: {  	_ =	swait.ge [sflag:s14], $0x1A00  }
0x1a: {  	[sflag:s14] =	ssyncset.done $0x0  }
0x1b: {  	[sflag:s14] =	ssyncadd.s32 $0xFFFFE600  }
0x1c: {  	_ =	swait.ge [sflag:s14], $0x1800  }
0x1d: {  	[sflag:s14] =	ssyncset.done $0x0  }
0x1e: {  	s20 =	simm.s32 $0x0;
	[sflag:s14] =	ssyncadd.s32 $0xFFFFE800  }
0x1f: {  	v1 =	vld [tilespmem:s20+$0x6400]  }
0x20: {  	v2 =	vld [tilespmem:s20+$0x6410]  }
0x21: {  	v9 =	vld [tilespmem:s20+$0x6450]  }
0x22: {  	v3 =	vld [tilespmem:s20+$0x6440];
	_ =	sdelay $0x2  }
0x23: {  	v0 =	vimm.f32 $0.0e+00;
	v6 =	vld [tilespmem:s20+$0x6480];
	v5 =	vshll.u32 v1, $0x10  }
0x24: {  	v4 =	vld [tilespmem:s20+$0x6490];
	v1 =	vadd.f32 v1, v0;
	v11 =	vadd.f32 v2, v0;
	v14 =	vshll.u32 v9, $0x10  }
0x25: {  	v8 =	vld [tilespmem:s20+$0x64C0];
	v7 =	vadd.f32 v5, v0;
	v5 =	vshll.u32 v2, $0x10;
	v2 =	vshll.u32 v3, $0x10  }
0x26: {  	v10 =	vadd.f32 v5, v0;
	v5 =	vld [tilespmem:s20+$0x64D0];
	v13 =	vadd.f32 v3, v1;
	v3 =	vimm.f32 $0.0e+00  }
0x27: {  	s21 =	simm.s32 $0x400;
	v1 =	vimm.f32 $0.0e+00;
	v12 =	vadd.f32 v2, v7;
	v7 =	vld [tilespmem:s20+$0x6420];
	v2 =	vimm.f32 $0.0e+00  }
.LBB2_3:
0x28: {  	p0 =	sne.s32 s21, $0x6400;
	v15 =	vld [tilespmem:s20+$0x6430];
	v10 =	vadd.f32 v14, v10;
	v9 =	vadd.f32 v9, v11;
	v11 =	vshll.u32 v6, $0x10  }
0x29: {  	v14 =	vld [tilespmem:s20+$0x6460];
	v11 =	vadd.f32 v11, v12;
	v6 =	vadd.f32 v6, v13;
	v12 =	vshll.u32 v4, $0x10  }
0x2a: {  	v13 =	vld [tilespmem:s20+$0x6470];
	v10 =	vadd.f32 v12, v10;
	v4 =	vadd.f32 v4, v9;
	v9 =	vshll.u32 v8, $0x10  }
0x2b: {  	v12 =	vld [tilespmem:s20+$0x64A0];
	v11 =	vadd.f32 v9, v11;
	v8 =	vadd.f32 v8, v6;
	v6 =	vshll.u32 v5, $0x10  }
0x2c: {  	v9 =	vshll.u32 v7, $0x10;
	v16 =	vld [tilespmem:s20+$0x64B0];
	v10 =	vadd.f32 v6, v10;
	v5 =	vadd.f32 v5, v4  }
0x2d: {  	v3 =	vadd.f32 v7, v3;
	v0 =	vadd.f32 v9, v0;
	v4 =	vshll.u32 v15, $0x10;
	v7 =	vld [tilespmem:s20+$0x64E0]  }
0x2e: {  	v2 =	vadd.f32 v15, v2;
	v1 =	vadd.f32 v4, v1;
	v4 =	vshll.u32 v14, $0x10;
	v15 =	vld [tilespmem:s20+$0x64F0];
	s20 =	sshra.s32 s21, $0x2  }
0x2f: {  	v3 =	vadd.f32 v14, v3;
	v17 =	vld [tilespmem:s20+$0x6400];
	v0 =	vadd.f32 v4, v0;
	v4 =	vshll.u32 v13, $0x10  }
0x30: {  	v2 =	vadd.f32 v13, v2;
	v14 =	vld [tilespmem:s20+$0x6410];
	v1 =	vadd.f32 v4, v1;
	v4 =	vshll.u32 v12, $0x10  }
0x31: {  	v3 =	vadd.f32 v12, v3;
	v13 =	vld [tilespmem:s20+$0x6440];
	v0 =	vadd.f32 v4, v0;
	v4 =	vshll.u32 v16, $0x10  }
0x32: {  	v2 =	vadd.f32 v16, v2;
	v9 =	vld [tilespmem:s20+$0x6450];
	v1 =	vadd.f32 v4, v1;
	v4 =	vshll.u32 v7, $0x10  }
.Ltmp0:
0x33: {  	v3 =	vadd.f32 v7, v3;
	v6 =	vld [tilespmem:s20+$0x6480];
	v0 =	vadd.f32 v4, v0;
	v7 =	vshll.u32 v15, $0x10;
	(pc) =	sbr.rel @p0 .LBB2_3-.Ltmp0, $4  }
0x34: {  	v2 =	vadd.f32 v15, v2;
	v12 =	vshll.u32 v17, $0x10;
	v4 =	vld [tilespmem:s20+$0x6490];
	v1 =	vadd.f32 v7, v1  }
0x35: {  	v15 =	vadd.f32 v17, v8;
	v12 =	vadd.f32 v12, v11;
	v7 =	vshll.u32 v14, $0x10;
	v8 =	vld [tilespmem:s20+$0x64C0]  }
0x36: {  	v11 =	vadd.f32 v14, v5;
	v10 =	vadd.f32 v7, v10;
	v14 =	vshll.u32 v13, $0x10;
	v5 =	vld [tilespmem:s20+$0x64D0]  }
0x37: {  	s21 =	sadd.s32 $0x400, s21;
	v13 =	vadd.f32 v13, v15;
	v7 =	vld [tilespmem:s20+$0x6420];
	v12 =	vadd.f32 v14, v12;
	v14 =	vshll.u32 v9, $0x10  }
0x38: {  	v15 =	vld [tilespmem:s20+$0x6430];
	v10 =	vadd.f32 v14, v10;
	v9 =	vadd.f32 v9, v11;
	v11 =	vshll.u32 v6, $0x10  }
0x39: {  	v14 =	vld [tilespmem:s20+$0x6460];
	v11 =	vadd.f32 v11, v12;
	v6 =	vadd.f32 v6, v13;
	v12 =	vshll.u32 v4, $0x10  }
0x3a: {  	v13 =	vld [tilespmem:s20+$0x6470];
	v10 =	vadd.f32 v12, v10;
	v4 =	vadd.f32 v4, v9;
	v9 =	vshll.u32 v8, $0x10  }
0x3b: {  	v12 =	vld [tilespmem:s20+$0x64A0];
	v11 =	vadd.f32 v9, v11;
	v6 =	vadd.f32 v8, v6;
	v8 =	vshll.u32 v5, $0x10  }
0x3c: {  	v16 =	vld [tilespmem:s20+$0x64B0];
	v9 =	vshll.u32 v7, $0x10;
	v10 =	vadd.f32 v8, v10;
	v5 =	vadd.f32 v5, v4  }
0x3d: {  	v3 =	vadd.f32 v7, v3;
	v8 =	vld [tilespmem:s20+$0x64E0];
	v0 =	vadd.f32 v9, v0;
	v4 =	vshll.u32 v15, $0x10  }
0x3e: {  	v2 =	vadd.f32 v15, v2;
	v9 =	vld [tilespmem:s20+$0x64F0];
	s20 =	simm.s32 $0x0;
	v1 =	vadd.f32 v4, v1;
	v4 =	vshll.u32 v14, $0x10  }
0x3f: {  	v3 =	vadd.f32 v14, v3;
	v14 =	vld [tilespmem:s20+$0x7E00];
	v0 =	vadd.f32 v4, v0;
	v4 =	vshll.u32 v13, $0x10  }
0x40: {  	v2 =	vadd.f32 v13, v2;
	v13 =	vld [tilespmem:s20+$0x7E10];
	v1 =	vadd.f32 v4, v1;
	v4 =	vshll.u32 v12, $0x10  }
0x41: {  	v15 =	vld [tilespmem:s20+$0x7E40];
	v3 =	vadd.f32 v12, v3;
	v0 =	vadd.f32 v4, v0;
	v4 =	vshll.u32 v16, $0x10  }
0x42: {  	v7 =	vld [tilespmem:s20+$0x7E50];
	v1 =	vadd.f32 v4, v1;
	v4 =	vadd.f32 v16, v2;
	v2 =	vshll.u32 v8, $0x10  }
0x43: {  	v2 =	vadd.f32 v2, v0;
	v0 =	vadd.f32 v8, v3;
	v3 =	vshll.u32 v9, $0x10;
	v8 =	vld [tilespmem:s20+$0x7E80]  }
0x44: {  	v3 =	vadd.f32 v3, v1;
	v1 =	vadd.f32 v9, v4;
	v4 =	vshll.u32 v14, $0x10;
	v9 =	vld [tilespmem:s20+$0x7E90]  }
0x45: {  	v14 =	vadd.f32 v14, v6;
	v6 =	vshll.u32 v13, $0x10;
	v12 =	vadd.f32 v4, v11;
	v4 =	vld [tilespmem:s20+$0x7EC0]  }
0x46: {  	v10 =	vadd.f32 v6, v10;
	v11 =	vadd.f32 v13, v5;
	v13 =	vshll.u32 v15, $0x10;
	v5 =	vld [tilespmem:s20+$0x7ED0]  }
0x47: {  	s21 =	simm.s32 $0x400;
	v6 =	vld [tilespmem:s20+$0x7E20];
	v12 =	vadd.f32 v13, v12;
	v13 =	vadd.f32 v15, v14;
	v14 =	vshll.u32 v7, $0x10  }
.LBB2_5:
0x48: {  	p0 =	sne.s32 s21, $0x5C00;
	v15 =	vld [tilespmem:s20+$0x7E30];
	v10 =	vadd.f32 v14, v10;
	v7 =	vadd.f32 v7, v11;
	v11 =	vshll.u32 v8, $0x10  }
0x49: {  	v14 =	vld [tilespmem:s20+$0x7E60];
	v11 =	vadd.f32 v11, v12;
	v8 =	vadd.f32 v8, v13;
	v12 =	vshll.u32 v9, $0x10  }
0x4a: {  	v13 =	vld [tilespmem:s20+$0x7E70];
	v10 =	vadd.f32 v12, v10;
	v7 =	vadd.f32 v9, v7;
	v9 =	vshll.u32 v4, $0x10  }
0x4b: {  	v12 =	vld [tilespmem:s20+$0x7EA0];
	v11 =	vadd.f32 v9, v11;
	v4 =	vadd.f32 v4, v8;
	v8 =	vshll.u32 v5, $0x10  }
0x4c: {  	v9 =	vshll.u32 v6, $0x10;
	v16 =	vld [tilespmem:s20+$0x7EB0];
	v10 =	vadd.f32 v8, v10;
	v5 =	vadd.f32 v5, v7  }
0x4d: {  	v0 =	vadd.f32 v6, v0;
	v2 =	vadd.f32 v9, v2;
	v6 =	vshll.u32 v15, $0x10;
	v9 =	vld [tilespmem:s20+$0x7EE0]  }
0x4e: {  	v1 =	vadd.f32 v15, v1;
	v3 =	vadd.f32 v6, v3;
	v6 =	vshll.u32 v14, $0x10;
	v15 =	vld [tilespmem:s20+$0x7EF0];
	s20 =	sshra.s32 s21, $0x2  }
0x4f: {  	v0 =	vadd.f32 v14, v0;
	v17 =	vld [tilespmem:s20+$0x7E00];
	v2 =	vadd.f32 v6, v2;
	v6 =	vshll.u32 v13, $0x10  }
0x50: {  	v1 =	vadd.f32 v13, v1;
	v14 =	vld [tilespmem:s20+$0x7E10];
	v3 =	vadd.f32 v6, v3;
	v6 =	vshll.u32 v12, $0x10  }
0x51: {  	v0 =	vadd.f32 v12, v0;
	v13 =	vld [tilespmem:s20+$0x7E40];
	v2 =	vadd.f32 v6, v2;
	v6 =	vshll.u32 v16, $0x10  }
0x52: {  	v1 =	vadd.f32 v16, v1;
	v7 =	vld [tilespmem:s20+$0x7E50];
	v3 =	vadd.f32 v6, v3;
	v6 =	vshll.u32 v9, $0x10  }
.Ltmp1:
0x53: {  	v0 =	vadd.f32 v9, v0;
	v8 =	vld [tilespmem:s20+$0x7E80];
	v2 =	vadd.f32 v6, v2;
	v6 =	vshll.u32 v15, $0x10;
	(pc) =	sbr.rel @p0 .LBB2_5-.Ltmp1, $4  }
0x54: {  	v1 =	vadd.f32 v15, v1;
	v12 =	vshll.u32 v17, $0x10;
	v9 =	vld [tilespmem:s20+$0x7E90];
	v3 =	vadd.f32 v6, v3  }
0x55: {  	v15 =	vadd.f32 v17, v4;
	v12 =	vadd.f32 v12, v11;
	v6 =	vshll.u32 v14, $0x10;
	v4 =	vld [tilespmem:s20+$0x7EC0]  }
0x56: {  	v11 =	vadd.f32 v14, v5;
	v10 =	vadd.f32 v6, v10;
	v14 =	vshll.u32 v13, $0x10;
	v5 =	vld [tilespmem:s20+$0x7ED0]  }
0x57: {  	s21 =	sadd.s32 $0x400, s21;
	v13 =	vadd.f32 v13, v15;
	v6 =	vld [tilespmem:s20+$0x7E20];
	v12 =	vadd.f32 v14, v12;
	v14 =	vshll.u32 v7, $0x10  }
0x58: {  	v15 =	vld [tilespmem:s20+$0x7E30];
	v10 =	vadd.f32 v14, v10;
	v7 =	vadd.f32 v7, v11;
	v11 =	vshll.u32 v8, $0x10  }
0x59: {  	v16 =	vld [tilespmem:s20+$0x7E60];
	v11 =	vadd.f32 v11, v12;
	v8 =	vadd.f32 v8, v13;
	v12 =	vshll.u32 v9, $0x10  }
0x5a: {  	v14 =	vld [tilespmem:s20+$0x7E70];
	v10 =	vadd.f32 v12, v10;
	v7 =	vadd.f32 v9, v7;
	v17 =	vshll.u32 v4, $0x10  }
0x5b: {  	v13 =	vld [tilespmem:s20+$0x7EA0];
	v11 =	vadd.f32 v17, v11;
	v19 =	vshll.u32 v5, $0x10;
	v4 =	vadd.f32 v4, v8  }
0x5c: {  	v12 =	vld [tilespmem:s20+$0x7EB0];
	v9 =	vshll.u32 v6, $0x10;
	v10 =	vadd.f32 v19, v10;
	v0 =	vadd.f32 v6, v0  }
0x5d: {  	v18 =	vld [tilespmem:s20+$0x7EE0];
	v2 =	vadd.f32 v9, v2;
	v9 =	vshll.u32 v15, $0x10;
	v1 =	vadd.f32 v15, v1  }
0x5e: {  	v3 =	vadd.f32 v9, v3;
	v9 =	vshll.u32 v16, $0x10;
	v0 =	vadd.f32 v16, v0  }
0x5f: {  	v63 =	vld [tilespmem:s20+$0x7EF0];
	s31 =	sshll.u32 s18, $0x8;
	v2 =	vadd.f32 v9, v2;
	v9 =	vshll.u32 v14, $0x10;
	v1 =	vadd.f32 v14, v1  }
0x60: {  	s20 =	sand.u32 $0x3FFFFF00, s31;
	v3 =	vadd.f32 v9, v3;
	v9 =	vshll.u32 v13, $0x10;
	v0 =	vadd.f32 v13, v0  }
0x61: {  	[tilespmem:s20+$0xC800] =	vst v11;
	v6 =	vshll.u32 v12, $0x10;
	v2 =	vadd.f32 v9, v2;
	v1 =	vadd.f32 v12, v1  }
0x62: {  	[tilespmem:s20+$0xC840] =	vst v4;
	v3 =	vadd.f32 v6, v3;
	v6 =	vshll.u32 v18, $0x10;
	v0 =	vadd.f32 v18, v0  }
0x63: {  	[tilespmem:s20+$0xC810] =	vst v10;
	v2 =	vadd.f32 v6, v2  }
0x64: {  	p0 =	seq.s32 s18, $0x3F;
	v6 =	vshll.u32 v63, $0x10;
	v1 =	vadd.f32 v63, v1;
	[tilespmem:s20+$0xC860] =	vst v0  }
0x65: {  	s21 =	smul.u32 @!p0 $0x640, s18;
	v3 =	vadd.f32 v6, v3;
	[tilespmem:s20+$0xC820] =	vst v2  }
0x66: {  	v2 =	vadd.f32 v5, v7;
	[tilespmem:s20+$0xC870] =	vst v1  }
0x67: {  	s21 =	sshra.s32 @!p0 s21, $0x2;
	[tilespmem:s20+$0xC830] =	vst v3  }
0x68: {  	s22 =	simm.s32 @!p0 $0x68;
	s23 =	simm.s32 @!p0 $0x6400;
	[tilespmem:s20+$0xC850] =	vst v2;
	s20 =	sadd.s32 @!p0 $0x190, s21  }
0x69: {  	[tilespmem:s23], [sflag:$0x1] =	stream.indirect.gather @!p0 [hbm4b:s3+s22], $0x40, s20, s22, $0xb8;
	[tilespmem:$0x10800] =	vst v63  }
0x6a: {  	s20 =	sadd.s32 @!p0 $0x1F8, s21;
	s21 =	simm.s32 @!p0 $0x60;
	s22 =	simm.s32 @!p0 $0x7E00  }
0x6b: {  	[tilespmem:s22], [sflag:$0x1] =	stream.indirect.gather @!p0 [hbm4b:s3+s21], $0x40, s20, s21, $0xb8;
	[tilespmem:$0x10800] =	vst v63  }
0x6c: {  	_ =	swait.ge [sflag:s15], $0x1A00  }
0x6d: {  	[sflag:s15] =	ssyncset.done $0x0  }
0x6e: {  	[sflag:s15] =	ssyncadd.s32 $0xFFFFE600  }
0x6f: {  	_ =	swait.ge [sflag:s15], $0x1800  }
0x70: {  	[sflag:s15] =	ssyncset.done $0x0  }
0x71: {  	s20 =	simm.s32 $0x0;
	[sflag:s15] =	ssyncadd.s32 $0xFFFFE800  }
0x72: {  	v1 =	vld [tilespmem:s20+$0x9600]  }
0x73: {  	v2 =	vld [tilespmem:s20+$0x9610]  }
0x74: {  	v9 =	vld [tilespmem:s20+$0x9650]  }
0x75: {  	v3 =	vld [tilespmem:s20+$0x9640];
	_ =	sdelay $0x2  }
0x76: {  	v0 =	vimm.f32 $0.0e+00;
	v6 =	vld [tilespmem:s20+$0x9680];
	v5 =	vshll.u32 v1, $0x10  }
0x77: {  	v4 =	vld [tilespmem:s20+$0x9690];
	v1 =	vadd.f32 v1, v0;
	v11 =	vadd.f32 v2, v0;
	v14 =	vshll.u32 v9, $0x10  }
0x78: {  	v8 =	vld [tilespmem:s20+$0x96C0];
	v7 =	vadd.f32 v5, v0;
	v5 =	vshll.u32 v2, $0x10;
	v2 =	vshll.u32 v3, $0x10  }
0x79: {  	v10 =	vadd.f32 v5, v0;
	v5 =	vld [tilespmem:s20+$0x96D0];
	v13 =	vadd.f32 v3, v1;
	v3 =	vimm.f32 $0.0e+00  }
0x7a: {  	s21 =	simm.s32 $0x400;
	v1 =	vimm.f32 $0.0e+00;
	v12 =	vadd.f32 v2, v7;
	v7 =	vld [tilespmem:s20+$0x9620];
	v2 =	vimm.f32 $0.0e+00  }
.LBB2_7:
0x7b: {  	p0 =	sne.s32 s21, $0x6400;
	v15 =	vld [tilespmem:s20+$0x9630];
	v10 =	vadd.f32 v14, v10;
	v9 =	vadd.f32 v9, v11;
	v11 =	vshll.u32 v6, $0x10  }
0x7c: {  	v14 =	vld [tilespmem:s20+$0x9660];
	v11 =	vadd.f32 v11, v12;
	v6 =	vadd.f32 v6, v13;
	v12 =	vshll.u32 v4, $0x10  }
0x7d: {  	v13 =	vld [tilespmem:s20+$0x9670];
	v10 =	vadd.f32 v12, v10;
	v4 =	vadd.f32 v4, v9;
	v9 =	vshll.u32 v8, $0x10  }
0x7e: {  	v12 =	vld [tilespmem:s20+$0x96A0];
	v11 =	vadd.f32 v9, v11;
	v8 =	vadd.f32 v8, v6;
	v6 =	vshll.u32 v5, $0x10  }
0x7f: {  	v9 =	vshll.u32 v7, $0x10;
	v16 =	vld [tilespmem:s20+$0x96B0];
	v10 =	vadd.f32 v6, v10;
	v5 =	vadd.f32 v5, v4  }
0x80: {  	v3 =	vadd.f32 v7, v3;
	v0 =	vadd.f32 v9, v0;
	v4 =	vshll.u32 v15, $0x10;
	v7 =	vld [tilespmem:s20+$0x96E0]  }
0x81: {  	v2 =	vadd.f32 v15, v2;
	v1 =	vadd.f32 v4, v1;
	v4 =	vshll.u32 v14, $0x10;
	v15 =	vld [tilespmem:s20+$0x96F0];
	s20 =	sshra.s32 s21, $0x2  }
0x82: {  	v3 =	vadd.f32 v14, v3;
	v17 =	vld [tilespmem:s20+$0x9600];
	v0 =	vadd.f32 v4, v0;
	v4 =	vshll.u32 v13, $0x10  }
0x83: {  	v2 =	vadd.f32 v13, v2;
	v14 =	vld [tilespmem:s20+$0x9610];
	v1 =	vadd.f32 v4, v1;
	v4 =	vshll.u32 v12, $0x10  }
0x84: {  	v3 =	vadd.f32 v12, v3;
	v13 =	vld [tilespmem:s20+$0x9640];
	v0 =	vadd.f32 v4, v0;
	v4 =	vshll.u32 v16, $0x10  }
0x85: {  	v2 =	vadd.f32 v16, v2;
	v9 =	vld [tilespmem:s20+$0x9650];
	v1 =	vadd.f32 v4, v1;
	v4 =	vshll.u32 v7, $0x10  }
.Ltmp2:
0x86: {  	v3 =	vadd.f32 v7, v3;
	v6 =	vld [tilespmem:s20+$0x9680];
	v0 =	vadd.f32 v4, v0;
	v7 =	vshll.u32 v15, $0x10;
	(pc) =	sbr.rel @p0 .LBB2_7-.Ltmp2, $4  }
0x87: {  	v2 =	vadd.f32 v15, v2;
	v12 =	vshll.u32 v17, $0x10;
	v4 =	vld [tilespmem:s20+$0x9690];
	v1 =	vadd.f32 v7, v1  }
0x88: {  	v15 =	vadd.f32 v17, v8;
	v12 =	vadd.f32 v12, v11;
	v7 =	vshll.u32 v14, $0x10;
	v8 =	vld [tilespmem:s20+$0x96C0]  }
0x89: {  	v11 =	vadd.f32 v14, v5;
	v10 =	vadd.f32 v7, v10;
	v14 =	vshll.u32 v13, $0x10;
	v5 =	vld [tilespmem:s20+$0x96D0]  }
0x8a: {  	s21 =	sadd.s32 $0x400, s21;
	v13 =	vadd.f32 v13, v15;
	v7 =	vld [tilespmem:s20+$0x9620];
	v12 =	vadd.f32 v14, v12;
	v14 =	vshll.u32 v9, $0x10  }
0x8b: {  	v15 =	vld [tilespmem:s20+$0x9630];
	v10 =	vadd.f32 v14, v10;
	v9 =	vadd.f32 v9, v11;
	v11 =	vshll.u32 v6, $0x10  }
0x8c: {  	v14 =	vld [tilespmem:s20+$0x9660];
	v11 =	vadd.f32 v11, v12;
	v6 =	vadd.f32 v6, v13;
	v12 =	vshll.u32 v4, $0x10  }
0x8d: {  	v13 =	vld [tilespmem:s20+$0x9670];
	v10 =	vadd.f32 v12, v10;
	v4 =	vadd.f32 v4, v9;
	v9 =	vshll.u32 v8, $0x10  }
0x8e: {  	v12 =	vld [tilespmem:s20+$0x96A0];
	v11 =	vadd.f32 v9, v11;
	v6 =	vadd.f32 v8, v6;
	v8 =	vshll.u32 v5, $0x10  }
0x8f: {  	v16 =	vld [tilespmem:s20+$0x96B0];
	v9 =	vshll.u32 v7, $0x10;
	v10 =	vadd.f32 v8, v10;
	v5 =	vadd.f32 v5, v4  }
0x90: {  	v3 =	vadd.f32 v7, v3;
	v8 =	vld [tilespmem:s20+$0x96E0];
	v0 =	vadd.f32 v9, v0;
	v4 =	vshll.u32 v15, $0x10  }
0x91: {  	v2 =	vadd.f32 v15, v2;
	v9 =	vld [tilespmem:s20+$0x96F0];
	s20 =	simm.s32 $0x0;
	v1 =	vadd.f32 v4, v1;
	v4 =	vshll.u32 v14, $0x10  }
0x92: {  	v3 =	vadd.f32 v14, v3;
	v14 =	vld [tilespmem:s20+$0xB000];
	v0 =	vadd.f32 v4, v0;
	v4 =	vshll.u32 v13, $0x10  }
0x93: {  	v2 =	vadd.f32 v13, v2;
	v13 =	vld [tilespmem:s20+$0xB010];
	v1 =	vadd.f32 v4, v1;
	v4 =	vshll.u32 v12, $0x10  }
0x94: {  	v15 =	vld [tilespmem:s20+$0xB040];
	v3 =	vadd.f32 v12, v3;
	v0 =	vadd.f32 v4, v0;
	v4 =	vshll.u32 v16, $0x10  }
0x95: {  	v7 =	vld [tilespmem:s20+$0xB050];
	v1 =	vadd.f32 v4, v1;
	v4 =	vadd.f32 v16, v2;
	v2 =	vshll.u32 v8, $0x10  }
0x96: {  	v2 =	vadd.f32 v2, v0;
	v0 =	vadd.f32 v8, v3;
	v3 =	vshll.u32 v9, $0x10;
	v8 =	vld [tilespmem:s20+$0xB080]  }
0x97: {  	v3 =	vadd.f32 v3, v1;
	v1 =	vadd.f32 v9, v4;
	v4 =	vshll.u32 v14, $0x10;
	v9 =	vld [tilespmem:s20+$0xB090]  }
0x98: {  	v14 =	vadd.f32 v14, v6;
	v6 =	vshll.u32 v13, $0x10;
	v12 =	vadd.f32 v4, v11;
	v4 =	vld [tilespmem:s20+$0xB0C0]  }
0x99: {  	v10 =	vadd.f32 v6, v10;
	v11 =	vadd.f32 v13, v5;
	v13 =	vshll.u32 v15, $0x10;
	v5 =	vld [tilespmem:s20+$0xB0D0]  }
0x9a: {  	s21 =	simm.s32 $0x400;
	v6 =	vld [tilespmem:s20+$0xB020];
	v12 =	vadd.f32 v13, v12;
	v13 =	vadd.f32 v15, v14;
	v14 =	vshll.u32 v7, $0x10  }
.LBB2_9:
0x9b: {  	p0 =	sne.s32 s21, $0x5C00;
	v15 =	vld [tilespmem:s20+$0xB030];
	v10 =	vadd.f32 v14, v10;
	v7 =	vadd.f32 v7, v11;
	v11 =	vshll.u32 v8, $0x10  }
0x9c: {  	v14 =	vld [tilespmem:s20+$0xB060];
	v11 =	vadd.f32 v11, v12;
	v8 =	vadd.f32 v8, v13;
	v12 =	vshll.u32 v9, $0x10  }
0x9d: {  	v13 =	vld [tilespmem:s20+$0xB070];
	v10 =	vadd.f32 v12, v10;
	v7 =	vadd.f32 v9, v7;
	v9 =	vshll.u32 v4, $0x10  }
0x9e: {  	v12 =	vld [tilespmem:s20+$0xB0A0];
	v11 =	vadd.f32 v9, v11;
	v4 =	vadd.f32 v4, v8;
	v8 =	vshll.u32 v5, $0x10  }
0x9f: {  	v9 =	vshll.u32 v6, $0x10;
	v16 =	vld [tilespmem:s20+$0xB0B0];
	v10 =	vadd.f32 v8, v10;
	v5 =	vadd.f32 v5, v7  }
0xa0: {  	v0 =	vadd.f32 v6, v0;
	v2 =	vadd.f32 v9, v2;
	v6 =	vshll.u32 v15, $0x10;
	v9 =	vld [tilespmem:s20+$0xB0E0]  }
0xa1: {  	v1 =	vadd.f32 v15, v1;
	v3 =	vadd.f32 v6, v3;
	v6 =	vshll.u32 v14, $0x10;
	v15 =	vld [tilespmem:s20+$0xB0F0];
	s20 =	sshra.s32 s21, $0x2  }
0xa2: {  	v0 =	vadd.f32 v14, v0;
	v17 =	vld [tilespmem:s20+$0xB000];
	v2 =	vadd.f32 v6, v2;
	v6 =	vshll.u32 v13, $0x10  }
0xa3: {  	v1 =	vadd.f32 v13, v1;
	v14 =	vld [tilespmem:s20+$0xB010];
	v3 =	vadd.f32 v6, v3;
	v6 =	vshll.u32 v12, $0x10  }
0xa4: {  	v0 =	vadd.f32 v12, v0;
	v13 =	vld [tilespmem:s20+$0xB040];
	v2 =	vadd.f32 v6, v2;
	v6 =	vshll.u32 v16, $0x10  }
0xa5: {  	v1 =	vadd.f32 v16, v1;
	v7 =	vld [tilespmem:s20+$0xB050];
	v3 =	vadd.f32 v6, v3;
	v6 =	vshll.u32 v9, $0x10  }
.Ltmp3:
0xa6: {  	v0 =	vadd.f32 v9, v0;
	v8 =	vld [tilespmem:s20+$0xB080];
	v2 =	vadd.f32 v6, v2;
	v6 =	vshll.u32 v15, $0x10;
	(pc) =	sbr.rel @p0 .LBB2_9-.Ltmp3, $4  }
0xa7: {  	v1 =	vadd.f32 v15, v1;
	v12 =	vshll.u32 v17, $0x10;
	v9 =	vld [tilespmem:s20+$0xB090];
	v3 =	vadd.f32 v6, v3  }
0xa8: {  	v15 =	vadd.f32 v17, v4;
	v12 =	vadd.f32 v12, v11;
	v6 =	vshll.u32 v14, $0x10;
	v4 =	vld [tilespmem:s20+$0xB0C0]  }
0xa9: {  	v11 =	vadd.f32 v14, v5;
	v10 =	vadd.f32 v6, v10;
	v14 =	vshll.u32 v13, $0x10;
	v5 =	vld [tilespmem:s20+$0xB0D0]  }
0xaa: {  	s21 =	sadd.s32 $0x400, s21;
	v13 =	vadd.f32 v13, v15;
	v6 =	vld [tilespmem:s20+$0xB020];
	v12 =	vadd.f32 v14, v12;
	v14 =	vshll.u32 v7, $0x10  }
0xab: {  	v15 =	vld [tilespmem:s20+$0xB030];
	v10 =	vadd.f32 v14, v10;
	v7 =	vadd.f32 v7, v11;
	v47 =	vshll.u32 v8, $0x10  }
0xac: {  	v16 =	vld [tilespmem:s20+$0xB060];
	v11 =	vadd.f32 v47, v12;
	v49 =	vadd.f32 v8, v13;
	v50 =	vshll.u32 v9, $0x10  }
0xad: {  	v48 =	vld [tilespmem:s20+$0xB070];
	v10 =	vadd.f32 v50, v10;
	v7 =	vadd.f32 v9, v7;
	v17 =	vshll.u32 v4, $0x10  }
0xae: {  	v51 =	vld [tilespmem:s20+$0xB0A0];
	v11 =	vadd.f32 v17, v11;
	v19 =	vshll.u32 v5, $0x10;
	v62 =	vadd.f32 v4, v49  }
0xaf: {  	v53 =	vld [tilespmem:s20+$0xB0B0];
	v52 =	vshll.u32 v6, $0x10;
	v10 =	vadd.f32 v19, v10;
	v0 =	vadd.f32 v6, v0  }
0xb0: {  	v18 =	vld [tilespmem:s20+$0xB0E0];
	v63 =	vadd.f32 v5, v7;
	v2 =	vadd.f32 v52, v2;
	v54 =	vshll.u32 v15, $0x10  }
0xb1: {  	s19 =	sshll.u32 s19, $0x7;
	v55 =	vshll.u32 v16, $0x10;
	v1 =	vadd.f32 v15, v1;
	v0 =	vadd.f32 v16, v0  }
0xb2: {  	v56 =	vld [tilespmem:s20+$0xB0F0];
	s19 =	sand.u32 $0x3FFFFF80, s19;
	v57 =	vshll.u32 v48, $0x10;
	v3 =	vadd.f32 v54, v3;
	v2 =	vadd.f32 v55, v2  }
0xb3: {  	v58 =	vshll.u32 v51, $0x10;
	[tilespmem:s19+$0xC800] =	vst v11;
	v1 =	vadd.f32 v48, v1;
	v0 =	vadd.f32 v51, v0  }
0xb4: {  	s18 =	sadd.s32 $0x1, s18;
	v59 =	vshll.u32 v53, $0x10;
	[tilespmem:s19+$0xC840] =	vst v62;
	v3 =	vadd.f32 v57, v3;
	v2 =	vadd.f32 v58, v2  }
0xb5: {  	p0 =	sne.s32 s18, $0x40;
	v60 =	vshll.u32 v18, $0x10;
	[tilespmem:s19+$0xC810] =	vst v10;
	v1 =	vadd.f32 v53, v1;
	v0 =	vadd.f32 v18, v0  }
.Ltmp4:
0xb6: {  	[tilespmem:s19+$0xC850] =	vst v63;
	v3 =	vadd.f32 v59, v3;
	v2 =	vadd.f32 v60, v2;
	(pc) =	sbr.rel @p0 .LBB2_2-.Ltmp4, $4  }
0xb7: {  	v61 =	vshll.u32 v56, $0x10;
	v1 =	vadd.f32 v56, v1;
	[tilespmem:s19+$0xC860] =	vst v0  }
0xb8: {  	v3 =	vadd.f32 v61, v3;
	[tilespmem:s19+$0xC820] =	vst v2  }
0xb9: {  	[tilespmem:s19+$0xC870] =	vst v1  }
0xba: {  	[tilespmem:s19+$0xC830] =	vst v3  }
0xbb: {  	s17 =	sadd.s32 $0x1, s17  }
0xbc: {  	p0 =	sne.s32 s17, s6  }
.Ltmp5:
0xbd: {  	_ = 	snop;
	(pc) =	sbr.rel @p0 .LBB2_1-.Ltmp5, $4  }
0xbe: {  	[hbm4b:s5+s2] =	stream.linear.scatter [tilespmem:s16], [sflag:$0x3], $0x4000, $0x38;
	[tilespmem:$0x10800] =	vst v63  }
0xbf: {  	_ =	swait.ge [sflag:s7], $0x4000  }
0xc0: {  	[sflag:s7] =	ssyncset.done $0x0  }
0xc1: {  	[sflag:s7] =	ssyncadd.s32 $0xFFFFC000  }
0xc2: {  	_ =	sfence.sel $0x180000  }
0xc3: {  	[bflag:$0x0] =	sbarrier.arrive $0xFFFF  }
0xc4: {  	p0 =	sne.s32 s0, $0x0;
	_ =	strace $0x9000004A  }
0xc5: {  	s0 =	sadd.s32 @!p0 $0x100000, s1;
	[bflag:$0x2] =	sbarrier.arrive $0xFFFF  }
0xc6: {  	[sflag:s0] =	ssyncadd.tile.s32 @!p0 $0x1;
	_ =	shalt  }
.Lfunc_end2:
_tile_overlayer_lowered:
.L_overlay_start_2:
0xc7: {  	(tag) =	ssettag $0x2  }
0xc8: {  	s0 =	rddreg [dreg:$0x0];
	s2 =	stileid.u32  }
0xc9: {  	s1 =	rddreg [dreg:$0x1];
	p0 =	sne.s32 s2, $0x0  }
0xca: {  	s3 =	rddreg [dreg:$0x2];
	[bflag:$0x3] =	sbarrier.arrive $0xFFFF;
	s2 =	simm.s32 @!p0 $0x1C03  }
0xcb: {  	[timem:s3], [sflag:s2] =	dma.local @!p0 [hbm:s0], s1  }
0xcc: {  	s0 =	simm.s32 @!p0 $0x3  }
0xcd: {  	_ =	swait.ge @!p0 [sflag:s0], s1  }
0xce: {  	s1 =	ssub.s32 @!p0 $0x0, s1;
	[sflag:s0] =	ssyncset.done @!p0 $0x0  }
0xcf: {  	[sflag:s0] =	ssyncadd.s32 @!p0 s1  }
0xd0: {  	[bflag:$0x3] =	sbarrier.arrive $0xFFFF  }
0xd1: {  	_ =	shalt  }

</sc_bundles>
